<compile_context>
chip_gen: v7x
topology: tpu7x:2x2x1
jax: 0.10.2.dev20260603
libtpu: 0.0.44.dev20260713+nightly
codegen_flags: <defaults>
</compile_context>

<pallas_src>
import functools

import jax
import jax.numpy as jnp
from jax import lax
from jax.experimental import pallas as pl
from jax.experimental.pallas import tpu as pltpu
from jax.experimental.pallas import tpu_sc as plsc


def kernel(user_id, timestamp, user_table, time_table, buckets):
    B = user_id.shape[0]
    UD = user_table.shape[1]
    TD = time_table.shape[1]
    NB = buckets.shape[0]

    info = plsc.get_sparse_core_info()
    NC, NS, L = info.num_cores, info.num_subcores, info.num_lanes
    NW = NC * NS
    bpw = B // NW
    nq = 4
    qrows = bpw // nq
    qch = qrows // (2 * L)

    mesh = plsc.VectorSubcoreMesh(core_axis_name="c", subcore_axis_name="s")

    @functools.partial(
        pl.kernel,
        out_type=jax.ShapeDtypeStruct((2 * B, UD), jnp.float32),
        mesh=mesh,
        compiler_params=pltpu.CompilerParams(
            needs_layout_passes=False, use_tc_tiling_on_sc=False
        ),
        scratch_types=[
            pltpu.VMEM((bpw,), jnp.int32),
            pltpu.VMEM((bpw,), jnp.float32),
            pltpu.VMEM((NB,), jnp.float32),
            pltpu.VMEM((bpw,), jnp.int32),
            pltpu.VMEM((bpw,), jnp.int32),
            pltpu.VMEM((bpw,), jnp.int32),
            pltpu.VMEM((2 * bpw, UD), jnp.float32),
            pltpu.SemaphoreType.DMA,
            pltpu.SemaphoreType.DMA,
            pltpu.SemaphoreType.DMA,
        ],
    )
    def body(uid_hbm, ts_hbm, utab_hbm, ttab_hbm, bkt_hbm, out_hbm,
             uidx_v, ts_v, bkt_v, tidx_v, srowu_v, srowt_v, rows_v, sem_u,
             sem_t, sem_o):
        wid = lax.axis_index("s") * NC + lax.axis_index("c")
        base = wid * bpw
        iota = lax.iota(jnp.int32, L)

        pltpu.sync_copy(uid_hbm.at[pl.ds(base, bpw)], uidx_v)
        ucopy = pltpu.async_copy(utab_hbm.at[uidx_v], rows_v.at[pl.ds(0, bpw)],
                                 sem_u)

        pltpu.sync_copy(bkt_hbm, bkt_v)
        pltpu.sync_copy(ts_hbm.at[pl.ds(base, bpw)], ts_v)

        def search_pair(c, carry):
            v0 = ts_v[pl.ds(2 * c * L, L)]
            v1 = ts_v[pl.ds((2 * c + 1) * L, L)]
            a0 = jnp.zeros((L,), jnp.int32)
            a1 = jnp.zeros((L,), jnp.int32)
            k = NB
            while k >= 1:
                p0 = jnp.minimum(a0 + (k - 1), NB - 1)
                p1 = jnp.minimum(a1 + (k - 1), NB - 1)
                b0 = plsc.load_gather(bkt_v, [p0])
                b1 = plsc.load_gather(bkt_v, [p1])
                a0 = jnp.where((b0 <= v0) & (a0 + k <= NB), a0 + k, a0)
                a1 = jnp.where((b1 <= v1) & (a1 + k <= NB), a1 + k, a1)
                k //= 2
            tidx_v[pl.ds(2 * c * L, L)] = a0
            tidx_v[pl.ds((2 * c + 1) * L, L)] = a1
            s = (base + 2 * c * L) * 2 + iota * 2
            srowu_v[pl.ds(2 * c * L, L)] = s
            srowu_v[pl.ds((2 * c + 1) * L, L)] = s + 2 * L
            srowt_v[pl.ds(2 * c * L, L)] = s + 1
            srowt_v[pl.ds((2 * c + 1) * L, L)] = s + 2 * L + 1
            return carry

        tq = []
        for q in range(nq):
            lax.fori_loop(q * qch, (q + 1) * qch, search_pair, 0)
            tq.append(pltpu.async_copy(
                ttab_hbm.at[tidx_v.at[pl.ds(q * qrows, qrows)]],
                rows_v.at[pl.ds(bpw + q * qrows, qrows)], sem_t))

        ucopy.wait()
        oc_u = pltpu.async_copy(rows_v.at[pl.ds(0, bpw)],
                                out_hbm.at[srowu_v], sem_o)
        for cp in tq:
            cp.wait()
        oc_t = pltpu.async_copy(rows_v.at[pl.ds(bpw, bpw)],
                                out_hbm.at[srowt_v], sem_o)
        oc_u.wait()
        oc_t.wait()

    out2 = body(user_id, timestamp, user_table, time_table, buckets)
    return out2.reshape(B, UD + TD)

# --- scband reference (transcript-rebuilt; emitter-appended) ---
"""Pipeline reference for scband-user-model-31009663877810 (READ-ONLY COPY).

The authoritative reference and input builder live on the scoring server;
editing this copy changes nothing except your own understanding.
"""

import jax, jax.numpy as jnp
import numpy as np

VOCAB = 100000
N_BUCKETS = 2048
USER_DIM = 64
TIME_DIM = 64
BATCH = 16384


def setup_inputs(seed: int = 0) -> dict:
    key = jax.random.key(seed)
    k1, k2, k3, k4, k5 = jax.random.split(key, 5)
    # StringLookup maps raw user-id strings to integer ids in [0, VOCAB]; we model
    # the post-lookup integer ids directly (0 is the OOV index, hence VOCAB+1 rows).
    user_id = jax.random.randint(k1, (BATCH,), 0, VOCAB + 1, dtype=jnp.int32)
    timestamp = jax.random.uniform(k2, (BATCH,), dtype=jnp.float32)
    # Learned parameters
    user_table = jax.random.normal(k3, (VOCAB + 1, USER_DIM), dtype=jnp.float32) * 0.05
    time_table = jax.random.normal(k4, (N_BUCKETS + 1, TIME_DIM), dtype=jnp.float32) * 0.05
    # Discretization bucket boundaries (constant, sorted)
    buckets = jnp.sort(jax.random.uniform(k5, (N_BUCKETS,), dtype=jnp.float32))
    return {
        "user_id": user_id,
        "timestamp": timestamp,
        "user_table": user_table,
        "time_table": time_table,
        "buckets": buckets,
    }


def reference(user_id, timestamp, user_table, time_table, buckets):
    # user_embedding: StringLookup -> Embedding (lookup already applied -> gather)
    u = jnp.take(user_table, user_id, axis=0)  # [B, USER_DIM]
    # timestamp_embedding: Discretization (tf Bucketize semantics: value < b[0] -> 0,
    # b[i-1] <= v < b[i] -> i) == searchsorted side='right', then Embedding gather.
    idx = jnp.searchsorted(buckets, timestamp, side="right")  # values in [0, N_BUCKETS]
    t = jnp.take(time_table, idx, axis=0)  # [B, TIME_DIM]
    return jnp.concatenate([u, t], axis=1)  # [B, USER_DIM + TIME_DIM]

if __name__ == "__main__":
    import jax
    _d = setup_inputs()
    print(jax.jit(kernel)(*tuple(_d.values())))

</pallas_src>

<mosaic_0001>
#map = affine_map<(d0, d1) -> (0)>
#map1 = affine_map<(d0, d1) -> (0, 0)>
module attributes {stable_mosaic.version = 14 : i64} {
  func.func @body(%arg0: i32, %arg1: i32, %arg2: memref<16384xi32, #tpu.memory_space<hbm>>, %arg3: memref<16384xf32, #tpu.memory_space<hbm>>, %arg4: memref<100001x64xf32, #tpu.memory_space<hbm>>, %arg5: memref<2049x64xf32, #tpu.memory_space<hbm>>, %arg6: memref<2048xf32, #tpu.memory_space<hbm>>, %arg7: memref<32768x64xf32, #tpu.memory_space<hbm>>, %arg8: memref<512xi32, #tpu.memory_space<vmem>>, %arg9: memref<512xf32, #tpu.memory_space<vmem>>, %arg10: memref<2048xf32, #tpu.memory_space<vmem>>, %arg11: memref<512xi32, #tpu.memory_space<vmem>>, %arg12: memref<512xi32, #tpu.memory_space<vmem>>, %arg13: memref<512xi32, #tpu.memory_space<vmem>>, %arg14: memref<1024x64xf32, #tpu.memory_space<vmem>>, %arg15: memref<!tpu.dma_semaphore, #tpu.memory_space<semaphore_mem>>, %arg16: memref<!tpu.dma_semaphore, #tpu.memory_space<semaphore_mem>>, %arg17: memref<!tpu.dma_semaphore, #tpu.memory_space<semaphore_mem>>) attributes {dimension_semantics = [#tpu.dimension_semantics<core_parallel>, #tpu.dimension_semantics<subcore_parallel>], iteration_bounds = array<i64: 2, 16>, scalar_prefetch = 0 : i64, scratch_operands = 10 : i64, tpu.core_type = #tpu.core_type<sc_vector_subcore>, window_params = [{transform_indices = #map}, {transform_indices = #map}, {transform_indices = #map1}, {transform_indices = #map1}, {transform_indices = #map}, {transform_indices = #map1}]} {
    %mul3A = arith.constant 2 : i32
    %mul3A_0 = arith.muli %arg1, %mul3A : i32
    %add3A = arith.addi %mul3A_0, %arg0 : i32
    %mul3A_1 = arith.constant 512 : i32
    %mul3A_2 = arith.muli %add3A, %mul3A_1 : i32
    %iota3A = tpu.iota {dimensions = array<i32: 0>} : vector<16xi32>
    "tpu.region"() ({
      %run_scoped3A = tpu.sem_alloc : memref<!tpu.dma_semaphore, #tpu.memory_space<semaphore_mem>>
      %dma_start3A_124 = tpu.memref_slice %arg2[%mul3A_2] : memref<16384xi32, #tpu.memory_space<hbm>> -> memref<512xi32, #tpu.memory_space<hbm>>
      %dma_start3A_125 = tpu.memref_slice %arg2[%mul3A_2] : memref<16384xi32, #tpu.memory_space<hbm>> -> memref<512xi32, #tpu.memory_space<hbm>>
      tpu.enqueue_dma source(%dma_start3A_125 : memref<512xi32, #tpu.memory_space<hbm>>) target(%arg8 : memref<512xi32, #tpu.memory_space<vmem>>) target_semaphore(%run_scoped3A : memref<!tpu.dma_semaphore, #tpu.memory_space<semaphore_mem>>)
      %dma_wait3A_126 = tpu.memref_slice %arg2[%mul3A_2] : memref<16384xi32, #tpu.memory_space<hbm>> -> memref<512xi32, #tpu.memory_space<hbm>>
      %dma_wait3A_127 = tpu.memref_slice %arg2[%mul3A_2] : memref<16384xi32, #tpu.memory_space<hbm>> -> memref<512xi32, #tpu.memory_space<hbm>>
      tpu.wait_dma2 semaphore(%run_scoped3A : memref<!tpu.dma_semaphore, #tpu.memory_space<semaphore_mem>>) src(%dma_wait3A_127 : memref<512xi32, #tpu.memory_space<hbm>>) dst(%arg8 : memref<512xi32, #tpu.memory_space<vmem>>)
      tpu.yield
    }) : () -> ()
    %dma_start3A = arith.constant 0 : i32
    %dma_start3A_3 = arith.constant 0 : i32
    %dma_start3A_4 = tpu.memref_slice %arg14[%dma_start3A, %dma_start3A_3] : memref<1024x64xf32, #tpu.memory_space<vmem>> -> memref<512x64xf32, #tpu.memory_space<vmem>>
    %dma_start3A_5 = arith.constant 0 : i32
    %dma_start3A_6 = arith.constant 0 : i32
    %dma_start3A_7 = tpu.memref_slice %arg4[%dma_start3A_5, %dma_start3A_6] : memref<100001x64xf32, #tpu.memory_space<hbm>> -> memref<100001x64xf32, #tpu.memory_space<hbm>>
    tpu.enqueue_indirect_dma source(%dma_start3A_7 : memref<100001x64xf32, #tpu.memory_space<hbm>>) target(%dma_start3A_4 : memref<512x64xf32, #tpu.memory_space<vmem>>) offsets(%arg8 : memref<512xi32, #tpu.memory_space<vmem>>) semaphore(%arg15 : memref<!tpu.dma_semaphore, #tpu.memory_space<semaphore_mem>>)
    "tpu.region"() ({
      %run_scoped3A = tpu.sem_alloc : memref<!tpu.dma_semaphore, #tpu.memory_space<semaphore_mem>>
      tpu.enqueue_dma source(%arg6 : memref<2048xf32, #tpu.memory_space<hbm>>) target(%arg10 : memref<2048xf32, #tpu.memory_space<vmem>>) target_semaphore(%run_scoped3A : memref<!tpu.dma_semaphore, #tpu.memory_space<semaphore_mem>>)
      tpu.wait_dma2 semaphore(%run_scoped3A : memref<!tpu.dma_semaphore, #tpu.memory_space<semaphore_mem>>) src(%arg6 : memref<2048xf32, #tpu.memory_space<hbm>>) dst(%arg10 : memref<2048xf32, #tpu.memory_space<vmem>>)
      tpu.yield
    }) : () -> ()
    "tpu.region"() ({
      %run_scoped3A = tpu.sem_alloc : memref<!tpu.dma_semaphore, #tpu.memory_space<semaphore_mem>>
      %dma_start3A_124 = tpu.memref_slice %arg3[%mul3A_2] : memref<16384xf32, #tpu.memory_space<hbm>> -> memref<512xf32, #tpu.memory_space<hbm>>
      %dma_start3A_125 = tpu.memref_slice %arg3[%mul3A_2] : memref<16384xf32, #tpu.memory_space<hbm>> -> memref<512xf32, #tpu.memory_space<hbm>>
      tpu.enqueue_dma source(%dma_start3A_125 : memref<512xf32, #tpu.memory_space<hbm>>) target(%arg9 : memref<512xf32, #tpu.memory_space<vmem>>) target_semaphore(%run_scoped3A : memref<!tpu.dma_semaphore, #tpu.memory_space<semaphore_mem>>)
      %dma_wait3A_126 = tpu.memref_slice %arg3[%mul3A_2] : memref<16384xf32, #tpu.memory_space<hbm>> -> memref<512xf32, #tpu.memory_space<hbm>>
      %dma_wait3A_127 = tpu.memref_slice %arg3[%mul3A_2] : memref<16384xf32, #tpu.memory_space<hbm>> -> memref<512xf32, #tpu.memory_space<hbm>>
      tpu.wait_dma2 semaphore(%run_scoped3A : memref<!tpu.dma_semaphore, #tpu.memory_space<semaphore_mem>>) src(%dma_wait3A_127 : memref<512xf32, #tpu.memory_space<hbm>>) dst(%arg9 : memref<512xf32, #tpu.memory_space<vmem>>)
      tpu.yield
    }) : () -> ()
    %scan3A = arith.constant 0 : i32
    %scan3A_8 = arith.constant 0 : i32
    %scan3A_9 = arith.constant 4 : i32
    %scan3A_10 = arith.addi %scan3A_8, %scan3A_9 : i32
    %scan3A_11 = arith.constant 1 : i32
    scf.for %scan3A_124 = %scan3A_8 to %scan3A_10 step %scan3A_11  : i32 {
      %mul3A_125 = arith.constant 2 : i32
      %mul3A_126 = arith.muli %mul3A_125, %scan3A_124 : i32
      %mul3A_127 = arith.constant 16 : i32
      %mul3A_128 = arith.muli %mul3A_126, %mul3A_127 : i32
      %get3A = arith.index_cast %mul3A_128 : i32 to index
      %get3A_129 = tpu.vector_load %arg9[%get3A] {strides = array<i32>} : memref<512xf32, #tpu.memory_space<vmem>>, vector<16xf32>,
      %mul3A_130 = arith.constant 2 : i32
      %mul3A_131 = arith.muli %mul3A_130, %scan3A_124 : i32
      %add3A_132 = arith.constant 1 : i32
      %add3A_133 = arith.addi %mul3A_131, %add3A_132 : i32
      %mul3A_134 = arith.constant 16 : i32
      %mul3A_135 = arith.muli %add3A_133, %mul3A_134 : i32
      %get3A_136 = arith.index_cast %mul3A_135 : i32 to index
      %get3A_137 = tpu.vector_load %arg9[%get3A_136] {strides = array<i32>} : memref<512xf32, #tpu.memory_space<vmem>>, vector<16xf32>,
      %broadcast_in_dim3A = arith.constant 0 : i32
      %broadcast_in_dim3A_138 = vector.broadcast %broadcast_in_dim3A : i32 to vector<16xi32>
      %broadcast_in_dim3A_139 = arith.constant 0 : i32
      %broadcast_in_dim3A_140 = vector.broadcast %broadcast_in_dim3A_139 : i32 to vector<16xi32>
      %add3A_141 = arith.constant 2047 : i32
      %add3A_142 = vector.broadcast %add3A_141 : i32 to vector<16xi32>
      %add3A_143 = arith.addi %broadcast_in_dim3A_138, %add3A_142 : vector<16xi32>
      %min3A = arith.constant 2047 : i32
      %min3A_144 = vector.broadcast %min3A : i32 to vector<16xi32>
      %min3A_145 = arith.minsi %add3A_143, %min3A_144 : vector<16xi32>
      %add3A_146 = arith.constant 2047 : i32
      %add3A_147 = vector.broadcast %add3A_146 : i32 to vector<16xi32>
      %add3A_148 = arith.addi %broadcast_in_dim3A_140, %add3A_147 : vector<16xi32>
      %min3A_149 = arith.constant 2047 : i32
      %min3A_150 = vector.broadcast %min3A_149 : i32 to vector<16xi32>
      %min3A_151 = arith.minsi %add3A_148, %min3A_150 : vector<16xi32>
      %gather3A = tpu.vector_load_idx %arg10[%min3A_145] : memref<2048xf32, #tpu.memory_space<vmem>>[vector<16xi32>], vector<16xf32>,
      %gather3A_152 = tpu.vector_load_idx %arg10[%min3A_151] : memref<2048xf32, #tpu.memory_space<vmem>>[vector<16xi32>], vector<16xf32>,
      %le3A = arith.cmpf ole, %gather3A, %get3A_129 : vector<16xf32>
      %add3A_153 = arith.constant 2048 : i32
      %add3A_154 = vector.broadcast %add3A_153 : i32 to vector<16xi32>
      %add3A_155 = arith.addi %broadcast_in_dim3A_138, %add3A_154 : vector<16xi32>
      %le3A_156 = arith.constant 2048 : i32
      %le3A_157 = vector.broadcast %le3A_156 : i32 to vector<16xi32>
      %le3A_158 = arith.cmpi sle, %add3A_155, %le3A_157 : vector<16xi32>
      %and3A = arith.andi %le3A, %le3A_158 : vector<16xi1>
      %add3A_159 = arith.constant 2048 : i32
      %add3A_160 = vector.broadcast %add3A_159 : i32 to vector<16xi32>
      %add3A_161 = arith.addi %broadcast_in_dim3A_138, %add3A_160 : vector<16xi32>
      %select_n3A = arith.select %and3A, %add3A_161, %broadcast_in_dim3A_138 : vector<16xi1>, vector<16xi32>
      %le3A_162 = arith.cmpf ole, %gather3A_152, %get3A_137 : vector<16xf32>
      %add3A_163 = arith.constant 2048 : i32
      %add3A_164 = vector.broadcast %add3A_163 : i32 to vector<16xi32>
      %add3A_165 = arith.addi %broadcast_in_dim3A_140, %add3A_164 : vector<16xi32>
      %le3A_166 = arith.constant 2048 : i32
      %le3A_167 = vector.broadcast %le3A_166 : i32 to vector<16xi32>
      %le3A_168 = arith.cmpi sle, %add3A_165, %le3A_167 : vector<16xi32>
      %and3A_169 = arith.andi %le3A_162, %le3A_168 : vector<16xi1>
      %add3A_170 = arith.constant 2048 : i32
      %add3A_171 = vector.broadcast %add3A_170 : i32 to vector<16xi32>
      %add3A_172 = arith.addi %broadcast_in_dim3A_140, %add3A_171 : vector<16xi32>
      %select_n3A_173 = arith.select %and3A_169, %add3A_172, %broadcast_in_dim3A_140 : vector<16xi1>, vector<16xi32>
      %add3A_174 = arith.constant 1023 : i32
      %add3A_175 = vector.broadcast %add3A_174 : i32 to vector<16xi32>
      %add3A_176 = arith.addi %select_n3A, %add3A_175 : vector<16xi32>
      %min3A_177 = arith.constant 2047 : i32
      %min3A_178 = vector.broadcast %min3A_177 : i32 to vector<16xi32>
      %min3A_179 = arith.minsi %add3A_176, %min3A_178 : vector<16xi32>
      %add3A_180 = arith.constant 1023 : i32
      %add3A_181 = vector.broadcast %add3A_180 : i32 to vector<16xi32>
      %add3A_182 = arith.addi %select_n3A_173, %add3A_181 : vector<16xi32>
      %min3A_183 = arith.constant 2047 : i32
      %min3A_184 = vector.broadcast %min3A_183 : i32 to vector<16xi32>
      %min3A_185 = arith.minsi %add3A_182, %min3A_184 : vector<16xi32>
      %gather3A_186 = tpu.vector_load_idx %arg10[%min3A_179] : memref<2048xf32, #tpu.memory_space<vmem>>[vector<16xi32>], vector<16xf32>,
      %gather3A_187 = tpu.vector_load_idx %arg10[%min3A_185] : memref<2048xf32, #tpu.memory_space<vmem>>[vector<16xi32>], vector<16xf32>,
      %le3A_188 = arith.cmpf ole, %gather3A_186, %get3A_129 : vector<16xf32>
      %add3A_189 = arith.constant 1024 : i32
      %add3A_190 = vector.broadcast %add3A_189 : i32 to vector<16xi32>
      %add3A_191 = arith.addi %select_n3A, %add3A_190 : vector<16xi32>
      %le3A_192 = arith.constant 2048 : i32
      %le3A_193 = vector.broadcast %le3A_192 : i32 to vector<16xi32>
      %le3A_194 = arith.cmpi sle, %add3A_191, %le3A_193 : vector<16xi32>
      %and3A_195 = arith.andi %le3A_188, %le3A_194 : vector<16xi1>
      %add3A_196 = arith.constant 1024 : i32
      %add3A_197 = vector.broadcast %add3A_196 : i32 to vector<16xi32>
      %add3A_198 = arith.addi %select_n3A, %add3A_197 : vector<16xi32>
      %select_n3A_199 = arith.select %and3A_195, %add3A_198, %select_n3A : vector<16xi1>, vector<16xi32>
      %le3A_200 = arith.cmpf ole, %gather3A_187, %get3A_137 : vector<16xf32>
      %add3A_201 = arith.constant 1024 : i32
      %add3A_202 = vector.broadcast %add3A_201 : i32 to vector<16xi32>
      %add3A_203 = arith.addi %select_n3A_173, %add3A_202 : vector<16xi32>
      %le3A_204 = arith.constant 2048 : i32
      %le3A_205 = vector.broadcast %le3A_204 : i32 to vector<16xi32>
      %le3A_206 = arith.cmpi sle, %add3A_203, %le3A_205 : vector<16xi32>
      %and3A_207 = arith.andi %le3A_200, %le3A_206 : vector<16xi1>
      %add3A_208 = arith.constant 1024 : i32
      %add3A_209 = vector.broadcast %add3A_208 : i32 to vector<16xi32>
      %add3A_210 = arith.addi %select_n3A_173, %add3A_209 : vector<16xi32>
      %select_n3A_211 = arith.select %and3A_207, %add3A_210, %select_n3A_173 : vector<16xi1>, vector<16xi32>
      %add3A_212 = arith.constant 511 : i32
      %add3A_213 = vector.broadcast %add3A_212 : i32 to vector<16xi32>
      %add3A_214 = arith.addi %select_n3A_199, %add3A_213 : vector<16xi32>
      %min3A_215 = arith.constant 2047 : i32
      %min3A_216 = vector.broadcast %min3A_215 : i32 to vector<16xi32>
      %min3A_217 = arith.minsi %add3A_214, %min3A_216 : vector<16xi32>
      %add3A_218 = arith.constant 511 : i32
      %add3A_219 = vector.broadcast %add3A_218 : i32 to vector<16xi32>
      %add3A_220 = arith.addi %select_n3A_211, %add3A_219 : vector<16xi32>
      %min3A_221 = arith.constant 2047 : i32
      %min3A_222 = vector.broadcast %min3A_221 : i32 to vector<16xi32>
      %min3A_223 = arith.minsi %add3A_220, %min3A_222 : vector<16xi32>
      %gather3A_224 = tpu.vector_load_idx %arg10[%min3A_217] : memref<2048xf32, #tpu.memory_space<vmem>>[vector<16xi32>], vector<16xf32>,
      %gather3A_225 = tpu.vector_load_idx %arg10[%min3A_223] : memref<2048xf32, #tpu.memory_space<vmem>>[vector<16xi32>], vector<16xf32>,
      %le3A_226 = arith.cmpf ole, %gather3A_224, %get3A_129 : vector<16xf32>
      %add3A_227 = arith.constant 512 : i32
      %add3A_228 = vector.broadcast %add3A_227 : i32 to vector<16xi32>
      %add3A_229 = arith.addi %select_n3A_199, %add3A_228 : vector<16xi32>
      %le3A_230 = arith.constant 2048 : i32
      %le3A_231 = vector.broadcast %le3A_230 : i32 to vector<16xi32>
      %le3A_232 = arith.cmpi sle, %add3A_229, %le3A_231 : vector<16xi32>
      %and3A_233 = arith.andi %le3A_226, %le3A_232 : vector<16xi1>
      %add3A_234 = arith.constant 512 : i32
      %add3A_235 = vector.broadcast %add3A_234 : i32 to vector<16xi32>
      %add3A_236 = arith.addi %select_n3A_199, %add3A_235 : vector<16xi32>
      %select_n3A_237 = arith.select %and3A_233, %add3A_236, %select_n3A_199 : vector<16xi1>, vector<16xi32>
      %le3A_238 = arith.cmpf ole, %gather3A_225, %get3A_137 : vector<16xf32>
      %add3A_239 = arith.constant 512 : i32
      %add3A_240 = vector.broadcast %add3A_239 : i32 to vector<16xi32>
      %add3A_241 = arith.addi %select_n3A_211, %add3A_240 : vector<16xi32>
      %le3A_242 = arith.constant 2048 : i32
      %le3A_243 = vector.broadcast %le3A_242 : i32 to vector<16xi32>
      %le3A_244 = arith.cmpi sle, %add3A_241, %le3A_243 : vector<16xi32>
      %and3A_245 = arith.andi %le3A_238, %le3A_244 : vector<16xi1>
      %add3A_246 = arith.constant 512 : i32
      %add3A_247 = vector.broadcast %add3A_246 : i32 to vector<16xi32>
      %add3A_248 = arith.addi %select_n3A_211, %add3A_247 : vector<16xi32>
      %select_n3A_249 = arith.select %and3A_245, %add3A_248, %select_n3A_211 : vector<16xi1>, vector<16xi32>
      %add3A_250 = arith.constant 255 : i32
      %add3A_251 = vector.broadcast %add3A_250 : i32 to vector<16xi32>
      %add3A_252 = arith.addi %select_n3A_237, %add3A_251 : vector<16xi32>
      %min3A_253 = arith.constant 2047 : i32
      %min3A_254 = vector.broadcast %min3A_253 : i32 to vector<16xi32>
      %min3A_255 = arith.minsi %add3A_252, %min3A_254 : vector<16xi32>
      %add3A_256 = arith.constant 255 : i32
      %add3A_257 = vector.broadcast %add3A_256 : i32 to vector<16xi32>
      %add3A_258 = arith.addi %select_n3A_249, %add3A_257 : vector<16xi32>
      %min3A_259 = arith.constant 2047 : i32
      %min3A_260 = vector.broadcast %min3A_259 : i32 to vector<16xi32>
      %min3A_261 = arith.minsi %add3A_258, %min3A_260 : vector<16xi32>
      %gather3A_262 = tpu.vector_load_idx %arg10[%min3A_255] : memref<2048xf32, #tpu.memory_space<vmem>>[vector<16xi32>], vector<16xf32>,
      %gather3A_263 = tpu.vector_load_idx %arg10[%min3A_261] : memref<2048xf32, #tpu.memory_space<vmem>>[vector<16xi32>], vector<16xf32>,
      %le3A_264 = arith.cmpf ole, %gather3A_262, %get3A_129 : vector<16xf32>
      %add3A_265 = arith.constant 256 : i32
      %add3A_266 = vector.broadcast %add3A_265 : i32 to vector<16xi32>
      %add3A_267 = arith.addi %select_n3A_237, %add3A_266 : vector<16xi32>
      %le3A_268 = arith.constant 2048 : i32
      %le3A_269 = vector.broadcast %le3A_268 : i32 to vector<16xi32>
      %le3A_270 = arith.cmpi sle, %add3A_267, %le3A_269 : vector<16xi32>
      %and3A_271 = arith.andi %le3A_264, %le3A_270 : vector<16xi1>
      %add3A_272 = arith.constant 256 : i32
      %add3A_273 = vector.broadcast %add3A_272 : i32 to vector<16xi32>
      %add3A_274 = arith.addi %select_n3A_237, %add3A_273 : vector<16xi32>
      %select_n3A_275 = arith.select %and3A_271, %add3A_274, %select_n3A_237 : vector<16xi1>, vector<16xi32>
      %le3A_276 = arith.cmpf ole, %gather3A_263, %get3A_137 : vector<16xf32>
      %add3A_277 = arith.constant 256 : i32
      %add3A_278 = vector.broadcast %add3A_277 : i32 to vector<16xi32>
      %add3A_279 = arith.addi %select_n3A_249, %add3A_278 : vector<16xi32>
      %le3A_280 = arith.constant 2048 : i32
      %le3A_281 = vector.broadcast %le3A_280 : i32 to vector<16xi32>
      %le3A_282 = arith.cmpi sle, %add3A_279, %le3A_281 : vector<16xi32>
      %and3A_283 = arith.andi %le3A_276, %le3A_282 : vector<16xi1>
      %add3A_284 = arith.constant 256 : i32
      %add3A_285 = vector.broadcast %add3A_284 : i32 to vector<16xi32>
      %add3A_286 = arith.addi %select_n3A_249, %add3A_285 : vector<16xi32>
      %select_n3A_287 = arith.select %and3A_283, %add3A_286, %select_n3A_249 : vector<16xi1>, vector<16xi32>
      %add3A_288 = arith.constant 127 : i32
      %add3A_289 = vector.broadcast %add3A_288 : i32 to vector<16xi32>
      %add3A_290 = arith.addi %select_n3A_275, %add3A_289 : vector<16xi32>
      %min3A_291 = arith.constant 2047 : i32
      %min3A_292 = vector.broadcast %min3A_291 : i32 to vector<16xi32>
      %min3A_293 = arith.minsi %add3A_290, %min3A_292 : vector<16xi32>
      %add3A_294 = arith.constant 127 : i32
      %add3A_295 = vector.broadcast %add3A_294 : i32 to vector<16xi32>
      %add3A_296 = arith.addi %select_n3A_287, %add3A_295 : vector<16xi32>
      %min3A_297 = arith.constant 2047 : i32
      %min3A_298 = vector.broadcast %min3A_297 : i32 to vector<16xi32>
      %min3A_299 = arith.minsi %add3A_296, %min3A_298 : vector<16xi32>
      %gather3A_300 = tpu.vector_load_idx %arg10[%min3A_293] : memref<2048xf32, #tpu.memory_space<vmem>>[vector<16xi32>], vector<16xf32>,
      %gather3A_301 = tpu.vector_load_idx %arg10[%min3A_299] : memref<2048xf32, #tpu.memory_space<vmem>>[vector<16xi32>], vector<16xf32>,
      %le3A_302 = arith.cmpf ole, %gather3A_300, %get3A_129 : vector<16xf32>
      %add3A_303 = arith.constant 128 : i32
      %add3A_304 = vector.broadcast %add3A_303 : i32 to vector<16xi32>
      %add3A_305 = arith.addi %select_n3A_275, %add3A_304 : vector<16xi32>
      %le3A_306 = arith.constant 2048 : i32
      %le3A_307 = vector.broadcast %le3A_306 : i32 to vector<16xi32>
      %le3A_308 = arith.cmpi sle, %add3A_305, %le3A_307 : vector<16xi32>
      %and3A_309 = arith.andi %le3A_302, %le3A_308 : vector<16xi1>
      %add3A_310 = arith.constant 128 : i32
      %add3A_311 = vector.broadcast %add3A_310 : i32 to vector<16xi32>
      %add3A_312 = arith.addi %select_n3A_275, %add3A_311 : vector<16xi32>
      %select_n3A_313 = arith.select %and3A_309, %add3A_312, %select_n3A_275 : vector<16xi1>, vector<16xi32>
      %le3A_314 = arith.cmpf ole, %gather3A_301, %get3A_137 : vector<16xf32>
      %add3A_315 = arith.constant 128 : i32
      %add3A_316 = vector.broadcast %add3A_315 : i32 to vector<16xi32>
      %add3A_317 = arith.addi %select_n3A_287, %add3A_316 : vector<16xi32>
      %le3A_318 = arith.constant 2048 : i32
      %le3A_319 = vector.broadcast %le3A_318 : i32 to vector<16xi32>
      %le3A_320 = arith.cmpi sle, %add3A_317, %le3A_319 : vector<16xi32>
      %and3A_321 = arith.andi %le3A_314, %le3A_320 : vector<16xi1>
      %add3A_322 = arith.constant 128 : i32
      %add3A_323 = vector.broadcast %add3A_322 : i32 to vector<16xi32>
      %add3A_324 = arith.addi %select_n3A_287, %add3A_323 : vector<16xi32>
      %select_n3A_325 = arith.select %and3A_321, %add3A_324, %select_n3A_287 : vector<16xi1>, vector<16xi32>
      %add3A_326 = arith.constant 63 : i32
      %add3A_327 = vector.broadcast %add3A_326 : i32 to vector<16xi32>
      %add3A_328 = arith.addi %select_n3A_313, %add3A_327 : vector<16xi32>
      %min3A_329 = arith.constant 2047 : i32
      %min3A_330 = vector.broadcast %min3A_329 : i32 to vector<16xi32>
      %min3A_331 = arith.minsi %add3A_328, %min3A_330 : vector<16xi32>
      %add3A_332 = arith.constant 63 : i32
      %add3A_333 = vector.broadcast %add3A_332 : i32 to vector<16xi32>
      %add3A_334 = arith.addi %select_n3A_325, %add3A_333 : vector<16xi32>
      %min3A_335 = arith.constant 2047 : i32
      %min3A_336 = vector.broadcast %min3A_335 : i32 to vector<16xi32>
      %min3A_337 = arith.minsi %add3A_334, %min3A_336 : vector<16xi32>
      %gather3A_338 = tpu.vector_load_idx %arg10[%min3A_331] : memref<2048xf32, #tpu.memory_space<vmem>>[vector<16xi32>], vector<16xf32>,
      %gather3A_339 = tpu.vector_load_idx %arg10[%min3A_337] : memref<2048xf32, #tpu.memory_space<vmem>>[vector<16xi32>], vector<16xf32>,
      %le3A_340 = arith.cmpf ole, %gather3A_338, %get3A_129 : vector<16xf32>
      %add3A_341 = arith.constant 64 : i32
      %add3A_342 = vector.broadcast %add3A_341 : i32 to vector<16xi32>
      %add3A_343 = arith.addi %select_n3A_313, %add3A_342 : vector<16xi32>
      %le3A_344 = arith.constant 2048 : i32
      %le3A_345 = vector.broadcast %le3A_344 : i32 to vector<16xi32>
      %le3A_346 = arith.cmpi sle, %add3A_343, %le3A_345 : vector<16xi32>
      %and3A_347 = arith.andi %le3A_340, %le3A_346 : vector<16xi1>
      %add3A_348 = arith.constant 64 : i32
      %add3A_349 = vector.broadcast %add3A_348 : i32 to vector<16xi32>
      %add3A_350 = arith.addi %select_n3A_313, %add3A_349 : vector<16xi32>
      %select_n3A_351 = arith.select %and3A_347, %add3A_350, %select_n3A_313 : vector<16xi1>, vector<16xi32>
      %le3A_352 = arith.cmpf ole, %gather3A_339, %get3A_137 : vector<16xf32>
      %add3A_353 = arith.constant 64 : i32
      %add3A_354 = vector.broadcast %add3A_353 : i32 to vector<16xi32>
      %add3A_355 = arith.addi %select_n3A_325, %add3A_354 : vector<16xi32>
      %le3A_356 = arith.constant 2048 : i32
      %le3A_357 = vector.broadcast %le3A_356 : i32 to vector<16xi32>
      %le3A_358 = arith.cmpi sle, %add3A_355, %le3A_357 : vector<16xi32>
      %and3A_359 = arith.andi %le3A_352, %le3A_358 : vector<16xi1>
      %add3A_360 = arith.constant 64 : i32
      %add3A_361 = vector.broadcast %add3A_360 : i32 to vector<16xi32>
      %add3A_362 = arith.addi %select_n3A_325, %add3A_361 : vector<16xi32>
      %select_n3A_363 = arith.select %and3A_359, %add3A_362, %select_n3A_325 : vector<16xi1>, vector<16xi32>
      %add3A_364 = arith.constant 31 : i32
      %add3A_365 = vector.broadcast %add3A_364 : i32 to vector<16xi32>
      %add3A_366 = arith.addi %select_n3A_351, %add3A_365 : vector<16xi32>
      %min3A_367 = arith.constant 2047 : i32
      %min3A_368 = vector.broadcast %min3A_367 : i32 to vector<16xi32>
      %min3A_369 = arith.minsi %add3A_366, %min3A_368 : vector<16xi32>
      %add3A_370 = arith.constant 31 : i32
      %add3A_371 = vector.broadcast %add3A_370 : i32 to vector<16xi32>
      %add3A_372 = arith.addi %select_n3A_363, %add3A_371 : vector<16xi32>
      %min3A_373 = arith.constant 2047 : i32
      %min3A_374 = vector.broadcast %min3A_373 : i32 to vector<16xi32>
      %min3A_375 = arith.minsi %add3A_372, %min3A_374 : vector<16xi32>
      %gather3A_376 = tpu.vector_load_idx %arg10[%min3A_369] : memref<2048xf32, #tpu.memory_space<vmem>>[vector<16xi32>], vector<16xf32>,
      %gather3A_377 = tpu.vector_load_idx %arg10[%min3A_375] : memref<2048xf32, #tpu.memory_space<vmem>>[vector<16xi32>], vector<16xf32>,
      %le3A_378 = arith.cmpf ole, %gather3A_376, %get3A_129 : vector<16xf32>
      %add3A_379 = arith.constant 32 : i32
      %add3A_380 = vector.broadcast %add3A_379 : i32 to vector<16xi32>
      %add3A_381 = arith.addi %select_n3A_351, %add3A_380 : vector<16xi32>
      %le3A_382 = arith.constant 2048 : i32
      %le3A_383 = vector.broadcast %le3A_382 : i32 to vector<16xi32>
      %le3A_384 = arith.cmpi sle, %add3A_381, %le3A_383 : vector<16xi32>
      %and3A_385 = arith.andi %le3A_378, %le3A_384 : vector<16xi1>
      %add3A_386 = arith.constant 32 : i32
      %add3A_387 = vector.broadcast %add3A_386 : i32 to vector<16xi32>
      %add3A_388 = arith.addi %select_n3A_351, %add3A_387 : vector<16xi32>
      %select_n3A_389 = arith.select %and3A_385, %add3A_388, %select_n3A_351 : vector<16xi1>, vector<16xi32>
      %le3A_390 = arith.cmpf ole, %gather3A_377, %get3A_137 : vector<16xf32>
      %add3A_391 = arith.constant 32 : i32
      %add3A_392 = vector.broadcast %add3A_391 : i32 to vector<16xi32>
      %add3A_393 = arith.addi %select_n3A_363, %add3A_392 : vector<16xi32>
      %le3A_394 = arith.constant 2048 : i32
      %le3A_395 = vector.broadcast %le3A_394 : i32 to vector<16xi32>
      %le3A_396 = arith.cmpi sle, %add3A_393, %le3A_395 : vector<16xi32>
      %and3A_397 = arith.andi %le3A_390, %le3A_396 : vector<16xi1>
      %add3A_398 = arith.constant 32 : i32
      %add3A_399 = vector.broadcast %add3A_398 : i32 to vector<16xi32>
      %add3A_400 = arith.addi %select_n3A_363, %add3A_399 : vector<16xi32>
      %select_n3A_401 = arith.select %and3A_397, %add3A_400, %select_n3A_363 : vector<16xi1>, vector<16xi32>
      %add3A_402 = arith.constant 15 : i32
      %add3A_403 = vector.broadcast %add3A_402 : i32 to vector<16xi32>
      %add3A_404 = arith.addi %select_n3A_389, %add3A_403 : vector<16xi32>
      %min3A_405 = arith.constant 2047 : i32
      %min3A_406 = vector.broadcast %min3A_405 : i32 to vector<16xi32>
      %min3A_407 = arith.minsi %add3A_404, %min3A_406 : vector<16xi32>
      %add3A_408 = arith.constant 15 : i32
      %add3A_409 = vector.broadcast %add3A_408 : i32 to vector<16xi32>
      %add3A_410 = arith.addi %select_n3A_401, %add3A_409 : vector<16xi32>
      %min3A_411 = arith.constant 2047 : i32
      %min3A_412 = vector.broadcast %min3A_411 : i32 to vector<16xi32>
      %min3A_413 = arith.minsi %add3A_410, %min3A_412 : vector<16xi32>
      %gather3A_414 = tpu.vector_load_idx %arg10[%min3A_407] : memref<2048xf32, #tpu.memory_space<vmem>>[vector<16xi32>], vector<16xf32>,
      %gather3A_415 = tpu.vector_load_idx %arg10[%min3A_413] : memref<2048xf32, #tpu.memory_space<vmem>>[vector<16xi32>], vector<16xf32>,
      %le3A_416 = arith.cmpf ole, %gather3A_414, %get3A_129 : vector<16xf32>
      %add3A_417 = arith.constant 16 : i32
      %add3A_418 = vector.broadcast %add3A_417 : i32 to vector<16xi32>
      %add3A_419 = arith.addi %select_n3A_389, %add3A_418 : vector<16xi32>
      %le3A_420 = arith.constant 2048 : i32
      %le3A_421 = vector.broadcast %le3A_420 : i32 to vector<16xi32>
      %le3A_422 = arith.cmpi sle, %add3A_419, %le3A_421 : vector<16xi32>
      %and3A_423 = arith.andi %le3A_416, %le3A_422 : vector<16xi1>
      %add3A_424 = arith.constant 16 : i32
      %add3A_425 = vector.broadcast %add3A_424 : i32 to vector<16xi32>
      %add3A_426 = arith.addi %select_n3A_389, %add3A_425 : vector<16xi32>
      %select_n3A_427 = arith.select %and3A_423, %add3A_426, %select_n3A_389 : vector<16xi1>, vector<16xi32>
      %le3A_428 = arith.cmpf ole, %gather3A_415, %get3A_137 : vector<16xf32>
      %add3A_429 = arith.constant 16 : i32
      %add3A_430 = vector.broadcast %add3A_429 : i32 to vector<16xi32>
      %add3A_431 = arith.addi %select_n3A_401, %add3A_430 : vector<16xi32>
      %le3A_432 = arith.constant 2048 : i32
      %le3A_433 = vector.broadcast %le3A_432 : i32 to vector<16xi32>
      %le3A_434 = arith.cmpi sle, %add3A_431, %le3A_433 : vector<16xi32>
      %and3A_435 = arith.andi %le3A_428, %le3A_434 : vector<16xi1>
      %add3A_436 = arith.constant 16 : i32
      %add3A_437 = vector.broadcast %add3A_436 : i32 to vector<16xi32>
      %add3A_438 = arith.addi %select_n3A_401, %add3A_437 : vector<16xi32>
      %select_n3A_439 = arith.select %and3A_435, %add3A_438, %select_n3A_401 : vector<16xi1>, vector<16xi32>
      %add3A_440 = arith.constant 7 : i32
      %add3A_441 = vector.broadcast %add3A_440 : i32 to vector<16xi32>
      %add3A_442 = arith.addi %select_n3A_427, %add3A_441 : vector<16xi32>
      %min3A_443 = arith.constant 2047 : i32
      %min3A_444 = vector.broadcast %min3A_443 : i32 to vector<16xi32>
      %min3A_445 = arith.minsi %add3A_442, %min3A_444 : vector<16xi32>
      %add3A_446 = arith.constant 7 : i32
      %add3A_447 = vector.broadcast %add3A_446 : i32 to vector<16xi32>
      %add3A_448 = arith.addi %select_n3A_439, %add3A_447 : vector<16xi32>
      %min3A_449 = arith.constant 2047 : i32
      %min3A_450 = vector.broadcast %min3A_449 : i32 to vector<16xi32>
      %min3A_451 = arith.minsi %add3A_448, %min3A_450 : vector<16xi32>
      %gather3A_452 = tpu.vector_load_idx %arg10[%min3A_445] : memref<2048xf32, #tpu.memory_space<vmem>>[vector<16xi32>], vector<16xf32>,
      %gather3A_453 = tpu.vector_load_idx %arg10[%min3A_451] : memref<2048xf32, #tpu.memory_space<vmem>>[vector<16xi32>], vector<16xf32>,
      %le3A_454 = arith.cmpf ole, %gather3A_452, %get3A_129 : vector<16xf32>
      %add3A_455 = arith.constant 8 : i32
      %add3A_456 = vector.broadcast %add3A_455 : i32 to vector<16xi32>
      %add3A_457 = arith.addi %select_n3A_427, %add3A_456 : vector<16xi32>
      %le3A_458 = arith.constant 2048 : i32
      %le3A_459 = vector.broadcast %le3A_458 : i32 to vector<16xi32>
      %le3A_460 = arith.cmpi sle, %add3A_457, %le3A_459 : vector<16xi32>
      %and3A_461 = arith.andi %le3A_454, %le3A_460 : vector<16xi1>
      %add3A_462 = arith.constant 8 : i32
      %add3A_463 = vector.broadcast %add3A_462 : i32 to vector<16xi32>
      %add3A_464 = arith.addi %select_n3A_427, %add3A_463 : vector<16xi32>
      %select_n3A_465 = arith.select %and3A_461, %add3A_464, %select_n3A_427 : vector<16xi1>, vector<16xi32>
      %le3A_466 = arith.cmpf ole, %gather3A_453, %get3A_137 : vector<16xf32>
      %add3A_467 = arith.constant 8 : i32
      %add3A_468 = vector.broadcast %add3A_467 : i32 to vector<16xi32>
      %add3A_469 = arith.addi %select_n3A_439, %add3A_468 : vector<16xi32>
      %le3A_470 = arith.constant 2048 : i32
      %le3A_471 = vector.broadcast %le3A_470 : i32 to vector<16xi32>
      %le3A_472 = arith.cmpi sle, %add3A_469, %le3A_471 : vector<16xi32>
      %and3A_473 = arith.andi %le3A_466, %le3A_472 : vector<16xi1>
      %add3A_474 = arith.constant 8 : i32
      %add3A_475 = vector.broadcast %add3A_474 : i32 to vector<16xi32>
      %add3A_476 = arith.addi %select_n3A_439, %add3A_475 : vector<16xi32>
      %select_n3A_477 = arith.select %and3A_473, %add3A_476, %select_n3A_439 : vector<16xi1>, vector<16xi32>
      %add3A_478 = arith.constant 3 : i32
      %add3A_479 = vector.broadcast %add3A_478 : i32 to vector<16xi32>
      %add3A_480 = arith.addi %select_n3A_465, %add3A_479 : vector<16xi32>
      %min3A_481 = arith.constant 2047 : i32
      %min3A_482 = vector.broadcast %min3A_481 : i32 to vector<16xi32>
      %min3A_483 = arith.minsi %add3A_480, %min3A_482 : vector<16xi32>
      %add3A_484 = arith.constant 3 : i32
      %add3A_485 = vector.broadcast %add3A_484 : i32 to vector<16xi32>
      %add3A_486 = arith.addi %select_n3A_477, %add3A_485 : vector<16xi32>
      %min3A_487 = arith.constant 2047 : i32
      %min3A_488 = vector.broadcast %min3A_487 : i32 to vector<16xi32>
      %min3A_489 = arith.minsi %add3A_486, %min3A_488 : vector<16xi32>
      %gather3A_490 = tpu.vector_load_idx %arg10[%min3A_483] : memref<2048xf32, #tpu.memory_space<vmem>>[vector<16xi32>], vector<16xf32>,
      %gather3A_491 = tpu.vector_load_idx %arg10[%min3A_489] : memref<2048xf32, #tpu.memory_space<vmem>>[vector<16xi32>], vector<16xf32>,
      %le3A_492 = arith.cmpf ole, %gather3A_490, %get3A_129 : vector<16xf32>
      %add3A_493 = arith.constant 4 : i32
      %add3A_494 = vector.broadcast %add3A_493 : i32 to vector<16xi32>
      %add3A_495 = arith.addi %select_n3A_465, %add3A_494 : vector<16xi32>
      %le3A_496 = arith.constant 2048 : i32
      %le3A_497 = vector.broadcast %le3A_496 : i32 to vector<16xi32>
      %le3A_498 = arith.cmpi sle, %add3A_495, %le3A_497 : vector<16xi32>
      %and3A_499 = arith.andi %le3A_492, %le3A_498 : vector<16xi1>
      %add3A_500 = arith.constant 4 : i32
      %add3A_501 = vector.broadcast %add3A_500 : i32 to vector<16xi32>
      %add3A_502 = arith.addi %select_n3A_465, %add3A_501 : vector<16xi32>
      %select_n3A_503 = arith.select %and3A_499, %add3A_502, %select_n3A_465 : vector<16xi1>, vector<16xi32>
      %le3A_504 = arith.cmpf ole, %gather3A_491, %get3A_137 : vector<16xf32>
      %add3A_505 = arith.constant 4 : i32
      %add3A_506 = vector.broadcast %add3A_505 : i32 to vector<16xi32>
      %add3A_507 = arith.addi %select_n3A_477, %add3A_506 : vector<16xi32>
      %le3A_508 = arith.constant 2048 : i32
      %le3A_509 = vector.broadcast %le3A_508 : i32 to vector<16xi32>
      %le3A_510 = arith.cmpi sle, %add3A_507, %le3A_509 : vector<16xi32>
      %and3A_511 = arith.andi %le3A_504, %le3A_510 : vector<16xi1>
      %add3A_512 = arith.constant 4 : i32
      %add3A_513 = vector.broadcast %add3A_512 : i32 to vector<16xi32>
      %add3A_514 = arith.addi %select_n3A_477, %add3A_513 : vector<16xi32>
      %select_n3A_515 = arith.select %and3A_511, %add3A_514, %select_n3A_477 : vector<16xi1>, vector<16xi32>
      %add3A_516 = arith.constant 1 : i32
      %add3A_517 = vector.broadcast %add3A_516 : i32 to vector<16xi32>
      %add3A_518 = arith.addi %select_n3A_503, %add3A_517 : vector<16xi32>
      %min3A_519 = arith.constant 2047 : i32
      %min3A_520 = vector.broadcast %min3A_519 : i32 to vector<16xi32>
      %min3A_521 = arith.minsi %add3A_518, %min3A_520 : vector<16xi32>
      %add3A_522 = arith.constant 1 : i32
      %add3A_523 = vector.broadcast %add3A_522 : i32 to vector<16xi32>
      %add3A_524 = arith.addi %select_n3A_515, %add3A_523 : vector<16xi32>
      %min3A_525 = arith.constant 2047 : i32
      %min3A_526 = vector.broadcast %min3A_525 : i32 to vector<16xi32>
      %min3A_527 = arith.minsi %add3A_524, %min3A_526 : vector<16xi32>
      %gather3A_528 = tpu.vector_load_idx %arg10[%min3A_521] : memref<2048xf32, #tpu.memory_space<vmem>>[vector<16xi32>], vector<16xf32>,
      %gather3A_529 = tpu.vector_load_idx %arg10[%min3A_527] : memref<2048xf32, #tpu.memory_space<vmem>>[vector<16xi32>], vector<16xf32>,
      %le3A_530 = arith.cmpf ole, %gather3A_528, %get3A_129 : vector<16xf32>
      %add3A_531 = arith.constant 2 : i32
      %add3A_532 = vector.broadcast %add3A_531 : i32 to vector<16xi32>
      %add3A_533 = arith.addi %select_n3A_503, %add3A_532 : vector<16xi32>
      %le3A_534 = arith.constant 2048 : i32
      %le3A_535 = vector.broadcast %le3A_534 : i32 to vector<16xi32>
      %le3A_536 = arith.cmpi sle, %add3A_533, %le3A_535 : vector<16xi32>
      %and3A_537 = arith.andi %le3A_530, %le3A_536 : vector<16xi1>
      %add3A_538 = arith.constant 2 : i32
      %add3A_539 = vector.broadcast %add3A_538 : i32 to vector<16xi32>
      %add3A_540 = arith.addi %select_n3A_503, %add3A_539 : vector<16xi32>
      %select_n3A_541 = arith.select %and3A_537, %add3A_540, %select_n3A_503 : vector<16xi1>, vector<16xi32>
      %le3A_542 = arith.cmpf ole, %gather3A_529, %get3A_137 : vector<16xf32>
      %add3A_543 = arith.constant 2 : i32
      %add3A_544 = vector.broadcast %add3A_543 : i32 to vector<16xi32>
      %add3A_545 = arith.addi %select_n3A_515, %add3A_544 : vector<16xi32>
      %le3A_546 = arith.constant 2048 : i32
      %le3A_547 = vector.broadcast %le3A_546 : i32 to vector<16xi32>
      %le3A_548 = arith.cmpi sle, %add3A_545, %le3A_547 : vector<16xi32>
      %and3A_549 = arith.andi %le3A_542, %le3A_548 : vector<16xi1>
      %add3A_550 = arith.constant 2 : i32
      %add3A_551 = vector.broadcast %add3A_550 : i32 to vector<16xi32>
      %add3A_552 = arith.addi %select_n3A_515, %add3A_551 : vector<16xi32>
      %select_n3A_553 = arith.select %and3A_549, %add3A_552, %select_n3A_515 : vector<16xi1>, vector<16xi32>
      %add3A_554 = arith.constant 0 : i32
      %add3A_555 = vector.broadcast %add3A_554 : i32 to vector<16xi32>
      %add3A_556 = arith.addi %select_n3A_541, %add3A_555 : vector<16xi32>
      %min3A_557 = arith.constant 2047 : i32
      %min3A_558 = vector.broadcast %min3A_557 : i32 to vector<16xi32>
      %min3A_559 = arith.minsi %add3A_556, %min3A_558 : vector<16xi32>
      %add3A_560 = arith.constant 0 : i32
      %add3A_561 = vector.broadcast %add3A_560 : i32 to vector<16xi32>
      %add3A_562 = arith.addi %select_n3A_553, %add3A_561 : vector<16xi32>
      %min3A_563 = arith.constant 2047 : i32
      %min3A_564 = vector.broadcast %min3A_563 : i32 to vector<16xi32>
      %min3A_565 = arith.minsi %add3A_562, %min3A_564 : vector<16xi32>
      %gather3A_566 = tpu.vector_load_idx %arg10[%min3A_559] : memref<2048xf32, #tpu.memory_space<vmem>>[vector<16xi32>], vector<16xf32>,
      %gather3A_567 = tpu.vector_load_idx %arg10[%min3A_565] : memref<2048xf32, #tpu.memory_space<vmem>>[vector<16xi32>], vector<16xf32>,
      %le3A_568 = arith.cmpf ole, %gather3A_566, %get3A_129 : vector<16xf32>
      %add3A_569 = arith.constant 1 : i32
      %add3A_570 = vector.broadcast %add3A_569 : i32 to vector<16xi32>
      %add3A_571 = arith.addi %select_n3A_541, %add3A_570 : vector<16xi32>
      %le3A_572 = arith.constant 2048 : i32
      %le3A_573 = vector.broadcast %le3A_572 : i32 to vector<16xi32>
      %le3A_574 = arith.cmpi sle, %add3A_571, %le3A_573 : vector<16xi32>
      %and3A_575 = arith.andi %le3A_568, %le3A_574 : vector<16xi1>
      %add3A_576 = arith.constant 1 : i32
      %add3A_577 = vector.broadcast %add3A_576 : i32 to vector<16xi32>
      %add3A_578 = arith.addi %select_n3A_541, %add3A_577 : vector<16xi32>
      %select_n3A_579 = arith.select %and3A_575, %add3A_578, %select_n3A_541 : vector<16xi1>, vector<16xi32>
      %le3A_580 = arith.cmpf ole, %gather3A_567, %get3A_137 : vector<16xf32>
      %add3A_581 = arith.constant 1 : i32
      %add3A_582 = vector.broadcast %add3A_581 : i32 to vector<16xi32>
      %add3A_583 = arith.addi %select_n3A_553, %add3A_582 : vector<16xi32>
      %le3A_584 = arith.constant 2048 : i32
      %le3A_585 = vector.broadcast %le3A_584 : i32 to vector<16xi32>
      %le3A_586 = arith.cmpi sle, %add3A_583, %le3A_585 : vector<16xi32>
      %and3A_587 = arith.andi %le3A_580, %le3A_586 : vector<16xi1>
      %add3A_588 = arith.constant 1 : i32
      %add3A_589 = vector.broadcast %add3A_588 : i32 to vector<16xi32>
      %add3A_590 = arith.addi %select_n3A_553, %add3A_589 : vector<16xi32>
      %select_n3A_591 = arith.select %and3A_587, %add3A_590, %select_n3A_553 : vector<16xi1>, vector<16xi32>
      %mul3A_592 = arith.constant 2 : i32
      %mul3A_593 = arith.muli %mul3A_592, %scan3A_124 : i32
      %mul3A_594 = arith.constant 16 : i32
      %mul3A_595 = arith.muli %mul3A_593, %mul3A_594 : i32
      %swap3A = arith.index_cast %mul3A_595 : i32 to index
      %swap3A_596 = tpu.vector_load %arg11[%swap3A] {strides = array<i32>} : memref<512xi32, #tpu.memory_space<vmem>>, vector<16xi32>,
      tpu.vector_store %arg11[%swap3A], %select_n3A_579 {strides = array<i32>} : memref<512xi32, #tpu.memory_space<vmem>>, vector<16xi32>,
      %mul3A_597 = arith.constant 2 : i32
      %mul3A_598 = arith.muli %mul3A_597, %scan3A_124 : i32
      %add3A_599 = arith.constant 1 : i32
      %add3A_600 = arith.addi %mul3A_598, %add3A_599 : i32
      %mul3A_601 = arith.constant 16 : i32
      %mul3A_602 = arith.muli %add3A_600, %mul3A_601 : i32
      %swap3A_603 = arith.index_cast %mul3A_602 : i32 to index
      %swap3A_604 = tpu.vector_load %arg11[%swap3A_603] {strides = array<i32>} : memref<512xi32, #tpu.memory_space<vmem>>, vector<16xi32>,
      tpu.vector_store %arg11[%swap3A_603], %select_n3A_591 {strides = array<i32>} : memref<512xi32, #tpu.memory_space<vmem>>, vector<16xi32>,
      %mul3A_605 = arith.constant 2 : i32
      %mul3A_606 = arith.muli %mul3A_605, %scan3A_124 : i32
      %mul3A_607 = arith.constant 16 : i32
      %mul3A_608 = arith.muli %mul3A_606, %mul3A_607 : i32
      %add3A_609 = arith.addi %mul3A_2, %mul3A_608 : i32
      %mul3A_610 = arith.constant 2 : i32
      %mul3A_611 = arith.muli %add3A_609, %mul3A_610 : i32
      %mul3A_612 = arith.constant 2 : i32
      %mul3A_613 = vector.broadcast %mul3A_612 : i32 to vector<16xi32>
      %mul3A_614 = arith.muli %iota3A, %mul3A_613 : vector<16xi32>
      %add3A_615 = vector.broadcast %mul3A_611 : i32 to vector<16xi32>
      %add3A_616 = arith.addi %add3A_615, %mul3A_614 : vector<16xi32>
      %mul3A_617 = arith.constant 2 : i32
      %mul3A_618 = arith.muli %mul3A_617, %scan3A_124 : i32
      %mul3A_619 = arith.constant 16 : i32
      %mul3A_620 = arith.muli %mul3A_618, %mul3A_619 : i32
      %swap3A_621 = arith.index_cast %mul3A_620 : i32 to index
      %swap3A_622 = tpu.vector_load %arg12[%swap3A_621] {strides = array<i32>} : memref<512xi32, #tpu.memory_space<vmem>>, vector<16xi32>,
      tpu.vector_store %arg12[%swap3A_621], %add3A_616 {strides = array<i32>} : memref<512xi32, #tpu.memory_space<vmem>>, vector<16xi32>,
      %add3A_623 = arith.constant 32 : i32
      %add3A_624 = vector.broadcast %add3A_623 : i32 to vector<16xi32>
      %add3A_625 = arith.addi %add3A_616, %add3A_624 : vector<16xi32>
      %mul3A_626 = arith.constant 2 : i32
      %mul3A_627 = arith.muli %mul3A_626, %scan3A_124 : i32
      %add3A_628 = arith.constant 1 : i32
      %add3A_629 = arith.addi %mul3A_627, %add3A_628 : i32
      %mul3A_630 = arith.constant 16 : i32
      %mul3A_631 = arith.muli %add3A_629, %mul3A_630 : i32
      %swap3A_632 = arith.index_cast %mul3A_631 : i32 to index
      %swap3A_633 = tpu.vector_load %arg12[%swap3A_632] {strides = array<i32>} : memref<512xi32, #tpu.memory_space<vmem>>, vector<16xi32>,
      tpu.vector_store %arg12[%swap3A_632], %add3A_625 {strides = array<i32>} : memref<512xi32, #tpu.memory_space<vmem>>, vector<16xi32>,
      %add3A_634 = arith.constant 1 : i32
      %add3A_635 = vector.broadcast %add3A_634 : i32 to vector<16xi32>
      %add3A_636 = arith.addi %add3A_616, %add3A_635 : vector<16xi32>
      %mul3A_637 = arith.constant 2 : i32
      %mul3A_638 = arith.muli %mul3A_637, %scan3A_124 : i32
      %mul3A_639 = arith.constant 16 : i32
      %mul3A_640 = arith.muli %mul3A_638, %mul3A_639 : i32
      %swap3A_641 = arith.index_cast %mul3A_640 : i32 to index
      %swap3A_642 = tpu.vector_load %arg13[%swap3A_641] {strides = array<i32>} : memref<512xi32, #tpu.memory_space<vmem>>, vector<16xi32>,
      tpu.vector_store %arg13[%swap3A_641], %add3A_636 {strides = array<i32>} : memref<512xi32, #tpu.memory_space<vmem>>, vector<16xi32>,
      %add3A_643 = arith.constant 32 : i32
      %add3A_644 = vector.broadcast %add3A_643 : i32 to vector<16xi32>
      %add3A_645 = arith.addi %add3A_616, %add3A_644 : vector<16xi32>
      %add3A_646 = arith.constant 1 : i32
      %add3A_647 = vector.broadcast %add3A_646 : i32 to vector<16xi32>
      %add3A_648 = arith.addi %add3A_645, %add3A_647 : vector<16xi32>
      %mul3A_649 = arith.constant 2 : i32
      %mul3A_650 = arith.muli %mul3A_649, %scan3A_124 : i32
      %add3A_651 = arith.constant 1 : i32
      %add3A_652 = arith.addi %mul3A_650, %add3A_651 : i32
      %mul3A_653 = arith.constant 16 : i32
      %mul3A_654 = arith.muli %add3A_652, %mul3A_653 : i32
      %swap3A_655 = arith.index_cast %mul3A_654 : i32 to index
      %swap3A_656 = tpu.vector_load %arg13[%swap3A_655] {strides = array<i32>} : memref<512xi32, #tpu.memory_space<vmem>>, vector<16xi32>,
      tpu.vector_store %arg13[%swap3A_655], %add3A_648 {strides = array<i32>} : memref<512xi32, #tpu.memory_space<vmem>>, vector<16xi32>,
    }
    %scan3A_12 = arith.constant 4 : i32
    %dma_start3A_13 = arith.constant 512 : i32
    %dma_start3A_14 = arith.constant 0 : i32
    %dma_start3A_15 = tpu.memref_slice %arg14[%dma_start3A_13, %dma_start3A_14] : memref<1024x64xf32, #tpu.memory_space<vmem>> -> memref<128x64xf32, #tpu.memory_space<vmem>>
    %dma_start3A_16 = arith.constant 0 : i32
    %dma_start3A_17 = tpu.memref_slice %arg11[%dma_start3A_16] : memref<512xi32, #tpu.memory_space<vmem>> -> memref<128xi32, #tpu.memory_space<vmem>>
    %dma_start3A_18 = arith.constant 0 : i32
    %dma_start3A_19 = arith.constant 0 : i32
    %dma_start3A_20 = tpu.memref_slice %arg5[%dma_start3A_18, %dma_start3A_19] : memref<2049x64xf32, #tpu.memory_space<hbm>> -> memref<2049x64xf32, #tpu.memory_space<hbm>>
    tpu.enqueue_indirect_dma source(%dma_start3A_20 : memref<2049x64xf32, #tpu.memory_space<hbm>>) target(%dma_start3A_15 : memref<128x64xf32, #tpu.memory_space<vmem>>) offsets(%dma_start3A_17 : memref<128xi32, #tpu.memory_space<vmem>>) semaphore(%arg16 : memref<!tpu.dma_semaphore, #tpu.memory_space<semaphore_mem>>)
    %scan3A_21 = arith.constant 0 : i32
    %scan3A_22 = arith.constant 4 : i32
    %scan3A_23 = arith.constant 4 : i32
    %scan3A_24 = arith.addi %scan3A_22, %scan3A_23 : i32
    %scan3A_25 = arith.constant 1 : i32
    scf.for %scan3A_124 = %scan3A_22 to %scan3A_24 step %scan3A_25  : i32 {
      %mul3A_125 = arith.constant 2 : i32
      %mul3A_126 = arith.muli %mul3A_125, %scan3A_124 : i32
      %mul3A_127 = arith.constant 16 : i32
      %mul3A_128 = arith.muli %mul3A_126, %mul3A_127 : i32
      %get3A = arith.index_cast %mul3A_128 : i32 to index
      %get3A_129 = tpu.vector_load %arg9[%get3A] {strides = array<i32>} : memref<512xf32, #tpu.memory_space<vmem>>, vector<16xf32>,
      %mul3A_130 = arith.constant 2 : i32
      %mul3A_131 = arith.muli %mul3A_130, %scan3A_124 : i32
      %add3A_132 = arith.constant 1 : i32
      %add3A_133 = arith.addi %mul3A_131, %add3A_132 : i32
      %mul3A_134 = arith.constant 16 : i32
      %mul3A_135 = arith.muli %add3A_133, %mul3A_134 : i32
      %get3A_136 = arith.index_cast %mul3A_135 : i32 to index
      %get3A_137 = tpu.vector_load %arg9[%get3A_136] {strides = array<i32>} : memref<512xf32, #tpu.memory_space<vmem>>, vector<16xf32>,
      %broadcast_in_dim3A = arith.constant 0 : i32
      %broadcast_in_dim3A_138 = vector.broadcast %broadcast_in_dim3A : i32 to vector<16xi32>
      %broadcast_in_dim3A_139 = arith.constant 0 : i32
      %broadcast_in_dim3A_140 = vector.broadcast %broadcast_in_dim3A_139 : i32 to vector<16xi32>
      %add3A_141 = arith.constant 2047 : i32
      %add3A_142 = vector.broadcast %add3A_141 : i32 to vector<16xi32>
      %add3A_143 = arith.addi %broadcast_in_dim3A_138, %add3A_142 : vector<16xi32>
      %min3A = arith.constant 2047 : i32
      %min3A_144 = vector.broadcast %min3A : i32 to vector<16xi32>
      %min3A_145 = arith.minsi %add3A_143, %min3A_144 : vector<16xi32>
      %add3A_146 = arith.constant 2047 : i32
      %add3A_147 = vector.broadcast %add3A_146 : i32 to vector<16xi32>
      %add3A_148 = arith.addi %broadcast_in_dim3A_140, %add3A_147 : vector<16xi32>
      %min3A_149 = arith.constant 2047 : i32
      %min3A_150 = vector.broadcast %min3A_149 : i32 to vector<16xi32>
      %min3A_151 = arith.minsi %add3A_148, %min3A_150 : vector<16xi32>
      %gather3A = tpu.vector_load_idx %arg10[%min3A_145] : memref<2048xf32, #tpu.memory_space<vmem>>[vector<16xi32>], vector<16xf32>,
      %gather3A_152 = tpu.vector_load_idx %arg10[%min3A_151] : memref<2048xf32, #tpu.memory_space<vmem>>[vector<16xi32>], vector<16xf32>,
      %le3A = arith.cmpf ole, %gather3A, %get3A_129 : vector<16xf32>
      %add3A_153 = arith.constant 2048 : i32
      %add3A_154 = vector.broadcast %add3A_153 : i32 to vector<16xi32>
      %add3A_155 = arith.addi %broadcast_in_dim3A_138, %add3A_154 : vector<16xi32>
      %le3A_156 = arith.constant 2048 : i32
      %le3A_157 = vector.broadcast %le3A_156 : i32 to vector<16xi32>
      %le3A_158 = arith.cmpi sle, %add3A_155, %le3A_157 : vector<16xi32>
      %and3A = arith.andi %le3A, %le3A_158 : vector<16xi1>
      %add3A_159 = arith.constant 2048 : i32
      %add3A_160 = vector.broadcast %add3A_159 : i32 to vector<16xi32>
      %add3A_161 = arith.addi %broadcast_in_dim3A_138, %add3A_160 : vector<16xi32>
      %select_n3A = arith.select %and3A, %add3A_161, %broadcast_in_dim3A_138 : vector<16xi1>, vector<16xi32>
      %le3A_162 = arith.cmpf ole, %gather3A_152, %get3A_137 : vector<16xf32>
      %add3A_163 = arith.constant 2048 : i32
      %add3A_164 = vector.broadcast %add3A_163 : i32 to vector<16xi32>
      %add3A_165 = arith.addi %broadcast_in_dim3A_140, %add3A_164 : vector<16xi32>
      %le3A_166 = arith.constant 2048 : i32
      %le3A_167 = vector.broadcast %le3A_166 : i32 to vector<16xi32>
      %le3A_168 = arith.cmpi sle, %add3A_165, %le3A_167 : vector<16xi32>
      %and3A_169 = arith.andi %le3A_162, %le3A_168 : vector<16xi1>
      %add3A_170 = arith.constant 2048 : i32
      %add3A_171 = vector.broadcast %add3A_170 : i32 to vector<16xi32>
      %add3A_172 = arith.addi %broadcast_in_dim3A_140, %add3A_171 : vector<16xi32>
      %select_n3A_173 = arith.select %and3A_169, %add3A_172, %broadcast_in_dim3A_140 : vector<16xi1>, vector<16xi32>
      %add3A_174 = arith.constant 1023 : i32
      %add3A_175 = vector.broadcast %add3A_174 : i32 to vector<16xi32>
      %add3A_176 = arith.addi %select_n3A, %add3A_175 : vector<16xi32>
      %min3A_177 = arith.constant 2047 : i32
      %min3A_178 = vector.broadcast %min3A_177 : i32 to vector<16xi32>
      %min3A_179 = arith.minsi %add3A_176, %min3A_178 : vector<16xi32>
      %add3A_180 = arith.constant 1023 : i32
      %add3A_181 = vector.broadcast %add3A_180 : i32 to vector<16xi32>
      %add3A_182 = arith.addi %select_n3A_173, %add3A_181 : vector<16xi32>
      %min3A_183 = arith.constant 2047 : i32
      %min3A_184 = vector.broadcast %min3A_183 : i32 to vector<16xi32>
      %min3A_185 = arith.minsi %add3A_182, %min3A_184 : vector<16xi32>
      %gather3A_186 = tpu.vector_load_idx %arg10[%min3A_179] : memref<2048xf32, #tpu.memory_space<vmem>>[vector<16xi32>], vector<16xf32>,
      %gather3A_187 = tpu.vector_load_idx %arg10[%min3A_185] : memref<2048xf32, #tpu.memory_space<vmem>>[vector<16xi32>], vector<16xf32>,
      %le3A_188 = arith.cmpf ole, %gather3A_186, %get3A_129 : vector<16xf32>
      %add3A_189 = arith.constant 1024 : i32
      %add3A_190 = vector.broadcast %add3A_189 : i32 to vector<16xi32>
      %add3A_191 = arith.addi %select_n3A, %add3A_190 : vector<16xi32>
      %le3A_192 = arith.constant 2048 : i32
      %le3A_193 = vector.broadcast %le3A_192 : i32 to vector<16xi32>
      %le3A_194 = arith.cmpi sle, %add3A_191, %le3A_193 : vector<16xi32>
      %and3A_195 = arith.andi %le3A_188, %le3A_194 : vector<16xi1>
      %add3A_196 = arith.constant 1024 : i32
      %add3A_197 = vector.broadcast %add3A_196 : i32 to vector<16xi32>
      %add3A_198 = arith.addi %select_n3A, %add3A_197 : vector<16xi32>
      %select_n3A_199 = arith.select %and3A_195, %add3A_198, %select_n3A : vector<16xi1>, vector<16xi32>
      %le3A_200 = arith.cmpf ole, %gather3A_187, %get3A_137 : vector<16xf32>
      %add3A_201 = arith.constant 1024 : i32
      %add3A_202 = vector.broadcast %add3A_201 : i32 to vector<16xi32>
      %add3A_203 = arith.addi %select_n3A_173, %add3A_202 : vector<16xi32>
      %le3A_204 = arith.constant 2048 : i32
      %le3A_205 = vector.broadcast %le3A_204 : i32 to vector<16xi32>
      %le3A_206 = arith.cmpi sle, %add3A_203, %le3A_205 : vector<16xi32>
      %and3A_207 = arith.andi %le3A_200, %le3A_206 : vector<16xi1>
      %add3A_208 = arith.constant 1024 : i32
      %add3A_209 = vector.broadcast %add3A_208 : i32 to vector<16xi32>
      %add3A_210 = arith.addi %select_n3A_173, %add3A_209 : vector<16xi32>
      %select_n3A_211 = arith.select %and3A_207, %add3A_210, %select_n3A_173 : vector<16xi1>, vector<16xi32>
      %add3A_212 = arith.constant 511 : i32
      %add3A_213 = vector.broadcast %add3A_212 : i32 to vector<16xi32>
      %add3A_214 = arith.addi %select_n3A_199, %add3A_213 : vector<16xi32>
      %min3A_215 = arith.constant 2047 : i32
      %min3A_216 = vector.broadcast %min3A_215 : i32 to vector<16xi32>
      %min3A_217 = arith.minsi %add3A_214, %min3A_216 : vector<16xi32>
      %add3A_218 = arith.constant 511 : i32
      %add3A_219 = vector.broadcast %add3A_218 : i32 to vector<16xi32>
      %add3A_220 = arith.addi %select_n3A_211, %add3A_219 : vector<16xi32>
      %min3A_221 = arith.constant 2047 : i32
      %min3A_222 = vector.broadcast %min3A_221 : i32 to vector<16xi32>
      %min3A_223 = arith.minsi %add3A_220, %min3A_222 : vector<16xi32>
      %gather3A_224 = tpu.vector_load_idx %arg10[%min3A_217] : memref<2048xf32, #tpu.memory_space<vmem>>[vector<16xi32>], vector<16xf32>,
      %gather3A_225 = tpu.vector_load_idx %arg10[%min3A_223] : memref<2048xf32, #tpu.memory_space<vmem>>[vector<16xi32>], vector<16xf32>,
      %le3A_226 = arith.cmpf ole, %gather3A_224, %get3A_129 : vector<16xf32>
      %add3A_227 = arith.constant 512 : i32
      %add3A_228 = vector.broadcast %add3A_227 : i32 to vector<16xi32>
      %add3A_229 = arith.addi %select_n3A_199, %add3A_228 : vector<16xi32>
      %le3A_230 = arith.constant 2048 : i32
      %le3A_231 = vector.broadcast %le3A_230 : i32 to vector<16xi32>
      %le3A_232 = arith.cmpi sle, %add3A_229, %le3A_231 : vector<16xi32>
      %and3A_233 = arith.andi %le3A_226, %le3A_232 : vector<16xi1>
      %add3A_234 = arith.constant 512 : i32
      %add3A_235 = vector.broadcast %add3A_234 : i32 to vector<16xi32>
      %add3A_236 = arith.addi %select_n3A_199, %add3A_235 : vector<16xi32>
      %select_n3A_237 = arith.select %and3A_233, %add3A_236, %select_n3A_199 : vector<16xi1>, vector<16xi32>
      %le3A_238 = arith.cmpf ole, %gather3A_225, %get3A_137 : vector<16xf32>
      %add3A_239 = arith.constant 512 : i32
      %add3A_240 = vector.broadcast %add3A_239 : i32 to vector<16xi32>
      %add3A_241 = arith.addi %select_n3A_211, %add3A_240 : vector<16xi32>
      %le3A_242 = arith.constant 2048 : i32
      %le3A_243 = vector.broadcast %le3A_242 : i32 to vector<16xi32>
      %le3A_244 = arith.cmpi sle, %add3A_241, %le3A_243 : vector<16xi32>
      %and3A_245 = arith.andi %le3A_238, %le3A_244 : vector<16xi1>
      %add3A_246 = arith.constant 512 : i32
      %add3A_247 = vector.broadcast %add3A_246 : i32 to vector<16xi32>
      %add3A_248 = arith.addi %select_n3A_211, %add3A_247 : vector<16xi32>
      %select_n3A_249 = arith.select %and3A_245, %add3A_248, %select_n3A_211 : vector<16xi1>, vector<16xi32>
      %add3A_250 = arith.constant 255 : i32
      %add3A_251 = vector.broadcast %add3A_250 : i32 to vector<16xi32>
      %add3A_252 = arith.addi %select_n3A_237, %add3A_251 : vector<16xi32>
      %min3A_253 = arith.constant 2047 : i32
      %min3A_254 = vector.broadcast %min3A_253 : i32 to vector<16xi32>
      %min3A_255 = arith.minsi %add3A_252, %min3A_254 : vector<16xi32>
      %add3A_256 = arith.constant 255 : i32
      %add3A_257 = vector.broadcast %add3A_256 : i32 to vector<16xi32>
      %add3A_258 = arith.addi %select_n3A_249, %add3A_257 : vector<16xi32>
      %min3A_259 = arith.constant 2047 : i32
      %min3A_260 = vector.broadcast %min3A_259 : i32 to vector<16xi32>
      %min3A_261 = arith.minsi %add3A_258, %min3A_260 : vector<16xi32>
      %gather3A_262 = tpu.vector_load_idx %arg10[%min3A_255] : memref<2048xf32, #tpu.memory_space<vmem>>[vector<16xi32>], vector<16xf32>,
      %gather3A_263 = tpu.vector_load_idx %arg10[%min3A_261] : memref<2048xf32, #tpu.memory_space<vmem>>[vector<16xi32>], vector<16xf32>,
      %le3A_264 = arith.cmpf ole, %gather3A_262, %get3A_129 : vector<16xf32>
      %add3A_265 = arith.constant 256 : i32
      %add3A_266 = vector.broadcast %add3A_265 : i32 to vector<16xi32>
      %add3A_267 = arith.addi %select_n3A_237, %add3A_266 : vector<16xi32>
      %le3A_268 = arith.constant 2048 : i32
      %le3A_269 = vector.broadcast %le3A_268 : i32 to vector<16xi32>
      %le3A_270 = arith.cmpi sle, %add3A_267, %le3A_269 : vector<16xi32>
      %and3A_271 = arith.andi %le3A_264, %le3A_270 : vector<16xi1>
      %add3A_272 = arith.constant 256 : i32
      %add3A_273 = vector.broadcast %add3A_272 : i32 to vector<16xi32>
      %add3A_274 = arith.addi %select_n3A_237, %add3A_273 : vector<16xi32>
      %select_n3A_275 = arith.select %and3A_271, %add3A_274, %select_n3A_237 : vector<16xi1>, vector<16xi32>
      %le3A_276 = arith.cmpf ole, %gather3A_263, %get3A_137 : vector<16xf32>
      %add3A_277 = arith.constant 256 : i32
      %add3A_278 = vector.broadcast %add3A_277 : i32 to vector<16xi32>
      %add3A_279 = arith.addi %select_n3A_249, %add3A_278 : vector<16xi32>
      %le3A_280 = arith.constant 2048 : i32
      %le3A_281 = vector.broadcast %le3A_280 : i32 to vector<16xi32>
      %le3A_282 = arith.cmpi sle, %add3A_279, %le3A_281 : vector<16xi32>
      %and3A_283 = arith.andi %le3A_276, %le3A_282 : vector<16xi1>
      %add3A_284 = arith.constant 256 : i32
      %add3A_285 = vector.broadcast %add3A_284 : i32 to vector<16xi32>
      %add3A_286 = arith.addi %select_n3A_249, %add3A_285 : vector<16xi32>
      %select_n3A_287 = arith.select %and3A_283, %add3A_286, %select_n3A_249 : vector<16xi1>, vector<16xi32>
      %add3A_288 = arith.constant 127 : i32
      %add3A_289 = vector.broadcast %add3A_288 : i32 to vector<16xi32>
      %add3A_290 = arith.addi %select_n3A_275, %add3A_289 : vector<16xi32>
      %min3A_291 = arith.constant 2047 : i32
      %min3A_292 = vector.broadcast %min3A_291 : i32 to vector<16xi32>
      %min3A_293 = arith.minsi %add3A_290, %min3A_292 : vector<16xi32>
      %add3A_294 = arith.constant 127 : i32
      %add3A_295 = vector.broadcast %add3A_294 : i32 to vector<16xi32>
      %add3A_296 = arith.addi %select_n3A_287, %add3A_295 : vector<16xi32>
      %min3A_297 = arith.constant 2047 : i32
      %min3A_298 = vector.broadcast %min3A_297 : i32 to vector<16xi32>
      %min3A_299 = arith.minsi %add3A_296, %min3A_298 : vector<16xi32>
      %gather3A_300 = tpu.vector_load_idx %arg10[%min3A_293] : memref<2048xf32, #tpu.memory_space<vmem>>[vector<16xi32>], vector<16xf32>,
      %gather3A_301 = tpu.vector_load_idx %arg10[%min3A_299] : memref<2048xf32, #tpu.memory_space<vmem>>[vector<16xi32>], vector<16xf32>,
      %le3A_302 = arith.cmpf ole, %gather3A_300, %get3A_129 : vector<16xf32>
      %add3A_303 = arith.constant 128 : i32
      %add3A_304 = vector.broadcast %add3A_303 : i32 to vector<16xi32>
      %add3A_305 = arith.addi %select_n3A_275, %add3A_304 : vector<16xi32>
      %le3A_306 = arith.constant 2048 : i32
      %le3A_307 = vector.broadcast %le3A_306 : i32 to vector<16xi32>
      %le3A_308 = arith.cmpi sle, %add3A_305, %le3A_307 : vector<16xi32>
      %and3A_309 = arith.andi %le3A_302, %le3A_308 : vector<16xi1>
      %add3A_310 = arith.constant 128 : i32
      %add3A_311 = vector.broadcast %add3A_310 : i32 to vector<16xi32>
      %add3A_312 = arith.addi %select_n3A_275, %add3A_311 : vector<16xi32>
      %select_n3A_313 = arith.select %and3A_309, %add3A_312, %select_n3A_275 : vector<16xi1>, vector<16xi32>
      %le3A_314 = arith.cmpf ole, %gather3A_301, %get3A_137 : vector<16xf32>
      %add3A_315 = arith.constant 128 : i32
      %add3A_316 = vector.broadcast %add3A_315 : i32 to vector<16xi32>
      %add3A_317 = arith.addi %select_n3A_287, %add3A_316 : vector<16xi32>
      %le3A_318 = arith.constant 2048 : i32
      %le3A_319 = vector.broadcast %le3A_318 : i32 to vector<16xi32>
      %le3A_320 = arith.cmpi sle, %add3A_317, %le3A_319 : vector<16xi32>
      %and3A_321 = arith.andi %le3A_314, %le3A_320 : vector<16xi1>
      %add3A_322 = arith.constant 128 : i32
      %add3A_323 = vector.broadcast %add3A_322 : i32 to vector<16xi32>
      %add3A_324 = arith.addi %select_n3A_287, %add3A_323 : vector<16xi32>
      %select_n3A_325 = arith.select %and3A_321, %add3A_324, %select_n3A_287 : vector<16xi1>, vector<16xi32>
      %add3A_326 = arith.constant 63 : i32
      %add3A_327 = vector.broadcast %add3A_326 : i32 to vector<16xi32>
      %add3A_328 = arith.addi %select_n3A_313, %add3A_327 : vector<16xi32>
      %min3A_329 = arith.constant 2047 : i32
      %min3A_330 = vector.broadcast %min3A_329 : i32 to vector<16xi32>
      %min3A_331 = arith.minsi %add3A_328, %min3A_330 : vector<16xi32>
      %add3A_332 = arith.constant 63 : i32
      %add3A_333 = vector.broadcast %add3A_332 : i32 to vector<16xi32>
      %add3A_334 = arith.addi %select_n3A_325, %add3A_333 : vector<16xi32>
      %min3A_335 = arith.constant 2047 : i32
      %min3A_336 = vector.broadcast %min3A_335 : i32 to vector<16xi32>
      %min3A_337 = arith.minsi %add3A_334, %min3A_336 : vector<16xi32>
      %gather3A_338 = tpu.vector_load_idx %arg10[%min3A_331] : memref<2048xf32, #tpu.memory_space<vmem>>[vector<16xi32>], vector<16xf32>,
      %gather3A_339 = tpu.vector_load_idx %arg10[%min3A_337] : memref<2048xf32, #tpu.memory_space<vmem>>[vector<16xi32>], vector<16xf32>,
      %le3A_340 = arith.cmpf ole, %gather3A_338, %get3A_129 : vector<16xf32>
      %add3A_341 = arith.constant 64 : i32
      %add3A_342 = vector.broadcast %add3A_341 : i32 to vector<16xi32>
      %add3A_343 = arith.addi %select_n3A_313, %add3A_342 : vector<16xi32>
      %le3A_344 = arith.constant 2048 : i32
      %le3A_345 = vector.broadcast %le3A_344 : i32 to vector<16xi32>
      %le3A_346 = arith.cmpi sle, %add3A_343, %le3A_345 : vector<16xi32>
      %and3A_347 = arith.andi %le3A_340, %le3A_346 : vector<16xi1>
      %add3A_348 = arith.constant 64 : i32
      %add3A_349 = vector.broadcast %add3A_348 : i32 to vector<16xi32>
      %add3A_350 = arith.addi %select_n3A_313, %add3A_349 : vector<16xi32>
      %select_n3A_351 = arith.select %and3A_347, %add3A_350, %select_n3A_313 : vector<16xi1>, vector<16xi32>
      %le3A_352 = arith.cmpf ole, %gather3A_339, %get3A_137 : vector<16xf32>
      %add3A_353 = arith.constant 64 : i32
      %add3A_354 = vector.broadcast %add3A_353 : i32 to vector<16xi32>
      %add3A_355 = arith.addi %select_n3A_325, %add3A_354 : vector<16xi32>
      %le3A_356 = arith.constant 2048 : i32
      %le3A_357 = vector.broadcast %le3A_356 : i32 to vector<16xi32>
      %le3A_358 = arith.cmpi sle, %add3A_355, %le3A_357 : vector<16xi32>
      %and3A_359 = arith.andi %le3A_352, %le3A_358 : vector<16xi1>
      %add3A_360 = arith.constant 64 : i32
      %add3A_361 = vector.broadcast %add3A_360 : i32 to vector<16xi32>
      %add3A_362 = arith.addi %select_n3A_325, %add3A_361 : vector<16xi32>
      %select_n3A_363 = arith.select %and3A_359, %add3A_362, %select_n3A_325 : vector<16xi1>, vector<16xi32>
      %add3A_364 = arith.constant 31 : i32
      %add3A_365 = vector.broadcast %add3A_364 : i32 to vector<16xi32>
      %add3A_366 = arith.addi %select_n3A_351, %add3A_365 : vector<16xi32>
      %min3A_367 = arith.constant 2047 : i32
      %min3A_368 = vector.broadcast %min3A_367 : i32 to vector<16xi32>
      %min3A_369 = arith.minsi %add3A_366, %min3A_368 : vector<16xi32>
      %add3A_370 = arith.constant 31 : i32
      %add3A_371 = vector.broadcast %add3A_370 : i32 to vector<16xi32>
      %add3A_372 = arith.addi %select_n3A_363, %add3A_371 : vector<16xi32>
      %min3A_373 = arith.constant 2047 : i32
      %min3A_374 = vector.broadcast %min3A_373 : i32 to vector<16xi32>
      %min3A_375 = arith.minsi %add3A_372, %min3A_374 : vector<16xi32>
      %gather3A_376 = tpu.vector_load_idx %arg10[%min3A_369] : memref<2048xf32, #tpu.memory_space<vmem>>[vector<16xi32>], vector<16xf32>,
      %gather3A_377 = tpu.vector_load_idx %arg10[%min3A_375] : memref<2048xf32, #tpu.memory_space<vmem>>[vector<16xi32>], vector<16xf32>,
      %le3A_378 = arith.cmpf ole, %gather3A_376, %get3A_129 : vector<16xf32>
      %add3A_379 = arith.constant 32 : i32
      %add3A_380 = vector.broadcast %add3A_379 : i32 to vector<16xi32>
      %add3A_381 = arith.addi %select_n3A_351, %add3A_380 : vector<16xi32>
      %le3A_382 = arith.constant 2048 : i32
      %le3A_383 = vector.broadcast %le3A_382 : i32 to vector<16xi32>
      %le3A_384 = arith.cmpi sle, %add3A_381, %le3A_383 : vector<16xi32>
      %and3A_385 = arith.andi %le3A_378, %le3A_384 : vector<16xi1>
      %add3A_386 = arith.constant 32 : i32
      %add3A_387 = vector.broadcast %add3A_386 : i32 to vector<16xi32>
      %add3A_388 = arith.addi %select_n3A_351, %add3A_387 : vector<16xi32>
      %select_n3A_389 = arith.select %and3A_385, %add3A_388, %select_n3A_351 : vector<16xi1>, vector<16xi32>
      %le3A_390 = arith.cmpf ole, %gather3A_377, %get3A_137 : vector<16xf32>
      %add3A_391 = arith.constant 32 : i32
      %add3A_392 = vector.broadcast %add3A_391 : i32 to vector<16xi32>
      %add3A_393 = arith.addi %select_n3A_363, %add3A_392 : vector<16xi32>
      %le3A_394 = arith.constant 2048 : i32
      %le3A_395 = vector.broadcast %le3A_394 : i32 to vector<16xi32>
      %le3A_396 = arith.cmpi sle, %add3A_393, %le3A_395 : vector<16xi32>
      %and3A_397 = arith.andi %le3A_390, %le3A_396 : vector<16xi1>
      %add3A_398 = arith.constant 32 : i32
      %add3A_399 = vector.broadcast %add3A_398 : i32 to vector<16xi32>
      %add3A_400 = arith.addi %select_n3A_363, %add3A_399 : vector<16xi32>
      %select_n3A_401 = arith.select %and3A_397, %add3A_400, %select_n3A_363 : vector<16xi1>, vector<16xi32>
      %add3A_402 = arith.constant 15 : i32
      %add3A_403 = vector.broadcast %add3A_402 : i32 to vector<16xi32>
      %add3A_404 = arith.addi %select_n3A_389, %add3A_403 : vector<16xi32>
      %min3A_405 = arith.constant 2047 : i32
      %min3A_406 = vector.broadcast %min3A_405 : i32 to vector<16xi32>
      %min3A_407 = arith.minsi %add3A_404, %min3A_406 : vector<16xi32>
      %add3A_408 = arith.constant 15 : i32
      %add3A_409 = vector.broadcast %add3A_408 : i32 to vector<16xi32>
      %add3A_410 = arith.addi %select_n3A_401, %add3A_409 : vector<16xi32>
      %min3A_411 = arith.constant 2047 : i32
      %min3A_412 = vector.broadcast %min3A_411 : i32 to vector<16xi32>
      %min3A_413 = arith.minsi %add3A_410, %min3A_412 : vector<16xi32>
      %gather3A_414 = tpu.vector_load_idx %arg10[%min3A_407] : memref<2048xf32, #tpu.memory_space<vmem>>[vector<16xi32>], vector<16xf32>,
      %gather3A_415 = tpu.vector_load_idx %arg10[%min3A_413] : memref<2048xf32, #tpu.memory_space<vmem>>[vector<16xi32>], vector<16xf32>,
      %le3A_416 = arith.cmpf ole, %gather3A_414, %get3A_129 : vector<16xf32>
      %add3A_417 = arith.constant 16 : i32
      %add3A_418 = vector.broadcast %add3A_417 : i32 to vector<16xi32>
      %add3A_419 = arith.addi %select_n3A_389, %add3A_418 : vector<16xi32>
      %le3A_420 = arith.constant 2048 : i32
      %le3A_421 = vector.broadcast %le3A_420 : i32 to vector<16xi32>
      %le3A_422 = arith.cmpi sle, %add3A_419, %le3A_421 : vector<16xi32>
      %and3A_423 = arith.andi %le3A_416, %le3A_422 : vector<16xi1>
      %add3A_424 = arith.constant 16 : i32
      %add3A_425 = vector.broadcast %add3A_424 : i32 to vector<16xi32>
      %add3A_426 = arith.addi %select_n3A_389, %add3A_425 : vector<16xi32>
      %select_n3A_427 = arith.select %and3A_423, %add3A_426, %select_n3A_389 : vector<16xi1>, vector<16xi32>
      %le3A_428 = arith.cmpf ole, %gather3A_415, %get3A_137 : vector<16xf32>
      %add3A_429 = arith.constant 16 : i32
      %add3A_430 = vector.broadcast %add3A_429 : i32 to vector<16xi32>
      %add3A_431 = arith.addi %select_n3A_401, %add3A_430 : vector<16xi32>
      %le3A_432 = arith.constant 2048 : i32
      %le3A_433 = vector.broadcast %le3A_432 : i32 to vector<16xi32>
      %le3A_434 = arith.cmpi sle, %add3A_431, %le3A_433 : vector<16xi32>
      %and3A_435 = arith.andi %le3A_428, %le3A_434 : vector<16xi1>
      %add3A_436 = arith.constant 16 : i32
      %add3A_437 = vector.broadcast %add3A_436 : i32 to vector<16xi32>
      %add3A_438 = arith.addi %select_n3A_401, %add3A_437 : vector<16xi32>
      %select_n3A_439 = arith.select %and3A_435, %add3A_438, %select_n3A_401 : vector<16xi1>, vector<16xi32>
      %add3A_440 = arith.constant 7 : i32
      %add3A_441 = vector.broadcast %add3A_440 : i32 to vector<16xi32>
      %add3A_442 = arith.addi %select_n3A_427, %add3A_441 : vector<16xi32>
      %min3A_443 = arith.constant 2047 : i32
      %min3A_444 = vector.broadcast %min3A_443 : i32 to vector<16xi32>
      %min3A_445 = arith.minsi %add3A_442, %min3A_444 : vector<16xi32>
      %add3A_446 = arith.constant 7 : i32
      %add3A_447 = vector.broadcast %add3A_446 : i32 to vector<16xi32>
      %add3A_448 = arith.addi %select_n3A_439, %add3A_447 : vector<16xi32>
      %min3A_449 = arith.constant 2047 : i32
      %min3A_450 = vector.broadcast %min3A_449 : i32 to vector<16xi32>
      %min3A_451 = arith.minsi %add3A_448, %min3A_450 : vector<16xi32>
      %gather3A_452 = tpu.vector_load_idx %arg10[%min3A_445] : memref<2048xf32, #tpu.memory_space<vmem>>[vector<16xi32>], vector<16xf32>,
      %gather3A_453 = tpu.vector_load_idx %arg10[%min3A_451] : memref<2048xf32, #tpu.memory_space<vmem>>[vector<16xi32>], vector<16xf32>,
      %le3A_454 = arith.cmpf ole, %gather3A_452, %get3A_129 : vector<16xf32>
      %add3A_455 = arith.constant 8 : i32
      %add3A_456 = vector.broadcast %add3A_455 : i32 to vector<16xi32>
      %add3A_457 = arith.addi %select_n3A_427, %add3A_456 : vector<16xi32>
      %le3A_458 = arith.constant 2048 : i32
      %le3A_459 = vector.broadcast %le3A_458 : i32 to vector<16xi32>
      %le3A_460 = arith.cmpi sle, %add3A_457, %le3A_459 : vector<16xi32>
      %and3A_461 = arith.andi %le3A_454, %le3A_460 : vector<16xi1>
      %add3A_462 = arith.constant 8 : i32
      %add3A_463 = vector.broadcast %add3A_462 : i32 to vector<16xi32>
      %add3A_464 = arith.addi %select_n3A_427, %add3A_463 : vector<16xi32>
      %select_n3A_465 = arith.select %and3A_461, %add3A_464, %select_n3A_427 : vector<16xi1>, vector<16xi32>
      %le3A_466 = arith.cmpf ole, %gather3A_453, %get3A_137 : vector<16xf32>
      %add3A_467 = arith.constant 8 : i32
      %add3A_468 = vector.broadcast %add3A_467 : i32 to vector<16xi32>
      %add3A_469 = arith.addi %select_n3A_439, %add3A_468 : vector<16xi32>
      %le3A_470 = arith.constant 2048 : i32
      %le3A_471 = vector.broadcast %le3A_470 : i32 to vector<16xi32>
      %le3A_472 = arith.cmpi sle, %add3A_469, %le3A_471 : vector<16xi32>
      %and3A_473 = arith.andi %le3A_466, %le3A_472 : vector<16xi1>
      %add3A_474 = arith.constant 8 : i32
      %add3A_475 = vector.broadcast %add3A_474 : i32 to vector<16xi32>
      %add3A_476 = arith.addi %select_n3A_439, %add3A_475 : vector<16xi32>
      %select_n3A_477 = arith.select %and3A_473, %add3A_476, %select_n3A_439 : vector<16xi1>, vector<16xi32>
      %add3A_478 = arith.constant 3 : i32
      %add3A_479 = vector.broadcast %add3A_478 : i32 to vector<16xi32>
      %add3A_480 = arith.addi %select_n3A_465, %add3A_479 : vector<16xi32>
      %min3A_481 = arith.constant 2047 : i32
      %min3A_482 = vector.broadcast %min3A_481 : i32 to vector<16xi32>
      %min3A_483 = arith.minsi %add3A_480, %min3A_482 : vector<16xi32>
      %add3A_484 = arith.constant 3 : i32
      %add3A_485 = vector.broadcast %add3A_484 : i32 to vector<16xi32>
      %add3A_486 = arith.addi %select_n3A_477, %add3A_485 : vector<16xi32>
      %min3A_487 = arith.constant 2047 : i32
      %min3A_488 = vector.broadcast %min3A_487 : i32 to vector<16xi32>
      %min3A_489 = arith.minsi %add3A_486, %min3A_488 : vector<16xi32>
      %gather3A_490 = tpu.vector_load_idx %arg10[%min3A_483] : memref<2048xf32, #tpu.memory_space<vmem>>[vector<16xi32>], vector<16xf32>,
      %gather3A_491 = tpu.vector_load_idx %arg10[%min3A_489] : memref<2048xf32, #tpu.memory_space<vmem>>[vector<16xi32>], vector<16xf32>,
      %le3A_492 = arith.cmpf ole, %gather3A_490, %get3A_129 : vector<16xf32>
      %add3A_493 = arith.constant 4 : i32
      %add3A_494 = vector.broadcast %add3A_493 : i32 to vector<16xi32>
      %add3A_495 = arith.addi %select_n3A_465, %add3A_494 : vector<16xi32>
      %le3A_496 = arith.constant 2048 : i32
      %le3A_497 = vector.broadcast %le3A_496 : i32 to vector<16xi32>
      %le3A_498 = arith.cmpi sle, %add3A_495, %le3A_497 : vector<16xi32>
      %and3A_499 = arith.andi %le3A_492, %le3A_498 : vector<16xi1>
      %add3A_500 = arith.constant 4 : i32
      %add3A_501 = vector.broadcast %add3A_500 : i32 to vector<16xi32>
      %add3A_502 = arith.addi %select_n3A_465, %add3A_501 : vector<16xi32>
      %select_n3A_503 = arith.select %and3A_499, %add3A_502, %select_n3A_465 : vector<16xi1>, vector<16xi32>
      %le3A_504 = arith.cmpf ole, %gather3A_491, %get3A_137 : vector<16xf32>
      %add3A_505 = arith.constant 4 : i32
      %add3A_506 = vector.broadcast %add3A_505 : i32 to vector<16xi32>
      %add3A_507 = arith.addi %select_n3A_477, %add3A_506 : vector<16xi32>
      %le3A_508 = arith.constant 2048 : i32
      %le3A_509 = vector.broadcast %le3A_508 : i32 to vector<16xi32>
      %le3A_510 = arith.cmpi sle, %add3A_507, %le3A_509 : vector<16xi32>
      %and3A_511 = arith.andi %le3A_504, %le3A_510 : vector<16xi1>
      %add3A_512 = arith.constant 4 : i32
      %add3A_513 = vector.broadcast %add3A_512 : i32 to vector<16xi32>
      %add3A_514 = arith.addi %select_n3A_477, %add3A_513 : vector<16xi32>
      %select_n3A_515 = arith.select %and3A_511, %add3A_514, %select_n3A_477 : vector<16xi1>, vector<16xi32>
      %add3A_516 = arith.constant 1 : i32
      %add3A_517 = vector.broadcast %add3A_516 : i32 to vector<16xi32>
      %add3A_518 = arith.addi %select_n3A_503, %add3A_517 : vector<16xi32>
      %min3A_519 = arith.constant 2047 : i32
      %min3A_520 = vector.broadcast %min3A_519 : i32 to vector<16xi32>
      %min3A_521 = arith.minsi %add3A_518, %min3A_520 : vector<16xi32>
      %add3A_522 = arith.constant 1 : i32
      %add3A_523 = vector.broadcast %add3A_522 : i32 to vector<16xi32>
      %add3A_524 = arith.addi %select_n3A_515, %add3A_523 : vector<16xi32>
      %min3A_525 = arith.constant 2047 : i32
      %min3A_526 = vector.broadcast %min3A_525 : i32 to vector<16xi32>
      %min3A_527 = arith.minsi %add3A_524, %min3A_526 : vector<16xi32>
      %gather3A_528 = tpu.vector_load_idx %arg10[%min3A_521] : memref<2048xf32, #tpu.memory_space<vmem>>[vector<16xi32>], vector<16xf32>,
      %gather3A_529 = tpu.vector_load_idx %arg10[%min3A_527] : memref<2048xf32, #tpu.memory_space<vmem>>[vector<16xi32>], vector<16xf32>,
      %le3A_530 = arith.cmpf ole, %gather3A_528, %get3A_129 : vector<16xf32>
      %add3A_531 = arith.constant 2 : i32
      %add3A_532 = vector.broadcast %add3A_531 : i32 to vector<16xi32>
      %add3A_533 = arith.addi %select_n3A_503, %add3A_532 : vector<16xi32>
      %le3A_534 = arith.constant 2048 : i32
      %le3A_535 = vector.broadcast %le3A_534 : i32 to vector<16xi32>
      %le3A_536 = arith.cmpi sle, %add3A_533, %le3A_535 : vector<16xi32>
      %and3A_537 = arith.andi %le3A_530, %le3A_536 : vector<16xi1>
      %add3A_538 = arith.constant 2 : i32
      %add3A_539 = vector.broadcast %add3A_538 : i32 to vector<16xi32>
      %add3A_540 = arith.addi %select_n3A_503, %add3A_539 : vector<16xi32>
      %select_n3A_541 = arith.select %and3A_537, %add3A_540, %select_n3A_503 : vector<16xi1>, vector<16xi32>
      %le3A_542 = arith.cmpf ole, %gather3A_529, %get3A_137 : vector<16xf32>
      %add3A_543 = arith.constant 2 : i32
      %add3A_544 = vector.broadcast %add3A_543 : i32 to vector<16xi32>
      %add3A_545 = arith.addi %select_n3A_515, %add3A_544 : vector<16xi32>
      %le3A_546 = arith.constant 2048 : i32
      %le3A_547 = vector.broadcast %le3A_546 : i32 to vector<16xi32>
      %le3A_548 = arith.cmpi sle, %add3A_545, %le3A_547 : vector<16xi32>
      %and3A_549 = arith.andi %le3A_542, %le3A_548 : vector<16xi1>
      %add3A_550 = arith.constant 2 : i32
      %add3A_551 = vector.broadcast %add3A_550 : i32 to vector<16xi32>
      %add3A_552 = arith.addi %select_n3A_515, %add3A_551 : vector<16xi32>
      %select_n3A_553 = arith.select %and3A_549, %add3A_552, %select_n3A_515 : vector<16xi1>, vector<16xi32>
      %add3A_554 = arith.constant 0 : i32
      %add3A_555 = vector.broadcast %add3A_554 : i32 to vector<16xi32>
      %add3A_556 = arith.addi %select_n3A_541, %add3A_555 : vector<16xi32>
      %min3A_557 = arith.constant 2047 : i32
      %min3A_558 = vector.broadcast %min3A_557 : i32 to vector<16xi32>
      %min3A_559 = arith.minsi %add3A_556, %min3A_558 : vector<16xi32>
      %add3A_560 = arith.constant 0 : i32
      %add3A_561 = vector.broadcast %add3A_560 : i32 to vector<16xi32>
      %add3A_562 = arith.addi %select_n3A_553, %add3A_561 : vector<16xi32>
      %min3A_563 = arith.constant 2047 : i32
      %min3A_564 = vector.broadcast %min3A_563 : i32 to vector<16xi32>
      %min3A_565 = arith.minsi %add3A_562, %min3A_564 : vector<16xi32>
      %gather3A_566 = tpu.vector_load_idx %arg10[%min3A_559] : memref<2048xf32, #tpu.memory_space<vmem>>[vector<16xi32>], vector<16xf32>,
      %gather3A_567 = tpu.vector_load_idx %arg10[%min3A_565] : memref<2048xf32, #tpu.memory_space<vmem>>[vector<16xi32>], vector<16xf32>,
      %le3A_568 = arith.cmpf ole, %gather3A_566, %get3A_129 : vector<16xf32>
      %add3A_569 = arith.constant 1 : i32
      %add3A_570 = vector.broadcast %add3A_569 : i32 to vector<16xi32>
      %add3A_571 = arith.addi %select_n3A_541, %add3A_570 : vector<16xi32>
      %le3A_572 = arith.constant 2048 : i32
      %le3A_573 = vector.broadcast %le3A_572 : i32 to vector<16xi32>
      %le3A_574 = arith.cmpi sle, %add3A_571, %le3A_573 : vector<16xi32>
      %and3A_575 = arith.andi %le3A_568, %le3A_574 : vector<16xi1>
      %add3A_576 = arith.constant 1 : i32
      %add3A_577 = vector.broadcast %add3A_576 : i32 to vector<16xi32>
      %add3A_578 = arith.addi %select_n3A_541, %add3A_577 : vector<16xi32>
      %select_n3A_579 = arith.select %and3A_575, %add3A_578, %select_n3A_541 : vector<16xi1>, vector<16xi32>
      %le3A_580 = arith.cmpf ole, %gather3A_567, %get3A_137 : vector<16xf32>
      %add3A_581 = arith.constant 1 : i32
      %add3A_582 = vector.broadcast %add3A_581 : i32 to vector<16xi32>
      %add3A_583 = arith.addi %select_n3A_553, %add3A_582 : vector<16xi32>
      %le3A_584 = arith.constant 2048 : i32
      %le3A_585 = vector.broadcast %le3A_584 : i32 to vector<16xi32>
      %le3A_586 = arith.cmpi sle, %add3A_583, %le3A_585 : vector<16xi32>
      %and3A_587 = arith.andi %le3A_580, %le3A_586 : vector<16xi1>
      %add3A_588 = arith.constant 1 : i32
      %add3A_589 = vector.broadcast %add3A_588 : i32 to vector<16xi32>
      %add3A_590 = arith.addi %select_n3A_553, %add3A_589 : vector<16xi32>
      %select_n3A_591 = arith.select %and3A_587, %add3A_590, %select_n3A_553 : vector<16xi1>, vector<16xi32>
      %mul3A_592 = arith.constant 2 : i32
      %mul3A_593 = arith.muli %mul3A_592, %scan3A_124 : i32
      %mul3A_594 = arith.constant 16 : i32
      %mul3A_595 = arith.muli %mul3A_593, %mul3A_594 : i32
      %swap3A = arith.index_cast %mul3A_595 : i32 to index
      %swap3A_596 = tpu.vector_load %arg11[%swap3A] {strides = array<i32>} : memref<512xi32, #tpu.memory_space<vmem>>, vector<16xi32>,
      tpu.vector_store %arg11[%swap3A], %select_n3A_579 {strides = array<i32>} : memref<512xi32, #tpu.memory_space<vmem>>, vector<16xi32>,
      %mul3A_597 = arith.constant 2 : i32
      %mul3A_598 = arith.muli %mul3A_597, %scan3A_124 : i32
      %add3A_599 = arith.constant 1 : i32
      %add3A_600 = arith.addi %mul3A_598, %add3A_599 : i32
      %mul3A_601 = arith.constant 16 : i32
      %mul3A_602 = arith.muli %add3A_600, %mul3A_601 : i32
      %swap3A_603 = arith.index_cast %mul3A_602 : i32 to index
      %swap3A_604 = tpu.vector_load %arg11[%swap3A_603] {strides = array<i32>} : memref<512xi32, #tpu.memory_space<vmem>>, vector<16xi32>,
      tpu.vector_store %arg11[%swap3A_603], %select_n3A_591 {strides = array<i32>} : memref<512xi32, #tpu.memory_space<vmem>>, vector<16xi32>,
      %mul3A_605 = arith.constant 2 : i32
      %mul3A_606 = arith.muli %mul3A_605, %scan3A_124 : i32
      %mul3A_607 = arith.constant 16 : i32
      %mul3A_608 = arith.muli %mul3A_606, %mul3A_607 : i32
      %add3A_609 = arith.addi %mul3A_2, %mul3A_608 : i32
      %mul3A_610 = arith.constant 2 : i32
      %mul3A_611 = arith.muli %add3A_609, %mul3A_610 : i32
      %mul3A_612 = arith.constant 2 : i32
      %mul3A_613 = vector.broadcast %mul3A_612 : i32 to vector<16xi32>
      %mul3A_614 = arith.muli %iota3A, %mul3A_613 : vector<16xi32>
      %add3A_615 = vector.broadcast %mul3A_611 : i32 to vector<16xi32>
      %add3A_616 = arith.addi %add3A_615, %mul3A_614 : vector<16xi32>
      %mul3A_617 = arith.constant 2 : i32
      %mul3A_618 = arith.muli %mul3A_617, %scan3A_124 : i32
      %mul3A_619 = arith.constant 16 : i32
      %mul3A_620 = arith.muli %mul3A_618, %mul3A_619 : i32
      %swap3A_621 = arith.index_cast %mul3A_620 : i32 to index
      %swap3A_622 = tpu.vector_load %arg12[%swap3A_621] {strides = array<i32>} : memref<512xi32, #tpu.memory_space<vmem>>, vector<16xi32>,
      tpu.vector_store %arg12[%swap3A_621], %add3A_616 {strides = array<i32>} : memref<512xi32, #tpu.memory_space<vmem>>, vector<16xi32>,
      %add3A_623 = arith.constant 32 : i32
      %add3A_624 = vector.broadcast %add3A_623 : i32 to vector<16xi32>
      %add3A_625 = arith.addi %add3A_616, %add3A_624 : vector<16xi32>
      %mul3A_626 = arith.constant 2 : i32
      %mul3A_627 = arith.muli %mul3A_626, %scan3A_124 : i32
      %add3A_628 = arith.constant 1 : i32
      %add3A_629 = arith.addi %mul3A_627, %add3A_628 : i32
      %mul3A_630 = arith.constant 16 : i32
      %mul3A_631 = arith.muli %add3A_629, %mul3A_630 : i32
      %swap3A_632 = arith.index_cast %mul3A_631 : i32 to index
      %swap3A_633 = tpu.vector_load %arg12[%swap3A_632] {strides = array<i32>} : memref<512xi32, #tpu.memory_space<vmem>>, vector<16xi32>,
      tpu.vector_store %arg12[%swap3A_632], %add3A_625 {strides = array<i32>} : memref<512xi32, #tpu.memory_space<vmem>>, vector<16xi32>,
      %add3A_634 = arith.constant 1 : i32
      %add3A_635 = vector.broadcast %add3A_634 : i32 to vector<16xi32>
      %add3A_636 = arith.addi %add3A_616, %add3A_635 : vector<16xi32>
      %mul3A_637 = arith.constant 2 : i32
      %mul3A_638 = arith.muli %mul3A_637, %scan3A_124 : i32
      %mul3A_639 = arith.constant 16 : i32
      %mul3A_640 = arith.muli %mul3A_638, %mul3A_639 : i32
      %swap3A_641 = arith.index_cast %mul3A_640 : i32 to index
      %swap3A_642 = tpu.vector_load %arg13[%swap3A_641] {strides = array<i32>} : memref<512xi32, #tpu.memory_space<vmem>>, vector<16xi32>,
      tpu.vector_store %arg13[%swap3A_641], %add3A_636 {strides = array<i32>} : memref<512xi32, #tpu.memory_space<vmem>>, vector<16xi32>,
      %add3A_643 = arith.constant 32 : i32
      %add3A_644 = vector.broadcast %add3A_643 : i32 to vector<16xi32>
      %add3A_645 = arith.addi %add3A_616, %add3A_644 : vector<16xi32>
      %add3A_646 = arith.constant 1 : i32
      %add3A_647 = vector.broadcast %add3A_646 : i32 to vector<16xi32>
      %add3A_648 = arith.addi %add3A_645, %add3A_647 : vector<16xi32>
      %mul3A_649 = arith.constant 2 : i32
      %mul3A_650 = arith.muli %mul3A_649, %scan3A_124 : i32
      %add3A_651 = arith.constant 1 : i32
      %add3A_652 = arith.addi %mul3A_650, %add3A_651 : i32
      %mul3A_653 = arith.constant 16 : i32
      %mul3A_654 = arith.muli %add3A_652, %mul3A_653 : i32
      %swap3A_655 = arith.index_cast %mul3A_654 : i32 to index
      %swap3A_656 = tpu.vector_load %arg13[%swap3A_655] {strides = array<i32>} : memref<512xi32, #tpu.memory_space<vmem>>, vector<16xi32>,
      tpu.vector_store %arg13[%swap3A_655], %add3A_648 {strides = array<i32>} : memref<512xi32, #tpu.memory_space<vmem>>, vector<16xi32>,
    }
    %scan3A_26 = arith.constant 4 : i32
    %dma_start3A_27 = arith.constant 640 : i32
    %dma_start3A_28 = arith.constant 0 : i32
    %dma_start3A_29 = tpu.memref_slice %arg14[%dma_start3A_27, %dma_start3A_28] : memref<1024x64xf32, #tpu.memory_space<vmem>> -> memref<128x64xf32, #tpu.memory_space<vmem>>
    %dma_start3A_30 = arith.constant 128 : i32
    %dma_start3A_31 = tpu.memref_slice %arg11[%dma_start3A_30] : memref<512xi32, #tpu.memory_space<vmem>> -> memref<128xi32, #tpu.memory_space<vmem>>
    %dma_start3A_32 = arith.constant 0 : i32
    %dma_start3A_33 = arith.constant 0 : i32
    %dma_start3A_34 = tpu.memref_slice %arg5[%dma_start3A_32, %dma_start3A_33] : memref<2049x64xf32, #tpu.memory_space<hbm>> -> memref<2049x64xf32, #tpu.memory_space<hbm>>
    tpu.enqueue_indirect_dma source(%dma_start3A_34 : memref<2049x64xf32, #tpu.memory_space<hbm>>) target(%dma_start3A_29 : memref<128x64xf32, #tpu.memory_space<vmem>>) offsets(%dma_start3A_31 : memref<128xi32, #tpu.memory_space<vmem>>) semaphore(%arg16 : memref<!tpu.dma_semaphore, #tpu.memory_space<semaphore_mem>>)
    %scan3A_35 = arith.constant 0 : i32
    %scan3A_36 = arith.constant 8 : i32
    %scan3A_37 = arith.constant 4 : i32
    %scan3A_38 = arith.addi %scan3A_36, %scan3A_37 : i32
    %scan3A_39 = arith.constant 1 : i32
    scf.for %scan3A_124 = %scan3A_36 to %scan3A_38 step %scan3A_39  : i32 {
      %mul3A_125 = arith.constant 2 : i32
      %mul3A_126 = arith.muli %mul3A_125, %scan3A_124 : i32
      %mul3A_127 = arith.constant 16 : i32
      %mul3A_128 = arith.muli %mul3A_126, %mul3A_127 : i32
      %get3A = arith.index_cast %mul3A_128 : i32 to index
      %get3A_129 = tpu.vector_load %arg9[%get3A] {strides = array<i32>} : memref<512xf32, #tpu.memory_space<vmem>>, vector<16xf32>,
      %mul3A_130 = arith.constant 2 : i32
      %mul3A_131 = arith.muli %mul3A_130, %scan3A_124 : i32
      %add3A_132 = arith.constant 1 : i32
      %add3A_133 = arith.addi %mul3A_131, %add3A_132 : i32
      %mul3A_134 = arith.constant 16 : i32
      %mul3A_135 = arith.muli %add3A_133, %mul3A_134 : i32
      %get3A_136 = arith.index_cast %mul3A_135 : i32 to index
      %get3A_137 = tpu.vector_load %arg9[%get3A_136] {strides = array<i32>} : memref<512xf32, #tpu.memory_space<vmem>>, vector<16xf32>,
      %broadcast_in_dim3A = arith.constant 0 : i32
      %broadcast_in_dim3A_138 = vector.broadcast %broadcast_in_dim3A : i32 to vector<16xi32>
      %broadcast_in_dim3A_139 = arith.constant 0 : i32
      %broadcast_in_dim3A_140 = vector.broadcast %broadcast_in_dim3A_139 : i32 to vector<16xi32>
      %add3A_141 = arith.constant 2047 : i32
      %add3A_142 = vector.broadcast %add3A_141 : i32 to vector<16xi32>
      %add3A_143 = arith.addi %broadcast_in_dim3A_138, %add3A_142 : vector<16xi32>
      %min3A = arith.constant 2047 : i32
      %min3A_144 = vector.broadcast %min3A : i32 to vector<16xi32>
      %min3A_145 = arith.minsi %add3A_143, %min3A_144 : vector<16xi32>
      %add3A_146 = arith.constant 2047 : i32
      %add3A_147 = vector.broadcast %add3A_146 : i32 to vector<16xi32>
      %add3A_148 = arith.addi %broadcast_in_dim3A_140, %add3A_147 : vector<16xi32>
      %min3A_149 = arith.constant 2047 : i32
      %min3A_150 = vector.broadcast %min3A_149 : i32 to vector<16xi32>
      %min3A_151 = arith.minsi %add3A_148, %min3A_150 : vector<16xi32>
      %gather3A = tpu.vector_load_idx %arg10[%min3A_145] : memref<2048xf32, #tpu.memory_space<vmem>>[vector<16xi32>], vector<16xf32>,
      %gather3A_152 = tpu.vector_load_idx %arg10[%min3A_151] : memref<2048xf32, #tpu.memory_space<vmem>>[vector<16xi32>], vector<16xf32>,
      %le3A = arith.cmpf ole, %gather3A, %get3A_129 : vector<16xf32>
      %add3A_153 = arith.constant 2048 : i32
      %add3A_154 = vector.broadcast %add3A_153 : i32 to vector<16xi32>
      %add3A_155 = arith.addi %broadcast_in_dim3A_138, %add3A_154 : vector<16xi32>
      %le3A_156 = arith.constant 2048 : i32
      %le3A_157 = vector.broadcast %le3A_156 : i32 to vector<16xi32>
      %le3A_158 = arith.cmpi sle, %add3A_155, %le3A_157 : vector<16xi32>
      %and3A = arith.andi %le3A, %le3A_158 : vector<16xi1>
      %add3A_159 = arith.constant 2048 : i32
      %add3A_160 = vector.broadcast %add3A_159 : i32 to vector<16xi32>
      %add3A_161 = arith.addi %broadcast_in_dim3A_138, %add3A_160 : vector<16xi32>
      %select_n3A = arith.select %and3A, %add3A_161, %broadcast_in_dim3A_138 : vector<16xi1>, vector<16xi32>
      %le3A_162 = arith.cmpf ole, %gather3A_152, %get3A_137 : vector<16xf32>
      %add3A_163 = arith.constant 2048 : i32
      %add3A_164 = vector.broadcast %add3A_163 : i32 to vector<16xi32>
      %add3A_165 = arith.addi %broadcast_in_dim3A_140, %add3A_164 : vector<16xi32>
      %le3A_166 = arith.constant 2048 : i32
      %le3A_167 = vector.broadcast %le3A_166 : i32 to vector<16xi32>
      %le3A_168 = arith.cmpi sle, %add3A_165, %le3A_167 : vector<16xi32>
      %and3A_169 = arith.andi %le3A_162, %le3A_168 : vector<16xi1>
      %add3A_170 = arith.constant 2048 : i32
      %add3A_171 = vector.broadcast %add3A_170 : i32 to vector<16xi32>
      %add3A_172 = arith.addi %broadcast_in_dim3A_140, %add3A_171 : vector<16xi32>
      %select_n3A_173 = arith.select %and3A_169, %add3A_172, %broadcast_in_dim3A_140 : vector<16xi1>, vector<16xi32>
      %add3A_174 = arith.constant 1023 : i32
      %add3A_175 = vector.broadcast %add3A_174 : i32 to vector<16xi32>
      %add3A_176 = arith.addi %select_n3A, %add3A_175 : vector<16xi32>
      %min3A_177 = arith.constant 2047 : i32
      %min3A_178 = vector.broadcast %min3A_177 : i32 to vector<16xi32>
      %min3A_179 = arith.minsi %add3A_176, %min3A_178 : vector<16xi32>
      %add3A_180 = arith.constant 1023 : i32
      %add3A_181 = vector.broadcast %add3A_180 : i32 to vector<16xi32>
      %add3A_182 = arith.addi %select_n3A_173, %add3A_181 : vector<16xi32>
      %min3A_183 = arith.constant 2047 : i32
      %min3A_184 = vector.broadcast %min3A_183 : i32 to vector<16xi32>
      %min3A_185 = arith.minsi %add3A_182, %min3A_184 : vector<16xi32>
      %gather3A_186 = tpu.vector_load_idx %arg10[%min3A_179] : memref<2048xf32, #tpu.memory_space<vmem>>[vector<16xi32>], vector<16xf32>,
      %gather3A_187 = tpu.vector_load_idx %arg10[%min3A_185] : memref<2048xf32, #tpu.memory_space<vmem>>[vector<16xi32>], vector<16xf32>,
      %le3A_188 = arith.cmpf ole, %gather3A_186, %get3A_129 : vector<16xf32>
      %add3A_189 = arith.constant 1024 : i32
      %add3A_190 = vector.broadcast %add3A_189 : i32 to vector<16xi32>
      %add3A_191 = arith.addi %select_n3A, %add3A_190 : vector<16xi32>
      %le3A_192 = arith.constant 2048 : i32
      %le3A_193 = vector.broadcast %le3A_192 : i32 to vector<16xi32>
      %le3A_194 = arith.cmpi sle, %add3A_191, %le3A_193 : vector<16xi32>
      %and3A_195 = arith.andi %le3A_188, %le3A_194 : vector<16xi1>
      %add3A_196 = arith.constant 1024 : i32
      %add3A_197 = vector.broadcast %add3A_196 : i32 to vector<16xi32>
      %add3A_198 = arith.addi %select_n3A, %add3A_197 : vector<16xi32>
      %select_n3A_199 = arith.select %and3A_195, %add3A_198, %select_n3A : vector<16xi1>, vector<16xi32>
      %le3A_200 = arith.cmpf ole, %gather3A_187, %get3A_137 : vector<16xf32>
      %add3A_201 = arith.constant 1024 : i32
      %add3A_202 = vector.broadcast %add3A_201 : i32 to vector<16xi32>
      %add3A_203 = arith.addi %select_n3A_173, %add3A_202 : vector<16xi32>
      %le3A_204 = arith.constant 2048 : i32
      %le3A_205 = vector.broadcast %le3A_204 : i32 to vector<16xi32>
      %le3A_206 = arith.cmpi sle, %add3A_203, %le3A_205 : vector<16xi32>
      %and3A_207 = arith.andi %le3A_200, %le3A_206 : vector<16xi1>
      %add3A_208 = arith.constant 1024 : i32
      %add3A_209 = vector.broadcast %add3A_208 : i32 to vector<16xi32>
      %add3A_210 = arith.addi %select_n3A_173, %add3A_209 : vector<16xi32>
      %select_n3A_211 = arith.select %and3A_207, %add3A_210, %select_n3A_173 : vector<16xi1>, vector<16xi32>
      %add3A_212 = arith.constant 511 : i32
      %add3A_213 = vector.broadcast %add3A_212 : i32 to vector<16xi32>
      %add3A_214 = arith.addi %select_n3A_199, %add3A_213 : vector<16xi32>
      %min3A_215 = arith.constant 2047 : i32
      %min3A_216 = vector.broadcast %min3A_215 : i32 to vector<16xi32>
      %min3A_217 = arith.minsi %add3A_214, %min3A_216 : vector<16xi32>
      %add3A_218 = arith.constant 511 : i32
      %add3A_219 = vector.broadcast %add3A_218 : i32 to vector<16xi32>
      %add3A_220 = arith.addi %select_n3A_211, %add3A_219 : vector<16xi32>
      %min3A_221 = arith.constant 2047 : i32
      %min3A_222 = vector.broadcast %min3A_221 : i32 to vector<16xi32>
      %min3A_223 = arith.minsi %add3A_220, %min3A_222 : vector<16xi32>
      %gather3A_224 = tpu.vector_load_idx %arg10[%min3A_217] : memref<2048xf32, #tpu.memory_space<vmem>>[vector<16xi32>], vector<16xf32>,
      %gather3A_225 = tpu.vector_load_idx %arg10[%min3A_223] : memref<2048xf32, #tpu.memory_space<vmem>>[vector<16xi32>], vector<16xf32>,
      %le3A_226 = arith.cmpf ole, %gather3A_224, %get3A_129 : vector<16xf32>
      %add3A_227 = arith.constant 512 : i32
      %add3A_228 = vector.broadcast %add3A_227 : i32 to vector<16xi32>
      %add3A_229 = arith.addi %select_n3A_199, %add3A_228 : vector<16xi32>
      %le3A_230 = arith.constant 2048 : i32
      %le3A_231 = vector.broadcast %le3A_230 : i32 to vector<16xi32>
      %le3A_232 = arith.cmpi sle, %add3A_229, %le3A_231 : vector<16xi32>
      %and3A_233 = arith.andi %le3A_226, %le3A_232 : vector<16xi1>
      %add3A_234 = arith.constant 512 : i32
      %add3A_235 = vector.broadcast %add3A_234 : i32 to vector<16xi32>
      %add3A_236 = arith.addi %select_n3A_199, %add3A_235 : vector<16xi32>
      %select_n3A_237 = arith.select %and3A_233, %add3A_236, %select_n3A_199 : vector<16xi1>, vector<16xi32>
      %le3A_238 = arith.cmpf ole, %gather3A_225, %get3A_137 : vector<16xf32>
      %add3A_239 = arith.constant 512 : i32
      %add3A_240 = vector.broadcast %add3A_239 : i32 to vector<16xi32>
      %add3A_241 = arith.addi %select_n3A_211, %add3A_240 : vector<16xi32>
      %le3A_242 = arith.constant 2048 : i32
      %le3A_243 = vector.broadcast %le3A_242 : i32 to vector<16xi32>
      %le3A_244 = arith.cmpi sle, %add3A_241, %le3A_243 : vector<16xi32>
      %and3A_245 = arith.andi %le3A_238, %le3A_244 : vector<16xi1>
      %add3A_246 = arith.constant 512 : i32
      %add3A_247 = vector.broadcast %add3A_246 : i32 to vector<16xi32>
      %add3A_248 = arith.addi %select_n3A_211, %add3A_247 : vector<16xi32>
      %select_n3A_249 = arith.select %and3A_245, %add3A_248, %select_n3A_211 : vector<16xi1>, vector<16xi32>
      %add3A_250 = arith.constant 255 : i32
      %add3A_251 = vector.broadcast %add3A_250 : i32 to vector<16xi32>
      %add3A_252 = arith.addi %select_n3A_237, %add3A_251 : vector<16xi32>
      %min3A_253 = arith.constant 2047 : i32
      %min3A_254 = vector.broadcast %min3A_253 : i32 to vector<16xi32>
      %min3A_255 = arith.minsi %add3A_252, %min3A_254 : vector<16xi32>
      %add3A_256 = arith.constant 255 : i32
      %add3A_257 = vector.broadcast %add3A_256 : i32 to vector<16xi32>
      %add3A_258 = arith.addi %select_n3A_249, %add3A_257 : vector<16xi32>
      %min3A_259 = arith.constant 2047 : i32
      %min3A_260 = vector.broadcast %min3A_259 : i32 to vector<16xi32>
      %min3A_261 = arith.minsi %add3A_258, %min3A_260 : vector<16xi32>
      %gather3A_262 = tpu.vector_load_idx %arg10[%min3A_255] : memref<2048xf32, #tpu.memory_space<vmem>>[vector<16xi32>], vector<16xf32>,
      %gather3A_263 = tpu.vector_load_idx %arg10[%min3A_261] : memref<2048xf32, #tpu.memory_space<vmem>>[vector<16xi32>], vector<16xf32>,
      %le3A_264 = arith.cmpf ole, %gather3A_262, %get3A_129 : vector<16xf32>
      %add3A_265 = arith.constant 256 : i32
      %add3A_266 = vector.broadcast %add3A_265 : i32 to vector<16xi32>
      %add3A_267 = arith.addi %select_n3A_237, %add3A_266 : vector<16xi32>
      %le3A_268 = arith.constant 2048 : i32
      %le3A_269 = vector.broadcast %le3A_268 : i32 to vector<16xi32>
      %le3A_270 = arith.cmpi sle, %add3A_267, %le3A_269 : vector<16xi32>
      %and3A_271 = arith.andi %le3A_264, %le3A_270 : vector<16xi1>
      %add3A_272 = arith.constant 256 : i32
      %add3A_273 = vector.broadcast %add3A_272 : i32 to vector<16xi32>
      %add3A_274 = arith.addi %select_n3A_237, %add3A_273 : vector<16xi32>
      %select_n3A_275 = arith.select %and3A_271, %add3A_274, %select_n3A_237 : vector<16xi1>, vector<16xi32>
      %le3A_276 = arith.cmpf ole, %gather3A_263, %get3A_137 : vector<16xf32>
      %add3A_277 = arith.constant 256 : i32
      %add3A_278 = vector.broadcast %add3A_277 : i32 to vector<16xi32>
      %add3A_279 = arith.addi %select_n3A_249, %add3A_278 : vector<16xi32>
      %le3A_280 = arith.constant 2048 : i32
      %le3A_281 = vector.broadcast %le3A_280 : i32 to vector<16xi32>
      %le3A_282 = arith.cmpi sle, %add3A_279, %le3A_281 : vector<16xi32>
      %and3A_283 = arith.andi %le3A_276, %le3A_282 : vector<16xi1>
      %add3A_284 = arith.constant 256 : i32
      %add3A_285 = vector.broadcast %add3A_284 : i32 to vector<16xi32>
      %add3A_286 = arith.addi %select_n3A_249, %add3A_285 : vector<16xi32>
      %select_n3A_287 = arith.select %and3A_283, %add3A_286, %select_n3A_249 : vector<16xi1>, vector<16xi32>
      %add3A_288 = arith.constant 127 : i32
      %add3A_289 = vector.broadcast %add3A_288 : i32 to vector<16xi32>
      %add3A_290 = arith.addi %select_n3A_275, %add3A_289 : vector<16xi32>
      %min3A_291 = arith.constant 2047 : i32
      %min3A_292 = vector.broadcast %min3A_291 : i32 to vector<16xi32>
      %min3A_293 = arith.minsi %add3A_290, %min3A_292 : vector<16xi32>
      %add3A_294 = arith.constant 127 : i32
      %add3A_295 = vector.broadcast %add3A_294 : i32 to vector<16xi32>
      %add3A_296 = arith.addi %select_n3A_287, %add3A_295 : vector<16xi32>
      %min3A_297 = arith.constant 2047 : i32
      %min3A_298 = vector.broadcast %min3A_297 : i32 to vector<16xi32>
      %min3A_299 = arith.minsi %add3A_296, %min3A_298 : vector<16xi32>
      %gather3A_300 = tpu.vector_load_idx %arg10[%min3A_293] : memref<2048xf32, #tpu.memory_space<vmem>>[vector<16xi32>], vector<16xf32>,
      %gather3A_301 = tpu.vector_load_idx %arg10[%min3A_299] : memref<2048xf32, #tpu.memory_space<vmem>>[vector<16xi32>], vector<16xf32>,
      %le3A_302 = arith.cmpf ole, %gather3A_300, %get3A_129 : vector<16xf32>
      %add3A_303 = arith.constant 128 : i32
      %add3A_304 = vector.broadcast %add3A_303 : i32 to vector<16xi32>
      %add3A_305 = arith.addi %select_n3A_275, %add3A_304 : vector<16xi32>
      %le3A_306 = arith.constant 2048 : i32
      %le3A_307 = vector.broadcast %le3A_306 : i32 to vector<16xi32>
      %le3A_308 = arith.cmpi sle, %add3A_305, %le3A_307 : vector<16xi32>
      %and3A_309 = arith.andi %le3A_302, %le3A_308 : vector<16xi1>
      %add3A_310 = arith.constant 128 : i32
      %add3A_311 = vector.broadcast %add3A_310 : i32 to vector<16xi32>
      %add3A_312 = arith.addi %select_n3A_275, %add3A_311 : vector<16xi32>
      %select_n3A_313 = arith.select %and3A_309, %add3A_312, %select_n3A_275 : vector<16xi1>, vector<16xi32>
      %le3A_314 = arith.cmpf ole, %gather3A_301, %get3A_137 : vector<16xf32>
      %add3A_315 = arith.constant 128 : i32
      %add3A_316 = vector.broadcast %add3A_315 : i32 to vector<16xi32>
      %add3A_317 = arith.addi %select_n3A_287, %add3A_316 : vector<16xi32>
      %le3A_318 = arith.constant 2048 : i32
      %le3A_319 = vector.broadcast %le3A_318 : i32 to vector<16xi32>
      %le3A_320 = arith.cmpi sle, %add3A_317, %le3A_319 : vector<16xi32>
      %and3A_321 = arith.andi %le3A_314, %le3A_320 : vector<16xi1>
      %add3A_322 = arith.constant 128 : i32
      %add3A_323 = vector.broadcast %add3A_322 : i32 to vector<16xi32>
      %add3A_324 = arith.addi %select_n3A_287, %add3A_323 : vector<16xi32>
      %select_n3A_325 = arith.select %and3A_321, %add3A_324, %select_n3A_287 : vector<16xi1>, vector<16xi32>
      %add3A_326 = arith.constant 63 : i32
      %add3A_327 = vector.broadcast %add3A_326 : i32 to vector<16xi32>
      %add3A_328 = arith.addi %select_n3A_313, %add3A_327 : vector<16xi32>
      %min3A_329 = arith.constant 2047 : i32
      %min3A_330 = vector.broadcast %min3A_329 : i32 to vector<16xi32>
      %min3A_331 = arith.minsi %add3A_328, %min3A_330 : vector<16xi32>
      %add3A_332 = arith.constant 63 : i32
      %add3A_333 = vector.broadcast %add3A_332 : i32 to vector<16xi32>
      %add3A_334 = arith.addi %select_n3A_325, %add3A_333 : vector<16xi32>
      %min3A_335 = arith.constant 2047 : i32
      %min3A_336 = vector.broadcast %min3A_335 : i32 to vector<16xi32>
      %min3A_337 = arith.minsi %add3A_334, %min3A_336 : vector<16xi32>
      %gather3A_338 = tpu.vector_load_idx %arg10[%min3A_331] : memref<2048xf32, #tpu.memory_space<vmem>>[vector<16xi32>], vector<16xf32>,
      %gather3A_339 = tpu.vector_load_idx %arg10[%min3A_337] : memref<2048xf32, #tpu.memory_space<vmem>>[vector<16xi32>], vector<16xf32>,
      %le3A_340 = arith.cmpf ole, %gather3A_338, %get3A_129 : vector<16xf32>
      %add3A_341 = arith.constant 64 : i32
      %add3A_342 = vector.broadcast %add3A_341 : i32 to vector<16xi32>
      %add3A_343 = arith.addi %select_n3A_313, %add3A_342 : vector<16xi32>
      %le3A_344 = arith.constant 2048 : i32
      %le3A_345 = vector.broadcast %le3A_344 : i32 to vector<16xi32>
      %le3A_346 = arith.cmpi sle, %add3A_343, %le3A_345 : vector<16xi32>
      %and3A_347 = arith.andi %le3A_340, %le3A_346 : vector<16xi1>
      %add3A_348 = arith.constant 64 : i32
      %add3A_349 = vector.broadcast %add3A_348 : i32 to vector<16xi32>
      %add3A_350 = arith.addi %select_n3A_313, %add3A_349 : vector<16xi32>
      %select_n3A_351 = arith.select %and3A_347, %add3A_350, %select_n3A_313 : vector<16xi1>, vector<16xi32>
      %le3A_352 = arith.cmpf ole, %gather3A_339, %get3A_137 : vector<16xf32>
      %add3A_353 = arith.constant 64 : i32
      %add3A_354 = vector.broadcast %add3A_353 : i32 to vector<16xi32>
      %add3A_355 = arith.addi %select_n3A_325, %add3A_354 : vector<16xi32>
      %le3A_356 = arith.constant 2048 : i32
      %le3A_357 = vector.broadcast %le3A_356 : i32 to vector<16xi32>
      %le3A_358 = arith.cmpi sle, %add3A_355, %le3A_357 : vector<16xi32>
      %and3A_359 = arith.andi %le3A_352, %le3A_358 : vector<16xi1>
      %add3A_360 = arith.constant 64 : i32
      %add3A_361 = vector.broadcast %add3A_360 : i32 to vector<16xi32>
      %add3A_362 = arith.addi %select_n3A_325, %add3A_361 : vector<16xi32>
      %select_n3A_363 = arith.select %and3A_359, %add3A_362, %select_n3A_325 : vector<16xi1>, vector<16xi32>
      %add3A_364 = arith.constant 31 : i32
      %add3A_365 = vector.broadcast %add3A_364 : i32 to vector<16xi32>
      %add3A_366 = arith.addi %select_n3A_351, %add3A_365 : vector<16xi32>
      %min3A_367 = arith.constant 2047 : i32
      %min3A_368 = vector.broadcast %min3A_367 : i32 to vector<16xi32>
      %min3A_369 = arith.minsi %add3A_366, %min3A_368 : vector<16xi32>
      %add3A_370 = arith.constant 31 : i32
      %add3A_371 = vector.broadcast %add3A_370 : i32 to vector<16xi32>
      %add3A_372 = arith.addi %select_n3A_363, %add3A_371 : vector<16xi32>
      %min3A_373 = arith.constant 2047 : i32
      %min3A_374 = vector.broadcast %min3A_373 : i32 to vector<16xi32>
      %min3A_375 = arith.minsi %add3A_372, %min3A_374 : vector<16xi32>
      %gather3A_376 = tpu.vector_load_idx %arg10[%min3A_369] : memref<2048xf32, #tpu.memory_space<vmem>>[vector<16xi32>], vector<16xf32>,
      %gather3A_377 = tpu.vector_load_idx %arg10[%min3A_375] : memref<2048xf32, #tpu.memory_space<vmem>>[vector<16xi32>], vector<16xf32>,
      %le3A_378 = arith.cmpf ole, %gather3A_376, %get3A_129 : vector<16xf32>
      %add3A_379 = arith.constant 32 : i32
      %add3A_380 = vector.broadcast %add3A_379 : i32 to vector<16xi32>
      %add3A_381 = arith.addi %select_n3A_351, %add3A_380 : vector<16xi32>
      %le3A_382 = arith.constant 2048 : i32
      %le3A_383 = vector.broadcast %le3A_382 : i32 to vector<16xi32>
      %le3A_384 = arith.cmpi sle, %add3A_381, %le3A_383 : vector<16xi32>
      %and3A_385 = arith.andi %le3A_378, %le3A_384 : vector<16xi1>
      %add3A_386 = arith.constant 32 : i32
      %add3A_387 = vector.broadcast %add3A_386 : i32 to vector<16xi32>
      %add3A_388 = arith.addi %select_n3A_351, %add3A_387 : vector<16xi32>
      %select_n3A_389 = arith.select %and3A_385, %add3A_388, %select_n3A_351 : vector<16xi1>, vector<16xi32>
      %le3A_390 = arith.cmpf ole, %gather3A_377, %get3A_137 : vector<16xf32>
      %add3A_391 = arith.constant 32 : i32
      %add3A_392 = vector.broadcast %add3A_391 : i32 to vector<16xi32>
      %add3A_393 = arith.addi %select_n3A_363, %add3A_392 : vector<16xi32>
      %le3A_394 = arith.constant 2048 : i32
      %le3A_395 = vector.broadcast %le3A_394 : i32 to vector<16xi32>
      %le3A_396 = arith.cmpi sle, %add3A_393, %le3A_395 : vector<16xi32>
      %and3A_397 = arith.andi %le3A_390, %le3A_396 : vector<16xi1>
      %add3A_398 = arith.constant 32 : i32
      %add3A_399 = vector.broadcast %add3A_398 : i32 to vector<16xi32>
      %add3A_400 = arith.addi %select_n3A_363, %add3A_399 : vector<16xi32>
      %select_n3A_401 = arith.select %and3A_397, %add3A_400, %select_n3A_363 : vector<16xi1>, vector<16xi32>
      %add3A_402 = arith.constant 15 : i32
      %add3A_403 = vector.broadcast %add3A_402 : i32 to vector<16xi32>
      %add3A_404 = arith.addi %select_n3A_389, %add3A_403 : vector<16xi32>
      %min3A_405 = arith.constant 2047 : i32
      %min3A_406 = vector.broadcast %min3A_405 : i32 to vector<16xi32>
      %min3A_407 = arith.minsi %add3A_404, %min3A_406 : vector<16xi32>
      %add3A_408 = arith.constant 15 : i32
      %add3A_409 = vector.broadcast %add3A_408 : i32 to vector<16xi32>
      %add3A_410 = arith.addi %select_n3A_401, %add3A_409 : vector<16xi32>
      %min3A_411 = arith.constant 2047 : i32
      %min3A_412 = vector.broadcast %min3A_411 : i32 to vector<16xi32>
      %min3A_413 = arith.minsi %add3A_410, %min3A_412 : vector<16xi32>
      %gather3A_414 = tpu.vector_load_idx %arg10[%min3A_407] : memref<2048xf32, #tpu.memory_space<vmem>>[vector<16xi32>], vector<16xf32>,
      %gather3A_415 = tpu.vector_load_idx %arg10[%min3A_413] : memref<2048xf32, #tpu.memory_space<vmem>>[vector<16xi32>], vector<16xf32>,
      %le3A_416 = arith.cmpf ole, %gather3A_414, %get3A_129 : vector<16xf32>
      %add3A_417 = arith.constant 16 : i32
      %add3A_418 = vector.broadcast %add3A_417 : i32 to vector<16xi32>
      %add3A_419 = arith.addi %select_n3A_389, %add3A_418 : vector<16xi32>
      %le3A_420 = arith.constant 2048 : i32
      %le3A_421 = vector.broadcast %le3A_420 : i32 to vector<16xi32>
      %le3A_422 = arith.cmpi sle, %add3A_419, %le3A_421 : vector<16xi32>
      %and3A_423 = arith.andi %le3A_416, %le3A_422 : vector<16xi1>
      %add3A_424 = arith.constant 16 : i32
      %add3A_425 = vector.broadcast %add3A_424 : i32 to vector<16xi32>
      %add3A_426 = arith.addi %select_n3A_389, %add3A_425 : vector<16xi32>
      %select_n3A_427 = arith.select %and3A_423, %add3A_426, %select_n3A_389 : vector<16xi1>, vector<16xi32>
      %le3A_428 = arith.cmpf ole, %gather3A_415, %get3A_137 : vector<16xf32>
      %add3A_429 = arith.constant 16 : i32
      %add3A_430 = vector.broadcast %add3A_429 : i32 to vector<16xi32>
      %add3A_431 = arith.addi %select_n3A_401, %add3A_430 : vector<16xi32>
      %le3A_432 = arith.constant 2048 : i32
      %le3A_433 = vector.broadcast %le3A_432 : i32 to vector<16xi32>
      %le3A_434 = arith.cmpi sle, %add3A_431, %le3A_433 : vector<16xi32>
      %and3A_435 = arith.andi %le3A_428, %le3A_434 : vector<16xi1>
      %add3A_436 = arith.constant 16 : i32
      %add3A_437 = vector.broadcast %add3A_436 : i32 to vector<16xi32>
      %add3A_438 = arith.addi %select_n3A_401, %add3A_437 : vector<16xi32>
      %select_n3A_439 = arith.select %and3A_435, %add3A_438, %select_n3A_401 : vector<16xi1>, vector<16xi32>
      %add3A_440 = arith.constant 7 : i32
      %add3A_441 = vector.broadcast %add3A_440 : i32 to vector<16xi32>
      %add3A_442 = arith.addi %select_n3A_427, %add3A_441 : vector<16xi32>
      %min3A_443 = arith.constant 2047 : i32
      %min3A_444 = vector.broadcast %min3A_443 : i32 to vector<16xi32>
      %min3A_445 = arith.minsi %add3A_442, %min3A_444 : vector<16xi32>
      %add3A_446 = arith.constant 7 : i32
      %add3A_447 = vector.broadcast %add3A_446 : i32 to vector<16xi32>
      %add3A_448 = arith.addi %select_n3A_439, %add3A_447 : vector<16xi32>
      %min3A_449 = arith.constant 2047 : i32
      %min3A_450 = vector.broadcast %min3A_449 : i32 to vector<16xi32>
      %min3A_451 = arith.minsi %add3A_448, %min3A_450 : vector<16xi32>
      %gather3A_452 = tpu.vector_load_idx %arg10[%min3A_445] : memref<2048xf32, #tpu.memory_space<vmem>>[vector<16xi32>], vector<16xf32>,
      %gather3A_453 = tpu.vector_load_idx %arg10[%min3A_451] : memref<2048xf32, #tpu.memory_space<vmem>>[vector<16xi32>], vector<16xf32>,
      %le3A_454 = arith.cmpf ole, %gather3A_452, %get3A_129 : vector<16xf32>
      %add3A_455 = arith.constant 8 : i32
      %add3A_456 = vector.broadcast %add3A_455 : i32 to vector<16xi32>
      %add3A_457 = arith.addi %select_n3A_427, %add3A_456 : vector<16xi32>
      %le3A_458 = arith.constant 2048 : i32
      %le3A_459 = vector.broadcast %le3A_458 : i32 to vector<16xi32>
      %le3A_460 = arith.cmpi sle, %add3A_457, %le3A_459 : vector<16xi32>
      %and3A_461 = arith.andi %le3A_454, %le3A_460 : vector<16xi1>
      %add3A_462 = arith.constant 8 : i32
      %add3A_463 = vector.broadcast %add3A_462 : i32 to vector<16xi32>
      %add3A_464 = arith.addi %select_n3A_427, %add3A_463 : vector<16xi32>
      %select_n3A_465 = arith.select %and3A_461, %add3A_464, %select_n3A_427 : vector<16xi1>, vector<16xi32>
      %le3A_466 = arith.cmpf ole, %gather3A_453, %get3A_137 : vector<16xf32>
      %add3A_467 = arith.constant 8 : i32
      %add3A_468 = vector.broadcast %add3A_467 : i32 to vector<16xi32>
      %add3A_469 = arith.addi %select_n3A_439, %add3A_468 : vector<16xi32>
      %le3A_470 = arith.constant 2048 : i32
      %le3A_471 = vector.broadcast %le3A_470 : i32 to vector<16xi32>
      %le3A_472 = arith.cmpi sle, %add3A_469, %le3A_471 : vector<16xi32>
      %and3A_473 = arith.andi %le3A_466, %le3A_472 : vector<16xi1>
      %add3A_474 = arith.constant 8 : i32
      %add3A_475 = vector.broadcast %add3A_474 : i32 to vector<16xi32>
      %add3A_476 = arith.addi %select_n3A_439, %add3A_475 : vector<16xi32>
      %select_n3A_477 = arith.select %and3A_473, %add3A_476, %select_n3A_439 : vector<16xi1>, vector<16xi32>
      %add3A_478 = arith.constant 3 : i32
      %add3A_479 = vector.broadcast %add3A_478 : i32 to vector<16xi32>
      %add3A_480 = arith.addi %select_n3A_465, %add3A_479 : vector<16xi32>
      %min3A_481 = arith.constant 2047 : i32
      %min3A_482 = vector.broadcast %min3A_481 : i32 to vector<16xi32>
      %min3A_483 = arith.minsi %add3A_480, %min3A_482 : vector<16xi32>
      %add3A_484 = arith.constant 3 : i32
      %add3A_485 = vector.broadcast %add3A_484 : i32 to vector<16xi32>
      %add3A_486 = arith.addi %select_n3A_477, %add3A_485 : vector<16xi32>
      %min3A_487 = arith.constant 2047 : i32
      %min3A_488 = vector.broadcast %min3A_487 : i32 to vector<16xi32>
      %min3A_489 = arith.minsi %add3A_486, %min3A_488 : vector<16xi32>
      %gather3A_490 = tpu.vector_load_idx %arg10[%min3A_483] : memref<2048xf32, #tpu.memory_space<vmem>>[vector<16xi32>], vector<16xf32>,
      %gather3A_491 = tpu.vector_load_idx %arg10[%min3A_489] : memref<2048xf32, #tpu.memory_space<vmem>>[vector<16xi32>], vector<16xf32>,
      %le3A_492 = arith.cmpf ole, %gather3A_490, %get3A_129 : vector<16xf32>
      %add3A_493 = arith.constant 4 : i32
      %add3A_494 = vector.broadcast %add3A_493 : i32 to vector<16xi32>
      %add3A_495 = arith.addi %select_n3A_465, %add3A_494 : vector<16xi32>
      %le3A_496 = arith.constant 2048 : i32
      %le3A_497 = vector.broadcast %le3A_496 : i32 to vector<16xi32>
      %le3A_498 = arith.cmpi sle, %add3A_495, %le3A_497 : vector<16xi32>
      %and3A_499 = arith.andi %le3A_492, %le3A_498 : vector<16xi1>
      %add3A_500 = arith.constant 4 : i32
      %add3A_501 = vector.broadcast %add3A_500 : i32 to vector<16xi32>
      %add3A_502 = arith.addi %select_n3A_465, %add3A_501 : vector<16xi32>
      %select_n3A_503 = arith.select %and3A_499, %add3A_502, %select_n3A_465 : vector<16xi1>, vector<16xi32>
      %le3A_504 = arith.cmpf ole, %gather3A_491, %get3A_137 : vector<16xf32>
      %add3A_505 = arith.constant 4 : i32
      %add3A_506 = vector.broadcast %add3A_505 : i32 to vector<16xi32>
      %add3A_507 = arith.addi %select_n3A_477, %add3A_506 : vector<16xi32>
      %le3A_508 = arith.constant 2048 : i32
      %le3A_509 = vector.broadcast %le3A_508 : i32 to vector<16xi32>
      %le3A_510 = arith.cmpi sle, %add3A_507, %le3A_509 : vector<16xi32>
      %and3A_511 = arith.andi %le3A_504, %le3A_510 : vector<16xi1>
      %add3A_512 = arith.constant 4 : i32
      %add3A_513 = vector.broadcast %add3A_512 : i32 to vector<16xi32>
      %add3A_514 = arith.addi %select_n3A_477, %add3A_513 : vector<16xi32>
      %select_n3A_515 = arith.select %and3A_511, %add3A_514, %select_n3A_477 : vector<16xi1>, vector<16xi32>
      %add3A_516 = arith.constant 1 : i32
      %add3A_517 = vector.broadcast %add3A_516 : i32 to vector<16xi32>
      %add3A_518 = arith.addi %select_n3A_503, %add3A_517 : vector<16xi32>
      %min3A_519 = arith.constant 2047 : i32
      %min3A_520 = vector.broadcast %min3A_519 : i32 to vector<16xi32>
      %min3A_521 = arith.minsi %add3A_518, %min3A_520 : vector<16xi32>
      %add3A_522 = arith.constant 1 : i32
      %add3A_523 = vector.broadcast %add3A_522 : i32 to vector<16xi32>
      %add3A_524 = arith.addi %select_n3A_515, %add3A_523 : vector<16xi32>
      %min3A_525 = arith.constant 2047 : i32
      %min3A_526 = vector.broadcast %min3A_525 : i32 to vector<16xi32>
      %min3A_527 = arith.minsi %add3A_524, %min3A_526 : vector<16xi32>
      %gather3A_528 = tpu.vector_load_idx %arg10[%min3A_521] : memref<2048xf32, #tpu.memory_space<vmem>>[vector<16xi32>], vector<16xf32>,
      %gather3A_529 = tpu.vector_load_idx %arg10[%min3A_527] : memref<2048xf32, #tpu.memory_space<vmem>>[vector<16xi32>], vector<16xf32>,
      %le3A_530 = arith.cmpf ole, %gather3A_528, %get3A_129 : vector<16xf32>
      %add3A_531 = arith.constant 2 : i32
      %add3A_532 = vector.broadcast %add3A_531 : i32 to vector<16xi32>
      %add3A_533 = arith.addi %select_n3A_503, %add3A_532 : vector<16xi32>
      %le3A_534 = arith.constant 2048 : i32
      %le3A_535 = vector.broadcast %le3A_534 : i32 to vector<16xi32>
      %le3A_536 = arith.cmpi sle, %add3A_533, %le3A_535 : vector<16xi32>
      %and3A_537 = arith.andi %le3A_530, %le3A_536 : vector<16xi1>
      %add3A_538 = arith.constant 2 : i32
      %add3A_539 = vector.broadcast %add3A_538 : i32 to vector<16xi32>
      %add3A_540 = arith.addi %select_n3A_503, %add3A_539 : vector<16xi32>
      %select_n3A_541 = arith.select %and3A_537, %add3A_540, %select_n3A_503 : vector<16xi1>, vector<16xi32>
      %le3A_542 = arith.cmpf ole, %gather3A_529, %get3A_137 : vector<16xf32>
      %add3A_543 = arith.constant 2 : i32
      %add3A_544 = vector.broadcast %add3A_543 : i32 to vector<16xi32>
      %add3A_545 = arith.addi %select_n3A_515, %add3A_544 : vector<16xi32>
      %le3A_546 = arith.constant 2048 : i32
      %le3A_547 = vector.broadcast %le3A_546 : i32 to vector<16xi32>
      %le3A_548 = arith.cmpi sle, %add3A_545, %le3A_547 : vector<16xi32>
      %and3A_549 = arith.andi %le3A_542, %le3A_548 : vector<16xi1>
      %add3A_550 = arith.constant 2 : i32
      %add3A_551 = vector.broadcast %add3A_550 : i32 to vector<16xi32>
      %add3A_552 = arith.addi %select_n3A_515, %add3A_551 : vector<16xi32>
      %select_n3A_553 = arith.select %and3A_549, %add3A_552, %select_n3A_515 : vector<16xi1>, vector<16xi32>
      %add3A_554 = arith.constant 0 : i32
      %add3A_555 = vector.broadcast %add3A_554 : i32 to vector<16xi32>
      %add3A_556 = arith.addi %select_n3A_541, %add3A_555 : vector<16xi32>
      %min3A_557 = arith.constant 2047 : i32
      %min3A_558 = vector.broadcast %min3A_557 : i32 to vector<16xi32>
      %min3A_559 = arith.minsi %add3A_556, %min3A_558 : vector<16xi32>
      %add3A_560 = arith.constant 0 : i32
      %add3A_561 = vector.broadcast %add3A_560 : i32 to vector<16xi32>
      %add3A_562 = arith.addi %select_n3A_553, %add3A_561 : vector<16xi32>
      %min3A_563 = arith.constant 2047 : i32
      %min3A_564 = vector.broadcast %min3A_563 : i32 to vector<16xi32>
      %min3A_565 = arith.minsi %add3A_562, %min3A_564 : vector<16xi32>
      %gather3A_566 = tpu.vector_load_idx %arg10[%min3A_559] : memref<2048xf32, #tpu.memory_space<vmem>>[vector<16xi32>], vector<16xf32>,
      %gather3A_567 = tpu.vector_load_idx %arg10[%min3A_565] : memref<2048xf32, #tpu.memory_space<vmem>>[vector<16xi32>], vector<16xf32>,
      %le3A_568 = arith.cmpf ole, %gather3A_566, %get3A_129 : vector<16xf32>
      %add3A_569 = arith.constant 1 : i32
      %add3A_570 = vector.broadcast %add3A_569 : i32 to vector<16xi32>
      %add3A_571 = arith.addi %select_n3A_541, %add3A_570 : vector<16xi32>
      %le3A_572 = arith.constant 2048 : i32
      %le3A_573 = vector.broadcast %le3A_572 : i32 to vector<16xi32>
      %le3A_574 = arith.cmpi sle, %add3A_571, %le3A_573 : vector<16xi32>
      %and3A_575 = arith.andi %le3A_568, %le3A_574 : vector<16xi1>
      %add3A_576 = arith.constant 1 : i32
      %add3A_577 = vector.broadcast %add3A_576 : i32 to vector<16xi32>
      %add3A_578 = arith.addi %select_n3A_541, %add3A_577 : vector<16xi32>
      %select_n3A_579 = arith.select %and3A_575, %add3A_578, %select_n3A_541 : vector<16xi1>, vector<16xi32>
      %le3A_580 = arith.cmpf ole, %gather3A_567, %get3A_137 : vector<16xf32>
      %add3A_581 = arith.constant 1 : i32
      %add3A_582 = vector.broadcast %add3A_581 : i32 to vector<16xi32>
      %add3A_583 = arith.addi %select_n3A_553, %add3A_582 : vector<16xi32>
      %le3A_584 = arith.constant 2048 : i32
      %le3A_585 = vector.broadcast %le3A_584 : i32 to vector<16xi32>
      %le3A_586 = arith.cmpi sle, %add3A_583, %le3A_585 : vector<16xi32>
      %and3A_587 = arith.andi %le3A_580, %le3A_586 : vector<16xi1>
      %add3A_588 = arith.constant 1 : i32
      %add3A_589 = vector.broadcast %add3A_588 : i32 to vector<16xi32>
      %add3A_590 = arith.addi %select_n3A_553, %add3A_589 : vector<16xi32>
      %select_n3A_591 = arith.select %and3A_587, %add3A_590, %select_n3A_553 : vector<16xi1>, vector<16xi32>
      %mul3A_592 = arith.constant 2 : i32
      %mul3A_593 = arith.muli %mul3A_592, %scan3A_124 : i32
      %mul3A_594 = arith.constant 16 : i32
      %mul3A_595 = arith.muli %mul3A_593, %mul3A_594 : i32
      %swap3A = arith.index_cast %mul3A_595 : i32 to index
      %swap3A_596 = tpu.vector_load %arg11[%swap3A] {strides = array<i32>} : memref<512xi32, #tpu.memory_space<vmem>>, vector<16xi32>,
      tpu.vector_store %arg11[%swap3A], %select_n3A_579 {strides = array<i32>} : memref<512xi32, #tpu.memory_space<vmem>>, vector<16xi32>,
      %mul3A_597 = arith.constant 2 : i32
      %mul3A_598 = arith.muli %mul3A_597, %scan3A_124 : i32
      %add3A_599 = arith.constant 1 : i32
      %add3A_600 = arith.addi %mul3A_598, %add3A_599 : i32
      %mul3A_601 = arith.constant 16 : i32
      %mul3A_602 = arith.muli %add3A_600, %mul3A_601 : i32
      %swap3A_603 = arith.index_cast %mul3A_602 : i32 to index
      %swap3A_604 = tpu.vector_load %arg11[%swap3A_603] {strides = array<i32>} : memref<512xi32, #tpu.memory_space<vmem>>, vector<16xi32>,
      tpu.vector_store %arg11[%swap3A_603], %select_n3A_591 {strides = array<i32>} : memref<512xi32, #tpu.memory_space<vmem>>, vector<16xi32>,
      %mul3A_605 = arith.constant 2 : i32
      %mul3A_606 = arith.muli %mul3A_605, %scan3A_124 : i32
      %mul3A_607 = arith.constant 16 : i32
      %mul3A_608 = arith.muli %mul3A_606, %mul3A_607 : i32
      %add3A_609 = arith.addi %mul3A_2, %mul3A_608 : i32
      %mul3A_610 = arith.constant 2 : i32
      %mul3A_611 = arith.muli %add3A_609, %mul3A_610 : i32
      %mul3A_612 = arith.constant 2 : i32
      %mul3A_613 = vector.broadcast %mul3A_612 : i32 to vector<16xi32>
      %mul3A_614 = arith.muli %iota3A, %mul3A_613 : vector<16xi32>
      %add3A_615 = vector.broadcast %mul3A_611 : i32 to vector<16xi32>
      %add3A_616 = arith.addi %add3A_615, %mul3A_614 : vector<16xi32>
      %mul3A_617 = arith.constant 2 : i32
      %mul3A_618 = arith.muli %mul3A_617, %scan3A_124 : i32
      %mul3A_619 = arith.constant 16 : i32
      %mul3A_620 = arith.muli %mul3A_618, %mul3A_619 : i32
      %swap3A_621 = arith.index_cast %mul3A_620 : i32 to index
      %swap3A_622 = tpu.vector_load %arg12[%swap3A_621] {strides = array<i32>} : memref<512xi32, #tpu.memory_space<vmem>>, vector<16xi32>,
      tpu.vector_store %arg12[%swap3A_621], %add3A_616 {strides = array<i32>} : memref<512xi32, #tpu.memory_space<vmem>>, vector<16xi32>,
      %add3A_623 = arith.constant 32 : i32
      %add3A_624 = vector.broadcast %add3A_623 : i32 to vector<16xi32>
      %add3A_625 = arith.addi %add3A_616, %add3A_624 : vector<16xi32>
      %mul3A_626 = arith.constant 2 : i32
      %mul3A_627 = arith.muli %mul3A_626, %scan3A_124 : i32
      %add3A_628 = arith.constant 1 : i32
      %add3A_629 = arith.addi %mul3A_627, %add3A_628 : i32
      %mul3A_630 = arith.constant 16 : i32
      %mul3A_631 = arith.muli %add3A_629, %mul3A_630 : i32
      %swap3A_632 = arith.index_cast %mul3A_631 : i32 to index
      %swap3A_633 = tpu.vector_load %arg12[%swap3A_632] {strides = array<i32>} : memref<512xi32, #tpu.memory_space<vmem>>, vector<16xi32>,
      tpu.vector_store %arg12[%swap3A_632], %add3A_625 {strides = array<i32>} : memref<512xi32, #tpu.memory_space<vmem>>, vector<16xi32>,
      %add3A_634 = arith.constant 1 : i32
      %add3A_635 = vector.broadcast %add3A_634 : i32 to vector<16xi32>
      %add3A_636 = arith.addi %add3A_616, %add3A_635 : vector<16xi32>
      %mul3A_637 = arith.constant 2 : i32
      %mul3A_638 = arith.muli %mul3A_637, %scan3A_124 : i32
      %mul3A_639 = arith.constant 16 : i32
      %mul3A_640 = arith.muli %mul3A_638, %mul3A_639 : i32
      %swap3A_641 = arith.index_cast %mul3A_640 : i32 to index
      %swap3A_642 = tpu.vector_load %arg13[%swap3A_641] {strides = array<i32>} : memref<512xi32, #tpu.memory_space<vmem>>, vector<16xi32>,
      tpu.vector_store %arg13[%swap3A_641], %add3A_636 {strides = array<i32>} : memref<512xi32, #tpu.memory_space<vmem>>, vector<16xi32>,
      %add3A_643 = arith.constant 32 : i32
      %add3A_644 = vector.broadcast %add3A_643 : i32 to vector<16xi32>
      %add3A_645 = arith.addi %add3A_616, %add3A_644 : vector<16xi32>
      %add3A_646 = arith.constant 1 : i32
      %add3A_647 = vector.broadcast %add3A_646 : i32 to vector<16xi32>
      %add3A_648 = arith.addi %add3A_645, %add3A_647 : vector<16xi32>
      %mul3A_649 = arith.constant 2 : i32
      %mul3A_650 = arith.muli %mul3A_649, %scan3A_124 : i32
      %add3A_651 = arith.constant 1 : i32
      %add3A_652 = arith.addi %mul3A_650, %add3A_651 : i32
      %mul3A_653 = arith.constant 16 : i32
      %mul3A_654 = arith.muli %add3A_652, %mul3A_653 : i32
      %swap3A_655 = arith.index_cast %mul3A_654 : i32 to index
      %swap3A_656 = tpu.vector_load %arg13[%swap3A_655] {strides = array<i32>} : memref<512xi32, #tpu.memory_space<vmem>>, vector<16xi32>,
      tpu.vector_store %arg13[%swap3A_655], %add3A_648 {strides = array<i32>} : memref<512xi32, #tpu.memory_space<vmem>>, vector<16xi32>,
    }
    %scan3A_40 = arith.constant 4 : i32
    %dma_start3A_41 = arith.constant 768 : i32
    %dma_start3A_42 = arith.constant 0 : i32
    %dma_start3A_43 = tpu.memref_slice %arg14[%dma_start3A_41, %dma_start3A_42] : memref<1024x64xf32, #tpu.memory_space<vmem>> -> memref<128x64xf32, #tpu.memory_space<vmem>>
    %dma_start3A_44 = arith.constant 256 : i32
    %dma_start3A_45 = tpu.memref_slice %arg11[%dma_start3A_44] : memref<512xi32, #tpu.memory_space<vmem>> -> memref<128xi32, #tpu.memory_space<vmem>>
    %dma_start3A_46 = arith.constant 0 : i32
    %dma_start3A_47 = arith.constant 0 : i32
    %dma_start3A_48 = tpu.memref_slice %arg5[%dma_start3A_46, %dma_start3A_47] : memref<2049x64xf32, #tpu.memory_space<hbm>> -> memref<2049x64xf32, #tpu.memory_space<hbm>>
    tpu.enqueue_indirect_dma source(%dma_start3A_48 : memref<2049x64xf32, #tpu.memory_space<hbm>>) target(%dma_start3A_43 : memref<128x64xf32, #tpu.memory_space<vmem>>) offsets(%dma_start3A_45 : memref<128xi32, #tpu.memory_space<vmem>>) semaphore(%arg16 : memref<!tpu.dma_semaphore, #tpu.memory_space<semaphore_mem>>)
    %scan3A_49 = arith.constant 0 : i32
    %scan3A_50 = arith.constant 12 : i32
    %scan3A_51 = arith.constant 4 : i32
    %scan3A_52 = arith.addi %scan3A_50, %scan3A_51 : i32
    %scan3A_53 = arith.constant 1 : i32
    scf.for %scan3A_124 = %scan3A_50 to %scan3A_52 step %scan3A_53  : i32 {
      %mul3A_125 = arith.constant 2 : i32
      %mul3A_126 = arith.muli %mul3A_125, %scan3A_124 : i32
      %mul3A_127 = arith.constant 16 : i32
      %mul3A_128 = arith.muli %mul3A_126, %mul3A_127 : i32
      %get3A = arith.index_cast %mul3A_128 : i32 to index
      %get3A_129 = tpu.vector_load %arg9[%get3A] {strides = array<i32>} : memref<512xf32, #tpu.memory_space<vmem>>, vector<16xf32>,
      %mul3A_130 = arith.constant 2 : i32
      %mul3A_131 = arith.muli %mul3A_130, %scan3A_124 : i32
      %add3A_132 = arith.constant 1 : i32
      %add3A_133 = arith.addi %mul3A_131, %add3A_132 : i32
      %mul3A_134 = arith.constant 16 : i32
      %mul3A_135 = arith.muli %add3A_133, %mul3A_134 : i32
      %get3A_136 = arith.index_cast %mul3A_135 : i32 to index
      %get3A_137 = tpu.vector_load %arg9[%get3A_136] {strides = array<i32>} : memref<512xf32, #tpu.memory_space<vmem>>, vector<16xf32>,
      %broadcast_in_dim3A = arith.constant 0 : i32
      %broadcast_in_dim3A_138 = vector.broadcast %broadcast_in_dim3A : i32 to vector<16xi32>
      %broadcast_in_dim3A_139 = arith.constant 0 : i32
      %broadcast_in_dim3A_140 = vector.broadcast %broadcast_in_dim3A_139 : i32 to vector<16xi32>
      %add3A_141 = arith.constant 2047 : i32
      %add3A_142 = vector.broadcast %add3A_141 : i32 to vector<16xi32>
      %add3A_143 = arith.addi %broadcast_in_dim3A_138, %add3A_142 : vector<16xi32>
      %min3A = arith.constant 2047 : i32
      %min3A_144 = vector.broadcast %min3A : i32 to vector<16xi32>
      %min3A_145 = arith.minsi %add3A_143, %min3A_144 : vector<16xi32>
      %add3A_146 = arith.constant 2047 : i32
      %add3A_147 = vector.broadcast %add3A_146 : i32 to vector<16xi32>
      %add3A_148 = arith.addi %broadcast_in_dim3A_140, %add3A_147 : vector<16xi32>
      %min3A_149 = arith.constant 2047 : i32
      %min3A_150 = vector.broadcast %min3A_149 : i32 to vector<16xi32>
      %min3A_151 = arith.minsi %add3A_148, %min3A_150 : vector<16xi32>
      %gather3A = tpu.vector_load_idx %arg10[%min3A_145] : memref<2048xf32, #tpu.memory_space<vmem>>[vector<16xi32>], vector<16xf32>,
      %gather3A_152 = tpu.vector_load_idx %arg10[%min3A_151] : memref<2048xf32, #tpu.memory_space<vmem>>[vector<16xi32>], vector<16xf32>,
      %le3A = arith.cmpf ole, %gather3A, %get3A_129 : vector<16xf32>
      %add3A_153 = arith.constant 2048 : i32
      %add3A_154 = vector.broadcast %add3A_153 : i32 to vector<16xi32>
      %add3A_155 = arith.addi %broadcast_in_dim3A_138, %add3A_154 : vector<16xi32>
      %le3A_156 = arith.constant 2048 : i32
      %le3A_157 = vector.broadcast %le3A_156 : i32 to vector<16xi32>
      %le3A_158 = arith.cmpi sle, %add3A_155, %le3A_157 : vector<16xi32>
      %and3A = arith.andi %le3A, %le3A_158 : vector<16xi1>
      %add3A_159 = arith.constant 2048 : i32
      %add3A_160 = vector.broadcast %add3A_159 : i32 to vector<16xi32>
      %add3A_161 = arith.addi %broadcast_in_dim3A_138, %add3A_160 : vector<16xi32>
      %select_n3A = arith.select %and3A, %add3A_161, %broadcast_in_dim3A_138 : vector<16xi1>, vector<16xi32>
      %le3A_162 = arith.cmpf ole, %gather3A_152, %get3A_137 : vector<16xf32>
      %add3A_163 = arith.constant 2048 : i32
      %add3A_164 = vector.broadcast %add3A_163 : i32 to vector<16xi32>
      %add3A_165 = arith.addi %broadcast_in_dim3A_140, %add3A_164 : vector<16xi32>
      %le3A_166 = arith.constant 2048 : i32
      %le3A_167 = vector.broadcast %le3A_166 : i32 to vector<16xi32>
      %le3A_168 = arith.cmpi sle, %add3A_165, %le3A_167 : vector<16xi32>
      %and3A_169 = arith.andi %le3A_162, %le3A_168 : vector<16xi1>
      %add3A_170 = arith.constant 2048 : i32
      %add3A_171 = vector.broadcast %add3A_170 : i32 to vector<16xi32>
      %add3A_172 = arith.addi %broadcast_in_dim3A_140, %add3A_171 : vector<16xi32>
      %select_n3A_173 = arith.select %and3A_169, %add3A_172, %broadcast_in_dim3A_140 : vector<16xi1>, vector<16xi32>
      %add3A_174 = arith.constant 1023 : i32
      %add3A_175 = vector.broadcast %add3A_174 : i32 to vector<16xi32>
      %add3A_176 = arith.addi %select_n3A, %add3A_175 : vector<16xi32>
      %min3A_177 = arith.constant 2047 : i32
      %min3A_178 = vector.broadcast %min3A_177 : i32 to vector<16xi32>
      %min3A_179 = arith.minsi %add3A_176, %min3A_178 : vector<16xi32>
      %add3A_180 = arith.constant 1023 : i32
      %add3A_181 = vector.broadcast %add3A_180 : i32 to vector<16xi32>
      %add3A_182 = arith.addi %select_n3A_173, %add3A_181 : vector<16xi32>
      %min3A_183 = arith.constant 2047 : i32
      %min3A_184 = vector.broadcast %min3A_183 : i32 to vector<16xi32>
      %min3A_185 = arith.minsi %add3A_182, %min3A_184 : vector<16xi32>
      %gather3A_186 = tpu.vector_load_idx %arg10[%min3A_179] : memref<2048xf32, #tpu.memory_space<vmem>>[vector<16xi32>], vector<16xf32>,
      %gather3A_187 = tpu.vector_load_idx %arg10[%min3A_185] : memref<2048xf32, #tpu.memory_space<vmem>>[vector<16xi32>], vector<16xf32>,
      %le3A_188 = arith.cmpf ole, %gather3A_186, %get3A_129 : vector<16xf32>
      %add3A_189 = arith.constant 1024 : i32
      %add3A_190 = vector.broadcast %add3A_189 : i32 to vector<16xi32>
      %add3A_191 = arith.addi %select_n3A, %add3A_190 : vector<16xi32>
      %le3A_192 = arith.constant 2048 : i32
      %le3A_193 = vector.broadcast %le3A_192 : i32 to vector<16xi32>
      %le3A_194 = arith.cmpi sle, %add3A_191, %le3A_193 : vector<16xi32>
      %and3A_195 = arith.andi %le3A_188, %le3A_194 : vector<16xi1>
      %add3A_196 = arith.constant 1024 : i32
      %add3A_197 = vector.broadcast %add3A_196 : i32 to vector<16xi32>
      %add3A_198 = arith.addi %select_n3A, %add3A_197 : vector<16xi32>
      %select_n3A_199 = arith.select %and3A_195, %add3A_198, %select_n3A : vector<16xi1>, vector<16xi32>
      %le3A_200 = arith.cmpf ole, %gather3A_187, %get3A_137 : vector<16xf32>
      %add3A_201 = arith.constant 1024 : i32
      %add3A_202 = vector.broadcast %add3A_201 : i32 to vector<16xi32>
      %add3A_203 = arith.addi %select_n3A_173, %add3A_202 : vector<16xi32>
      %le3A_204 = arith.constant 2048 : i32
      %le3A_205 = vector.broadcast %le3A_204 : i32 to vector<16xi32>
      %le3A_206 = arith.cmpi sle, %add3A_203, %le3A_205 : vector<16xi32>
      %and3A_207 = arith.andi %le3A_200, %le3A_206 : vector<16xi1>
      %add3A_208 = arith.constant 1024 : i32
      %add3A_209 = vector.broadcast %add3A_208 : i32 to vector<16xi32>
      %add3A_210 = arith.addi %select_n3A_173, %add3A_209 : vector<16xi32>
      %select_n3A_211 = arith.select %and3A_207, %add3A_210, %select_n3A_173 : vector<16xi1>, vector<16xi32>
      %add3A_212 = arith.constant 511 : i32
      %add3A_213 = vector.broadcast %add3A_212 : i32 to vector<16xi32>
      %add3A_214 = arith.addi %select_n3A_199, %add3A_213 : vector<16xi32>
      %min3A_215 = arith.constant 2047 : i32
      %min3A_216 = vector.broadcast %min3A_215 : i32 to vector<16xi32>
      %min3A_217 = arith.minsi %add3A_214, %min3A_216 : vector<16xi32>
      %add3A_218 = arith.constant 511 : i32
      %add3A_219 = vector.broadcast %add3A_218 : i32 to vector<16xi32>
      %add3A_220 = arith.addi %select_n3A_211, %add3A_219 : vector<16xi32>
      %min3A_221 = arith.constant 2047 : i32
      %min3A_222 = vector.broadcast %min3A_221 : i32 to vector<16xi32>
      %min3A_223 = arith.minsi %add3A_220, %min3A_222 : vector<16xi32>
      %gather3A_224 = tpu.vector_load_idx %arg10[%min3A_217] : memref<2048xf32, #tpu.memory_space<vmem>>[vector<16xi32>], vector<16xf32>,
      %gather3A_225 = tpu.vector_load_idx %arg10[%min3A_223] : memref<2048xf32, #tpu.memory_space<vmem>>[vector<16xi32>], vector<16xf32>,
      %le3A_226 = arith.cmpf ole, %gather3A_224, %get3A_129 : vector<16xf32>
      %add3A_227 = arith.constant 512 : i32
      %add3A_228 = vector.broadcast %add3A_227 : i32 to vector<16xi32>
      %add3A_229 = arith.addi %select_n3A_199, %add3A_228 : vector<16xi32>
      %le3A_230 = arith.constant 2048 : i32
      %le3A_231 = vector.broadcast %le3A_230 : i32 to vector<16xi32>
      %le3A_232 = arith.cmpi sle, %add3A_229, %le3A_231 : vector<16xi32>
      %and3A_233 = arith.andi %le3A_226, %le3A_232 : vector<16xi1>
      %add3A_234 = arith.constant 512 : i32
      %add3A_235 = vector.broadcast %add3A_234 : i32 to vector<16xi32>
      %add3A_236 = arith.addi %select_n3A_199, %add3A_235 : vector<16xi32>
      %select_n3A_237 = arith.select %and3A_233, %add3A_236, %select_n3A_199 : vector<16xi1>, vector<16xi32>
      %le3A_238 = arith.cmpf ole, %gather3A_225, %get3A_137 : vector<16xf32>
      %add3A_239 = arith.constant 512 : i32
      %add3A_240 = vector.broadcast %add3A_239 : i32 to vector<16xi32>
      %add3A_241 = arith.addi %select_n3A_211, %add3A_240 : vector<16xi32>
      %le3A_242 = arith.constant 2048 : i32
      %le3A_243 = vector.broadcast %le3A_242 : i32 to vector<16xi32>
      %le3A_244 = arith.cmpi sle, %add3A_241, %le3A_243 : vector<16xi32>
      %and3A_245 = arith.andi %le3A_238, %le3A_244 : vector<16xi1>
      %add3A_246 = arith.constant 512 : i32
      %add3A_247 = vector.broadcast %add3A_246 : i32 to vector<16xi32>
      %add3A_248 = arith.addi %select_n3A_211, %add3A_247 : vector<16xi32>
      %select_n3A_249 = arith.select %and3A_245, %add3A_248, %select_n3A_211 : vector<16xi1>, vector<16xi32>
      %add3A_250 = arith.constant 255 : i32
      %add3A_251 = vector.broadcast %add3A_250 : i32 to vector<16xi32>
      %add3A_252 = arith.addi %select_n3A_237, %add3A_251 : vector<16xi32>
      %min3A_253 = arith.constant 2047 : i32
      %min3A_254 = vector.broadcast %min3A_253 : i32 to vector<16xi32>
      %min3A_255 = arith.minsi %add3A_252, %min3A_254 : vector<16xi32>
      %add3A_256 = arith.constant 255 : i32
      %add3A_257 = vector.broadcast %add3A_256 : i32 to vector<16xi32>
      %add3A_258 = arith.addi %select_n3A_249, %add3A_257 : vector<16xi32>
      %min3A_259 = arith.constant 2047 : i32
      %min3A_260 = vector.broadcast %min3A_259 : i32 to vector<16xi32>
      %min3A_261 = arith.minsi %add3A_258, %min3A_260 : vector<16xi32>
      %gather3A_262 = tpu.vector_load_idx %arg10[%min3A_255] : memref<2048xf32, #tpu.memory_space<vmem>>[vector<16xi32>], vector<16xf32>,
      %gather3A_263 = tpu.vector_load_idx %arg10[%min3A_261] : memref<2048xf32, #tpu.memory_space<vmem>>[vector<16xi32>], vector<16xf32>,
      %le3A_264 = arith.cmpf ole, %gather3A_262, %get3A_129 : vector<16xf32>
      %add3A_265 = arith.constant 256 : i32
      %add3A_266 = vector.broadcast %add3A_265 : i32 to vector<16xi32>
      %add3A_267 = arith.addi %select_n3A_237, %add3A_266 : vector<16xi32>
      %le3A_268 = arith.constant 2048 : i32
      %le3A_269 = vector.broadcast %le3A_268 : i32 to vector<16xi32>
      %le3A_270 = arith.cmpi sle, %add3A_267, %le3A_269 : vector<16xi32>
      %and3A_271 = arith.andi %le3A_264, %le3A_270 : vector<16xi1>
      %add3A_272 = arith.constant 256 : i32
      %add3A_273 = vector.broadcast %add3A_272 : i32 to vector<16xi32>
      %add3A_274 = arith.addi %select_n3A_237, %add3A_273 : vector<16xi32>
      %select_n3A_275 = arith.select %and3A_271, %add3A_274, %select_n3A_237 : vector<16xi1>, vector<16xi32>
      %le3A_276 = arith.cmpf ole, %gather3A_263, %get3A_137 : vector<16xf32>
      %add3A_277 = arith.constant 256 : i32
      %add3A_278 = vector.broadcast %add3A_277 : i32 to vector<16xi32>
      %add3A_279 = arith.addi %select_n3A_249, %add3A_278 : vector<16xi32>
      %le3A_280 = arith.constant 2048 : i32
      %le3A_281 = vector.broadcast %le3A_280 : i32 to vector<16xi32>
      %le3A_282 = arith.cmpi sle, %add3A_279, %le3A_281 : vector<16xi32>
      %and3A_283 = arith.andi %le3A_276, %le3A_282 : vector<16xi1>
      %add3A_284 = arith.constant 256 : i32
      %add3A_285 = vector.broadcast %add3A_284 : i32 to vector<16xi32>
      %add3A_286 = arith.addi %select_n3A_249, %add3A_285 : vector<16xi32>
      %select_n3A_287 = arith.select %and3A_283, %add3A_286, %select_n3A_249 : vector<16xi1>, vector<16xi32>
      %add3A_288 = arith.constant 127 : i32
      %add3A_289 = vector.broadcast %add3A_288 : i32 to vector<16xi32>
      %add3A_290 = arith.addi %select_n3A_275, %add3A_289 : vector<16xi32>
      %min3A_291 = arith.constant 2047 : i32
      %min3A_292 = vector.broadcast %min3A_291 : i32 to vector<16xi32>
      %min3A_293 = arith.minsi %add3A_290, %min3A_292 : vector<16xi32>
      %add3A_294 = arith.constant 127 : i32
      %add3A_295 = vector.broadcast %add3A_294 : i32 to vector<16xi32>
      %add3A_296 = arith.addi %select_n3A_287, %add3A_295 : vector<16xi32>
      %min3A_297 = arith.constant 2047 : i32
      %min3A_298 = vector.broadcast %min3A_297 : i32 to vector<16xi32>
      %min3A_299 = arith.minsi %add3A_296, %min3A_298 : vector<16xi32>
      %gather3A_300 = tpu.vector_load_idx %arg10[%min3A_293] : memref<2048xf32, #tpu.memory_space<vmem>>[vector<16xi32>], vector<16xf32>,
      %gather3A_301 = tpu.vector_load_idx %arg10[%min3A_299] : memref<2048xf32, #tpu.memory_space<vmem>>[vector<16xi32>], vector<16xf32>,
      %le3A_302 = arith.cmpf ole, %gather3A_300, %get3A_129 : vector<16xf32>
      %add3A_303 = arith.constant 128 : i32
      %add3A_304 = vector.broadcast %add3A_303 : i32 to vector<16xi32>
      %add3A_305 = arith.addi %select_n3A_275, %add3A_304 : vector<16xi32>
      %le3A_306 = arith.constant 2048 : i32
      %le3A_307 = vector.broadcast %le3A_306 : i32 to vector<16xi32>
      %le3A_308 = arith.cmpi sle, %add3A_305, %le3A_307 : vector<16xi32>
      %and3A_309 = arith.andi %le3A_302, %le3A_308 : vector<16xi1>
      %add3A_310 = arith.constant 128 : i32
      %add3A_311 = vector.broadcast %add3A_310 : i32 to vector<16xi32>
      %add3A_312 = arith.addi %select_n3A_275, %add3A_311 : vector<16xi32>
      %select_n3A_313 = arith.select %and3A_309, %add3A_312, %select_n3A_275 : vector<16xi1>, vector<16xi32>
      %le3A_314 = arith.cmpf ole, %gather3A_301, %get3A_137 : vector<16xf32>
      %add3A_315 = arith.constant 128 : i32
      %add3A_316 = vector.broadcast %add3A_315 : i32 to vector<16xi32>
      %add3A_317 = arith.addi %select_n3A_287, %add3A_316 : vector<16xi32>
      %le3A_318 = arith.constant 2048 : i32
      %le3A_319 = vector.broadcast %le3A_318 : i32 to vector<16xi32>
      %le3A_320 = arith.cmpi sle, %add3A_317, %le3A_319 : vector<16xi32>
      %and3A_321 = arith.andi %le3A_314, %le3A_320 : vector<16xi1>
      %add3A_322 = arith.constant 128 : i32
      %add3A_323 = vector.broadcast %add3A_322 : i32 to vector<16xi32>
      %add3A_324 = arith.addi %select_n3A_287, %add3A_323 : vector<16xi32>
      %select_n3A_325 = arith.select %and3A_321, %add3A_324, %select_n3A_287 : vector<16xi1>, vector<16xi32>
      %add3A_326 = arith.constant 63 : i32
      %add3A_327 = vector.broadcast %add3A_326 : i32 to vector<16xi32>
      %add3A_328 = arith.addi %select_n3A_313, %add3A_327 : vector<16xi32>
      %min3A_329 = arith.constant 2047 : i32
      %min3A_330 = vector.broadcast %min3A_329 : i32 to vector<16xi32>
      %min3A_331 = arith.minsi %add3A_328, %min3A_330 : vector<16xi32>
      %add3A_332 = arith.constant 63 : i32
      %add3A_333 = vector.broadcast %add3A_332 : i32 to vector<16xi32>
      %add3A_334 = arith.addi %select_n3A_325, %add3A_333 : vector<16xi32>
      %min3A_335 = arith.constant 2047 : i32
      %min3A_336 = vector.broadcast %min3A_335 : i32 to vector<16xi32>
      %min3A_337 = arith.minsi %add3A_334, %min3A_336 : vector<16xi32>
      %gather3A_338 = tpu.vector_load_idx %arg10[%min3A_331] : memref<2048xf32, #tpu.memory_space<vmem>>[vector<16xi32>], vector<16xf32>,
      %gather3A_339 = tpu.vector_load_idx %arg10[%min3A_337] : memref<2048xf32, #tpu.memory_space<vmem>>[vector<16xi32>], vector<16xf32>,
      %le3A_340 = arith.cmpf ole, %gather3A_338, %get3A_129 : vector<16xf32>
      %add3A_341 = arith.constant 64 : i32
      %add3A_342 = vector.broadcast %add3A_341 : i32 to vector<16xi32>
      %add3A_343 = arith.addi %select_n3A_313, %add3A_342 : vector<16xi32>
      %le3A_344 = arith.constant 2048 : i32
      %le3A_345 = vector.broadcast %le3A_344 : i32 to vector<16xi32>
      %le3A_346 = arith.cmpi sle, %add3A_343, %le3A_345 : vector<16xi32>
      %and3A_347 = arith.andi %le3A_340, %le3A_346 : vector<16xi1>
      %add3A_348 = arith.constant 64 : i32
      %add3A_349 = vector.broadcast %add3A_348 : i32 to vector<16xi32>
      %add3A_350 = arith.addi %select_n3A_313, %add3A_349 : vector<16xi32>
      %select_n3A_351 = arith.select %and3A_347, %add3A_350, %select_n3A_313 : vector<16xi1>, vector<16xi32>
      %le3A_352 = arith.cmpf ole, %gather3A_339, %get3A_137 : vector<16xf32>
      %add3A_353 = arith.constant 64 : i32
      %add3A_354 = vector.broadcast %add3A_353 : i32 to vector<16xi32>
      %add3A_355 = arith.addi %select_n3A_325, %add3A_354 : vector<16xi32>
      %le3A_356 = arith.constant 2048 : i32
      %le3A_357 = vector.broadcast %le3A_356 : i32 to vector<16xi32>
      %le3A_358 = arith.cmpi sle, %add3A_355, %le3A_357 : vector<16xi32>
      %and3A_359 = arith.andi %le3A_352, %le3A_358 : vector<16xi1>
      %add3A_360 = arith.constant 64 : i32
      %add3A_361 = vector.broadcast %add3A_360 : i32 to vector<16xi32>
      %add3A_362 = arith.addi %select_n3A_325, %add3A_361 : vector<16xi32>
      %select_n3A_363 = arith.select %and3A_359, %add3A_362, %select_n3A_325 : vector<16xi1>, vector<16xi32>
      %add3A_364 = arith.constant 31 : i32
      %add3A_365 = vector.broadcast %add3A_364 : i32 to vector<16xi32>
      %add3A_366 = arith.addi %select_n3A_351, %add3A_365 : vector<16xi32>
      %min3A_367 = arith.constant 2047 : i32
      %min3A_368 = vector.broadcast %min3A_367 : i32 to vector<16xi32>
      %min3A_369 = arith.minsi %add3A_366, %min3A_368 : vector<16xi32>
      %add3A_370 = arith.constant 31 : i32
      %add3A_371 = vector.broadcast %add3A_370 : i32 to vector<16xi32>
      %add3A_372 = arith.addi %select_n3A_363, %add3A_371 : vector<16xi32>
      %min3A_373 = arith.constant 2047 : i32
      %min3A_374 = vector.broadcast %min3A_373 : i32 to vector<16xi32>
      %min3A_375 = arith.minsi %add3A_372, %min3A_374 : vector<16xi32>
      %gather3A_376 = tpu.vector_load_idx %arg10[%min3A_369] : memref<2048xf32, #tpu.memory_space<vmem>>[vector<16xi32>], vector<16xf32>,
      %gather3A_377 = tpu.vector_load_idx %arg10[%min3A_375] : memref<2048xf32, #tpu.memory_space<vmem>>[vector<16xi32>], vector<16xf32>,
      %le3A_378 = arith.cmpf ole, %gather3A_376, %get3A_129 : vector<16xf32>
      %add3A_379 = arith.constant 32 : i32
      %add3A_380 = vector.broadcast %add3A_379 : i32 to vector<16xi32>
      %add3A_381 = arith.addi %select_n3A_351, %add3A_380 : vector<16xi32>
      %le3A_382 = arith.constant 2048 : i32
      %le3A_383 = vector.broadcast %le3A_382 : i32 to vector<16xi32>
      %le3A_384 = arith.cmpi sle, %add3A_381, %le3A_383 : vector<16xi32>
      %and3A_385 = arith.andi %le3A_378, %le3A_384 : vector<16xi1>
      %add3A_386 = arith.constant 32 : i32
      %add3A_387 = vector.broadcast %add3A_386 : i32 to vector<16xi32>
      %add3A_388 = arith.addi %select_n3A_351, %add3A_387 : vector<16xi32>
      %select_n3A_389 = arith.select %and3A_385, %add3A_388, %select_n3A_351 : vector<16xi1>, vector<16xi32>
      %le3A_390 = arith.cmpf ole, %gather3A_377, %get3A_137 : vector<16xf32>
      %add3A_391 = arith.constant 32 : i32
      %add3A_392 = vector.broadcast %add3A_391 : i32 to vector<16xi32>
      %add3A_393 = arith.addi %select_n3A_363, %add3A_392 : vector<16xi32>
      %le3A_394 = arith.constant 2048 : i32
      %le3A_395 = vector.broadcast %le3A_394 : i32 to vector<16xi32>
      %le3A_396 = arith.cmpi sle, %add3A_393, %le3A_395 : vector<16xi32>
      %and3A_397 = arith.andi %le3A_390, %le3A_396 : vector<16xi1>
      %add3A_398 = arith.constant 32 : i32
      %add3A_399 = vector.broadcast %add3A_398 : i32 to vector<16xi32>
      %add3A_400 = arith.addi %select_n3A_363, %add3A_399 : vector<16xi32>
      %select_n3A_401 = arith.select %and3A_397, %add3A_400, %select_n3A_363 : vector<16xi1>, vector<16xi32>
      %add3A_402 = arith.constant 15 : i32
      %add3A_403 = vector.broadcast %add3A_402 : i32 to vector<16xi32>
      %add3A_404 = arith.addi %select_n3A_389, %add3A_403 : vector<16xi32>
      %min3A_405 = arith.constant 2047 : i32
      %min3A_406 = vector.broadcast %min3A_405 : i32 to vector<16xi32>
      %min3A_407 = arith.minsi %add3A_404, %min3A_406 : vector<16xi32>
      %add3A_408 = arith.constant 15 : i32
      %add3A_409 = vector.broadcast %add3A_408 : i32 to vector<16xi32>
      %add3A_410 = arith.addi %select_n3A_401, %add3A_409 : vector<16xi32>
      %min3A_411 = arith.constant 2047 : i32
      %min3A_412 = vector.broadcast %min3A_411 : i32 to vector<16xi32>
      %min3A_413 = arith.minsi %add3A_410, %min3A_412 : vector<16xi32>
      %gather3A_414 = tpu.vector_load_idx %arg10[%min3A_407] : memref<2048xf32, #tpu.memory_space<vmem>>[vector<16xi32>], vector<16xf32>,
      %gather3A_415 = tpu.vector_load_idx %arg10[%min3A_413] : memref<2048xf32, #tpu.memory_space<vmem>>[vector<16xi32>], vector<16xf32>,
      %le3A_416 = arith.cmpf ole, %gather3A_414, %get3A_129 : vector<16xf32>
      %add3A_417 = arith.constant 16 : i32
      %add3A_418 = vector.broadcast %add3A_417 : i32 to vector<16xi32>
      %add3A_419 = arith.addi %select_n3A_389, %add3A_418 : vector<16xi32>
      %le3A_420 = arith.constant 2048 : i32
      %le3A_421 = vector.broadcast %le3A_420 : i32 to vector<16xi32>
      %le3A_422 = arith.cmpi sle, %add3A_419, %le3A_421 : vector<16xi32>
      %and3A_423 = arith.andi %le3A_416, %le3A_422 : vector<16xi1>
      %add3A_424 = arith.constant 16 : i32
      %add3A_425 = vector.broadcast %add3A_424 : i32 to vector<16xi32>
      %add3A_426 = arith.addi %select_n3A_389, %add3A_425 : vector<16xi32>
      %select_n3A_427 = arith.select %and3A_423, %add3A_426, %select_n3A_389 : vector<16xi1>, vector<16xi32>
      %le3A_428 = arith.cmpf ole, %gather3A_415, %get3A_137 : vector<16xf32>
      %add3A_429 = arith.constant 16 : i32
      %add3A_430 = vector.broadcast %add3A_429 : i32 to vector<16xi32>
      %add3A_431 = arith.addi %select_n3A_401, %add3A_430 : vector<16xi32>
      %le3A_432 = arith.constant 2048 : i32
      %le3A_433 = vector.broadcast %le3A_432 : i32 to vector<16xi32>
      %le3A_434 = arith.cmpi sle, %add3A_431, %le3A_433 : vector<16xi32>
      %and3A_435 = arith.andi %le3A_428, %le3A_434 : vector<16xi1>
      %add3A_436 = arith.constant 16 : i32
      %add3A_437 = vector.broadcast %add3A_436 : i32 to vector<16xi32>
      %add3A_438 = arith.addi %select_n3A_401, %add3A_437 : vector<16xi32>
      %select_n3A_439 = arith.select %and3A_435, %add3A_438, %select_n3A_401 : vector<16xi1>, vector<16xi32>
      %add3A_440 = arith.constant 7 : i32
      %add3A_441 = vector.broadcast %add3A_440 : i32 to vector<16xi32>
      %add3A_442 = arith.addi %select_n3A_427, %add3A_441 : vector<16xi32>
      %min3A_443 = arith.constant 2047 : i32
      %min3A_444 = vector.broadcast %min3A_443 : i32 to vector<16xi32>
      %min3A_445 = arith.minsi %add3A_442, %min3A_444 : vector<16xi32>
      %add3A_446 = arith.constant 7 : i32
      %add3A_447 = vector.broadcast %add3A_446 : i32 to vector<16xi32>
      %add3A_448 = arith.addi %select_n3A_439, %add3A_447 : vector<16xi32>
      %min3A_449 = arith.constant 2047 : i32
      %min3A_450 = vector.broadcast %min3A_449 : i32 to vector<16xi32>
      %min3A_451 = arith.minsi %add3A_448, %min3A_450 : vector<16xi32>
      %gather3A_452 = tpu.vector_load_idx %arg10[%min3A_445] : memref<2048xf32, #tpu.memory_space<vmem>>[vector<16xi32>], vector<16xf32>,
      %gather3A_453 = tpu.vector_load_idx %arg10[%min3A_451] : memref<2048xf32, #tpu.memory_space<vmem>>[vector<16xi32>], vector<16xf32>,
      %le3A_454 = arith.cmpf ole, %gather3A_452, %get3A_129 : vector<16xf32>
      %add3A_455 = arith.constant 8 : i32
      %add3A_456 = vector.broadcast %add3A_455 : i32 to vector<16xi32>
      %add3A_457 = arith.addi %select_n3A_427, %add3A_456 : vector<16xi32>
      %le3A_458 = arith.constant 2048 : i32
      %le3A_459 = vector.broadcast %le3A_458 : i32 to vector<16xi32>
      %le3A_460 = arith.cmpi sle, %add3A_457, %le3A_459 : vector<16xi32>
      %and3A_461 = arith.andi %le3A_454, %le3A_460 : vector<16xi1>
      %add3A_462 = arith.constant 8 : i32
      %add3A_463 = vector.broadcast %add3A_462 : i32 to vector<16xi32>
      %add3A_464 = arith.addi %select_n3A_427, %add3A_463 : vector<16xi32>
      %select_n3A_465 = arith.select %and3A_461, %add3A_464, %select_n3A_427 : vector<16xi1>, vector<16xi32>
      %le3A_466 = arith.cmpf ole, %gather3A_453, %get3A_137 : vector<16xf32>
      %add3A_467 = arith.constant 8 : i32
      %add3A_468 = vector.broadcast %add3A_467 : i32 to vector<16xi32>
      %add3A_469 = arith.addi %select_n3A_439, %add3A_468 : vector<16xi32>
      %le3A_470 = arith.constant 2048 : i32
      %le3A_471 = vector.broadcast %le3A_470 : i32 to vector<16xi32>
      %le3A_472 = arith.cmpi sle, %add3A_469, %le3A_471 : vector<16xi32>
      %and3A_473 = arith.andi %le3A_466, %le3A_472 : vector<16xi1>
      %add3A_474 = arith.constant 8 : i32
      %add3A_475 = vector.broadcast %add3A_474 : i32 to vector<16xi32>
      %add3A_476 = arith.addi %select_n3A_439, %add3A_475 : vector<16xi32>
      %select_n3A_477 = arith.select %and3A_473, %add3A_476, %select_n3A_439 : vector<16xi1>, vector<16xi32>
      %add3A_478 = arith.constant 3 : i32
      %add3A_479 = vector.broadcast %add3A_478 : i32 to vector<16xi32>
      %add3A_480 = arith.addi %select_n3A_465, %add3A_479 : vector<16xi32>
      %min3A_481 = arith.constant 2047 : i32
      %min3A_482 = vector.broadcast %min3A_481 : i32 to vector<16xi32>
      %min3A_483 = arith.minsi %add3A_480, %min3A_482 : vector<16xi32>
      %add3A_484 = arith.constant 3 : i32
      %add3A_485 = vector.broadcast %add3A_484 : i32 to vector<16xi32>
      %add3A_486 = arith.addi %select_n3A_477, %add3A_485 : vector<16xi32>
      %min3A_487 = arith.constant 2047 : i32
      %min3A_488 = vector.broadcast %min3A_487 : i32 to vector<16xi32>
      %min3A_489 = arith.minsi %add3A_486, %min3A_488 : vector<16xi32>
      %gather3A_490 = tpu.vector_load_idx %arg10[%min3A_483] : memref<2048xf32, #tpu.memory_space<vmem>>[vector<16xi32>], vector<16xf32>,
      %gather3A_491 = tpu.vector_load_idx %arg10[%min3A_489] : memref<2048xf32, #tpu.memory_space<vmem>>[vector<16xi32>], vector<16xf32>,
      %le3A_492 = arith.cmpf ole, %gather3A_490, %get3A_129 : vector<16xf32>
      %add3A_493 = arith.constant 4 : i32
      %add3A_494 = vector.broadcast %add3A_493 : i32 to vector<16xi32>
      %add3A_495 = arith.addi %select_n3A_465, %add3A_494 : vector<16xi32>
      %le3A_496 = arith.constant 2048 : i32
      %le3A_497 = vector.broadcast %le3A_496 : i32 to vector<16xi32>
      %le3A_498 = arith.cmpi sle, %add3A_495, %le3A_497 : vector<16xi32>
      %and3A_499 = arith.andi %le3A_492, %le3A_498 : vector<16xi1>
      %add3A_500 = arith.constant 4 : i32
      %add3A_501 = vector.broadcast %add3A_500 : i32 to vector<16xi32>
      %add3A_502 = arith.addi %select_n3A_465, %add3A_501 : vector<16xi32>
      %select_n3A_503 = arith.select %and3A_499, %add3A_502, %select_n3A_465 : vector<16xi1>, vector<16xi32>
      %le3A_504 = arith.cmpf ole, %gather3A_491, %get3A_137 : vector<16xf32>
      %add3A_505 = arith.constant 4 : i32
      %add3A_506 = vector.broadcast %add3A_505 : i32 to vector<16xi32>
      %add3A_507 = arith.addi %select_n3A_477, %add3A_506 : vector<16xi32>
      %le3A_508 = arith.constant 2048 : i32
      %le3A_509 = vector.broadcast %le3A_508 : i32 to vector<16xi32>
      %le3A_510 = arith.cmpi sle, %add3A_507, %le3A_509 : vector<16xi32>
      %and3A_511 = arith.andi %le3A_504, %le3A_510 : vector<16xi1>
      %add3A_512 = arith.constant 4 : i32
      %add3A_513 = vector.broadcast %add3A_512 : i32 to vector<16xi32>
      %add3A_514 = arith.addi %select_n3A_477, %add3A_513 : vector<16xi32>
      %select_n3A_515 = arith.select %and3A_511, %add3A_514, %select_n3A_477 : vector<16xi1>, vector<16xi32>
      %add3A_516 = arith.constant 1 : i32
      %add3A_517 = vector.broadcast %add3A_516 : i32 to vector<16xi32>
      %add3A_518 = arith.addi %select_n3A_503, %add3A_517 : vector<16xi32>
      %min3A_519 = arith.constant 2047 : i32
      %min3A_520 = vector.broadcast %min3A_519 : i32 to vector<16xi32>
      %min3A_521 = arith.minsi %add3A_518, %min3A_520 : vector<16xi32>
      %add3A_522 = arith.constant 1 : i32
      %add3A_523 = vector.broadcast %add3A_522 : i32 to vector<16xi32>
      %add3A_524 = arith.addi %select_n3A_515, %add3A_523 : vector<16xi32>
      %min3A_525 = arith.constant 2047 : i32
      %min3A_526 = vector.broadcast %min3A_525 : i32 to vector<16xi32>
      %min3A_527 = arith.minsi %add3A_524, %min3A_526 : vector<16xi32>
      %gather3A_528 = tpu.vector_load_idx %arg10[%min3A_521] : memref<2048xf32, #tpu.memory_space<vmem>>[vector<16xi32>], vector<16xf32>,
      %gather3A_529 = tpu.vector_load_idx %arg10[%min3A_527] : memref<2048xf32, #tpu.memory_space<vmem>>[vector<16xi32>], vector<16xf32>,
      %le3A_530 = arith.cmpf ole, %gather3A_528, %get3A_129 : vector<16xf32>
      %add3A_531 = arith.constant 2 : i32
      %add3A_532 = vector.broadcast %add3A_531 : i32 to vector<16xi32>
      %add3A_533 = arith.addi %select_n3A_503, %add3A_532 : vector<16xi32>
      %le3A_534 = arith.constant 2048 : i32
      %le3A_535 = vector.broadcast %le3A_534 : i32 to vector<16xi32>
      %le3A_536 = arith.cmpi sle, %add3A_533, %le3A_535 : vector<16xi32>
      %and3A_537 = arith.andi %le3A_530, %le3A_536 : vector<16xi1>
      %add3A_538 = arith.constant 2 : i32
      %add3A_539 = vector.broadcast %add3A_538 : i32 to vector<16xi32>
      %add3A_540 = arith.addi %select_n3A_503, %add3A_539 : vector<16xi32>
      %select_n3A_541 = arith.select %and3A_537, %add3A_540, %select_n3A_503 : vector<16xi1>, vector<16xi32>
      %le3A_542 = arith.cmpf ole, %gather3A_529, %get3A_137 : vector<16xf32>
      %add3A_543 = arith.constant 2 : i32
      %add3A_544 = vector.broadcast %add3A_543 : i32 to vector<16xi32>
      %add3A_545 = arith.addi %select_n3A_515, %add3A_544 : vector<16xi32>
      %le3A_546 = arith.constant 2048 : i32
      %le3A_547 = vector.broadcast %le3A_546 : i32 to vector<16xi32>
      %le3A_548 = arith.cmpi sle, %add3A_545, %le3A_547 : vector<16xi32>
      %and3A_549 = arith.andi %le3A_542, %le3A_548 : vector<16xi1>
      %add3A_550 = arith.constant 2 : i32
      %add3A_551 = vector.broadcast %add3A_550 : i32 to vector<16xi32>
      %add3A_552 = arith.addi %select_n3A_515, %add3A_551 : vector<16xi32>
      %select_n3A_553 = arith.select %and3A_549, %add3A_552, %select_n3A_515 : vector<16xi1>, vector<16xi32>
      %add3A_554 = arith.constant 0 : i32
      %add3A_555 = vector.broadcast %add3A_554 : i32 to vector<16xi32>
      %add3A_556 = arith.addi %select_n3A_541, %add3A_555 : vector<16xi32>
      %min3A_557 = arith.constant 2047 : i32
      %min3A_558 = vector.broadcast %min3A_557 : i32 to vector<16xi32>
      %min3A_559 = arith.minsi %add3A_556, %min3A_558 : vector<16xi32>
      %add3A_560 = arith.constant 0 : i32
      %add3A_561 = vector.broadcast %add3A_560 : i32 to vector<16xi32>
      %add3A_562 = arith.addi %select_n3A_553, %add3A_561 : vector<16xi32>
      %min3A_563 = arith.constant 2047 : i32
      %min3A_564 = vector.broadcast %min3A_563 : i32 to vector<16xi32>
      %min3A_565 = arith.minsi %add3A_562, %min3A_564 : vector<16xi32>
      %gather3A_566 = tpu.vector_load_idx %arg10[%min3A_559] : memref<2048xf32, #tpu.memory_space<vmem>>[vector<16xi32>], vector<16xf32>,
      %gather3A_567 = tpu.vector_load_idx %arg10[%min3A_565] : memref<2048xf32, #tpu.memory_space<vmem>>[vector<16xi32>], vector<16xf32>,
      %le3A_568 = arith.cmpf ole, %gather3A_566, %get3A_129 : vector<16xf32>
      %add3A_569 = arith.constant 1 : i32
      %add3A_570 = vector.broadcast %add3A_569 : i32 to vector<16xi32>
      %add3A_571 = arith.addi %select_n3A_541, %add3A_570 : vector<16xi32>
      %le3A_572 = arith.constant 2048 : i32
      %le3A_573 = vector.broadcast %le3A_572 : i32 to vector<16xi32>
      %le3A_574 = arith.cmpi sle, %add3A_571, %le3A_573 : vector<16xi32>
      %and3A_575 = arith.andi %le3A_568, %le3A_574 : vector<16xi1>
      %add3A_576 = arith.constant 1 : i32
      %add3A_577 = vector.broadcast %add3A_576 : i32 to vector<16xi32>
      %add3A_578 = arith.addi %select_n3A_541, %add3A_577 : vector<16xi32>
      %select_n3A_579 = arith.select %and3A_575, %add3A_578, %select_n3A_541 : vector<16xi1>, vector<16xi32>
      %le3A_580 = arith.cmpf ole, %gather3A_567, %get3A_137 : vector<16xf32>
      %add3A_581 = arith.constant 1 : i32
      %add3A_582 = vector.broadcast %add3A_581 : i32 to vector<16xi32>
      %add3A_583 = arith.addi %select_n3A_553, %add3A_582 : vector<16xi32>
      %le3A_584 = arith.constant 2048 : i32
      %le3A_585 = vector.broadcast %le3A_584 : i32 to vector<16xi32>
      %le3A_586 = arith.cmpi sle, %add3A_583, %le3A_585 : vector<16xi32>
      %and3A_587 = arith.andi %le3A_580, %le3A_586 : vector<16xi1>
      %add3A_588 = arith.constant 1 : i32
      %add3A_589 = vector.broadcast %add3A_588 : i32 to vector<16xi32>
      %add3A_590 = arith.addi %select_n3A_553, %add3A_589 : vector<16xi32>
      %select_n3A_591 = arith.select %and3A_587, %add3A_590, %select_n3A_553 : vector<16xi1>, vector<16xi32>
      %mul3A_592 = arith.constant 2 : i32
      %mul3A_593 = arith.muli %mul3A_592, %scan3A_124 : i32
      %mul3A_594 = arith.constant 16 : i32
      %mul3A_595 = arith.muli %mul3A_593, %mul3A_594 : i32
      %swap3A = arith.index_cast %mul3A_595 : i32 to index
      %swap3A_596 = tpu.vector_load %arg11[%swap3A] {strides = array<i32>} : memref<512xi32, #tpu.memory_space<vmem>>, vector<16xi32>,
      tpu.vector_store %arg11[%swap3A], %select_n3A_579 {strides = array<i32>} : memref<512xi32, #tpu.memory_space<vmem>>, vector<16xi32>,
      %mul3A_597 = arith.constant 2 : i32
      %mul3A_598 = arith.muli %mul3A_597, %scan3A_124 : i32
      %add3A_599 = arith.constant 1 : i32
      %add3A_600 = arith.addi %mul3A_598, %add3A_599 : i32
      %mul3A_601 = arith.constant 16 : i32
      %mul3A_602 = arith.muli %add3A_600, %mul3A_601 : i32
      %swap3A_603 = arith.index_cast %mul3A_602 : i32 to index
      %swap3A_604 = tpu.vector_load %arg11[%swap3A_603] {strides = array<i32>} : memref<512xi32, #tpu.memory_space<vmem>>, vector<16xi32>,
      tpu.vector_store %arg11[%swap3A_603], %select_n3A_591 {strides = array<i32>} : memref<512xi32, #tpu.memory_space<vmem>>, vector<16xi32>,
      %mul3A_605 = arith.constant 2 : i32
      %mul3A_606 = arith.muli %mul3A_605, %scan3A_124 : i32
      %mul3A_607 = arith.constant 16 : i32
      %mul3A_608 = arith.muli %mul3A_606, %mul3A_607 : i32
      %add3A_609 = arith.addi %mul3A_2, %mul3A_608 : i32
      %mul3A_610 = arith.constant 2 : i32
      %mul3A_611 = arith.muli %add3A_609, %mul3A_610 : i32
      %mul3A_612 = arith.constant 2 : i32
      %mul3A_613 = vector.broadcast %mul3A_612 : i32 to vector<16xi32>
      %mul3A_614 = arith.muli %iota3A, %mul3A_613 : vector<16xi32>
      %add3A_615 = vector.broadcast %mul3A_611 : i32 to vector<16xi32>
      %add3A_616 = arith.addi %add3A_615, %mul3A_614 : vector<16xi32>
      %mul3A_617 = arith.constant 2 : i32
      %mul3A_618 = arith.muli %mul3A_617, %scan3A_124 : i32
      %mul3A_619 = arith.constant 16 : i32
      %mul3A_620 = arith.muli %mul3A_618, %mul3A_619 : i32
      %swap3A_621 = arith.index_cast %mul3A_620 : i32 to index
      %swap3A_622 = tpu.vector_load %arg12[%swap3A_621] {strides = array<i32>} : memref<512xi32, #tpu.memory_space<vmem>>, vector<16xi32>,
      tpu.vector_store %arg12[%swap3A_621], %add3A_616 {strides = array<i32>} : memref<512xi32, #tpu.memory_space<vmem>>, vector<16xi32>,
      %add3A_623 = arith.constant 32 : i32
      %add3A_624 = vector.broadcast %add3A_623 : i32 to vector<16xi32>
      %add3A_625 = arith.addi %add3A_616, %add3A_624 : vector<16xi32>
      %mul3A_626 = arith.constant 2 : i32
      %mul3A_627 = arith.muli %mul3A_626, %scan3A_124 : i32
      %add3A_628 = arith.constant 1 : i32
      %add3A_629 = arith.addi %mul3A_627, %add3A_628 : i32
      %mul3A_630 = arith.constant 16 : i32
      %mul3A_631 = arith.muli %add3A_629, %mul3A_630 : i32
      %swap3A_632 = arith.index_cast %mul3A_631 : i32 to index
      %swap3A_633 = tpu.vector_load %arg12[%swap3A_632] {strides = array<i32>} : memref<512xi32, #tpu.memory_space<vmem>>, vector<16xi32>,
      tpu.vector_store %arg12[%swap3A_632], %add3A_625 {strides = array<i32>} : memref<512xi32, #tpu.memory_space<vmem>>, vector<16xi32>,
      %add3A_634 = arith.constant 1 : i32
      %add3A_635 = vector.broadcast %add3A_634 : i32 to vector<16xi32>
      %add3A_636 = arith.addi %add3A_616, %add3A_635 : vector<16xi32>
      %mul3A_637 = arith.constant 2 : i32
      %mul3A_638 = arith.muli %mul3A_637, %scan3A_124 : i32
      %mul3A_639 = arith.constant 16 : i32
      %mul3A_640 = arith.muli %mul3A_638, %mul3A_639 : i32
      %swap3A_641 = arith.index_cast %mul3A_640 : i32 to index
      %swap3A_642 = tpu.vector_load %arg13[%swap3A_641] {strides = array<i32>} : memref<512xi32, #tpu.memory_space<vmem>>, vector<16xi32>,
      tpu.vector_store %arg13[%swap3A_641], %add3A_636 {strides = array<i32>} : memref<512xi32, #tpu.memory_space<vmem>>, vector<16xi32>,
      %add3A_643 = arith.constant 32 : i32
      %add3A_644 = vector.broadcast %add3A_643 : i32 to vector<16xi32>
      %add3A_645 = arith.addi %add3A_616, %add3A_644 : vector<16xi32>
      %add3A_646 = arith.constant 1 : i32
      %add3A_647 = vector.broadcast %add3A_646 : i32 to vector<16xi32>
      %add3A_648 = arith.addi %add3A_645, %add3A_647 : vector<16xi32>
      %mul3A_649 = arith.constant 2 : i32
      %mul3A_650 = arith.muli %mul3A_649, %scan3A_124 : i32
      %add3A_651 = arith.constant 1 : i32
      %add3A_652 = arith.addi %mul3A_650, %add3A_651 : i32
      %mul3A_653 = arith.constant 16 : i32
      %mul3A_654 = arith.muli %add3A_652, %mul3A_653 : i32
      %swap3A_655 = arith.index_cast %mul3A_654 : i32 to index
      %swap3A_656 = tpu.vector_load %arg13[%swap3A_655] {strides = array<i32>} : memref<512xi32, #tpu.memory_space<vmem>>, vector<16xi32>,
      tpu.vector_store %arg13[%swap3A_655], %add3A_648 {strides = array<i32>} : memref<512xi32, #tpu.memory_space<vmem>>, vector<16xi32>,
    }
    %scan3A_54 = arith.constant 4 : i32
    %dma_start3A_55 = arith.constant 896 : i32
    %dma_start3A_56 = arith.constant 0 : i32
    %dma_start3A_57 = tpu.memref_slice %arg14[%dma_start3A_55, %dma_start3A_56] : memref<1024x64xf32, #tpu.memory_space<vmem>> -> memref<128x64xf32, #tpu.memory_space<vmem>>
    %dma_start3A_58 = arith.constant 384 : i32
    %dma_start3A_59 = tpu.memref_slice %arg11[%dma_start3A_58] : memref<512xi32, #tpu.memory_space<vmem>> -> memref<128xi32, #tpu.memory_space<vmem>>
    %dma_start3A_60 = arith.constant 0 : i32
    %dma_start3A_61 = arith.constant 0 : i32
    %dma_start3A_62 = tpu.memref_slice %arg5[%dma_start3A_60, %dma_start3A_61] : memref<2049x64xf32, #tpu.memory_space<hbm>> -> memref<2049x64xf32, #tpu.memory_space<hbm>>
    tpu.enqueue_indirect_dma source(%dma_start3A_62 : memref<2049x64xf32, #tpu.memory_space<hbm>>) target(%dma_start3A_57 : memref<128x64xf32, #tpu.memory_space<vmem>>) offsets(%dma_start3A_59 : memref<128xi32, #tpu.memory_space<vmem>>) semaphore(%arg16 : memref<!tpu.dma_semaphore, #tpu.memory_space<semaphore_mem>>)
    %dma_wait3A = arith.constant 0 : i32
    %dma_wait3A_63 = arith.constant 0 : i32
    %dma_wait3A_64 = tpu.memref_slice %arg14[%dma_wait3A, %dma_wait3A_63] : memref<1024x64xf32, #tpu.memory_space<vmem>> -> memref<512x64xf32, #tpu.memory_space<vmem>>
    %dma_wait3A_65 = arith.constant 0 : i32
    %dma_wait3A_66 = arith.constant 0 : i32
    %dma_wait3A_67 = tpu.memref_slice %arg4[%dma_wait3A_65, %dma_wait3A_66] : memref<100001x64xf32, #tpu.memory_space<hbm>> -> memref<100001x64xf32, #tpu.memory_space<hbm>>
    tpu.wait_indirect_dma semaphore(%arg15 : memref<!tpu.dma_semaphore, #tpu.memory_space<semaphore_mem>>) src(%dma_wait3A_67 : memref<100001x64xf32, #tpu.memory_space<hbm>>) dst(%dma_wait3A_64 : memref<512x64xf32, #tpu.memory_space<vmem>>)
    %dma_start3A_68 = arith.constant 0 : i32
    %dma_start3A_69 = arith.constant 0 : i32
    %dma_start3A_70 = tpu.memref_slice %arg14[%dma_start3A_68, %dma_start3A_69] : memref<1024x64xf32, #tpu.memory_space<vmem>> -> memref<512x64xf32, #tpu.memory_space<vmem>>
    %dma_start3A_71 = arith.constant 0 : i32
    %dma_start3A_72 = arith.constant 0 : i32
    %dma_start3A_73 = tpu.memref_slice %arg7[%dma_start3A_71, %dma_start3A_72] : memref<32768x64xf32, #tpu.memory_space<hbm>> -> memref<32768x64xf32, #tpu.memory_space<hbm>>
    tpu.enqueue_indirect_dma source(%dma_start3A_70 : memref<512x64xf32, #tpu.memory_space<vmem>>) target(%dma_start3A_73 : memref<32768x64xf32, #tpu.memory_space<hbm>>) offsets(%arg12 : memref<512xi32, #tpu.memory_space<vmem>>) semaphore(%arg17 : memref<!tpu.dma_semaphore, #tpu.memory_space<semaphore_mem>>)
    %dma_wait3A_74 = arith.constant 512 : i32
    %dma_wait3A_75 = arith.constant 0 : i32
    %dma_wait3A_76 = tpu.memref_slice %arg14[%dma_wait3A_74, %dma_wait3A_75] : memref<1024x64xf32, #tpu.memory_space<vmem>> -> memref<128x64xf32, #tpu.memory_space<vmem>>
    %dma_wait3A_77 = arith.constant 0 : i32
    %dma_wait3A_78 = tpu.memref_slice %arg11[%dma_wait3A_77] : memref<512xi32, #tpu.memory_space<vmem>> -> memref<128xi32, #tpu.memory_space<vmem>>
    %dma_wait3A_79 = arith.constant 0 : i32
    %dma_wait3A_80 = arith.constant 0 : i32
    %dma_wait3A_81 = tpu.memref_slice %arg5[%dma_wait3A_79, %dma_wait3A_80] : memref<2049x64xf32, #tpu.memory_space<hbm>> -> memref<2049x64xf32, #tpu.memory_space<hbm>>
    tpu.wait_indirect_dma semaphore(%arg16 : memref<!tpu.dma_semaphore, #tpu.memory_space<semaphore_mem>>) src(%dma_wait3A_81 : memref<2049x64xf32, #tpu.memory_space<hbm>>) dst(%dma_wait3A_76 : memref<128x64xf32, #tpu.memory_space<vmem>>)
    %dma_wait3A_82 = arith.constant 640 : i32
    %dma_wait3A_83 = arith.constant 0 : i32
    %dma_wait3A_84 = tpu.memref_slice %arg14[%dma_wait3A_82, %dma_wait3A_83] : memref<1024x64xf32, #tpu.memory_space<vmem>> -> memref<128x64xf32, #tpu.memory_space<vmem>>
    %dma_wait3A_85 = arith.constant 128 : i32
    %dma_wait3A_86 = tpu.memref_slice %arg11[%dma_wait3A_85] : memref<512xi32, #tpu.memory_space<vmem>> -> memref<128xi32, #tpu.memory_space<vmem>>
    %dma_wait3A_87 = arith.constant 0 : i32
    %dma_wait3A_88 = arith.constant 0 : i32
    %dma_wait3A_89 = tpu.memref_slice %arg5[%dma_wait3A_87, %dma_wait3A_88] : memref<2049x64xf32, #tpu.memory_space<hbm>> -> memref<2049x64xf32, #tpu.memory_space<hbm>>
    tpu.wait_indirect_dma semaphore(%arg16 : memref<!tpu.dma_semaphore, #tpu.memory_space<semaphore_mem>>) src(%dma_wait3A_89 : memref<2049x64xf32, #tpu.memory_space<hbm>>) dst(%dma_wait3A_84 : memref<128x64xf32, #tpu.memory_space<vmem>>)
    %dma_wait3A_90 = arith.constant 768 : i32
    %dma_wait3A_91 = arith.constant 0 : i32
    %dma_wait3A_92 = tpu.memref_slice %arg14[%dma_wait3A_90, %dma_wait3A_91] : memref<1024x64xf32, #tpu.memory_space<vmem>> -> memref<128x64xf32, #tpu.memory_space<vmem>>
    %dma_wait3A_93 = arith.constant 256 : i32
    %dma_wait3A_94 = tpu.memref_slice %arg11[%dma_wait3A_93] : memref<512xi32, #tpu.memory_space<vmem>> -> memref<128xi32, #tpu.memory_space<vmem>>
    %dma_wait3A_95 = arith.constant 0 : i32
    %dma_wait3A_96 = arith.constant 0 : i32
    %dma_wait3A_97 = tpu.memref_slice %arg5[%dma_wait3A_95, %dma_wait3A_96] : memref<2049x64xf32, #tpu.memory_space<hbm>> -> memref<2049x64xf32, #tpu.memory_space<hbm>>
    tpu.wait_indirect_dma semaphore(%arg16 : memref<!tpu.dma_semaphore, #tpu.memory_space<semaphore_mem>>) src(%dma_wait3A_97 : memref<2049x64xf32, #tpu.memory_space<hbm>>) dst(%dma_wait3A_92 : memref<128x64xf32, #tpu.memory_space<vmem>>)
    %dma_wait3A_98 = arith.constant 896 : i32
    %dma_wait3A_99 = arith.constant 0 : i32
    %dma_wait3A_100 = tpu.memref_slice %arg14[%dma_wait3A_98, %dma_wait3A_99] : memref<1024x64xf32, #tpu.memory_space<vmem>> -> memref<128x64xf32, #tpu.memory_space<vmem>>
    %dma_wait3A_101 = arith.constant 384 : i32
    %dma_wait3A_102 = tpu.memref_slice %arg11[%dma_wait3A_101] : memref<512xi32, #tpu.memory_space<vmem>> -> memref<128xi32, #tpu.memory_space<vmem>>
    %dma_wait3A_103 = arith.constant 0 : i32
    %dma_wait3A_104 = arith.constant 0 : i32
    %dma_wait3A_105 = tpu.memref_slice %arg5[%dma_wait3A_103, %dma_wait3A_104] : memref<2049x64xf32, #tpu.memory_space<hbm>> -> memref<2049x64xf32, #tpu.memory_space<hbm>>
    tpu.wait_indirect_dma semaphore(%arg16 : memref<!tpu.dma_semaphore, #tpu.memory_space<semaphore_mem>>) src(%dma_wait3A_105 : memref<2049x64xf32, #tpu.memory_space<hbm>>) dst(%dma_wait3A_100 : memref<128x64xf32, #tpu.memory_space<vmem>>)
    %dma_start3A_106 = arith.constant 512 : i32
    %dma_start3A_107 = arith.constant 0 : i32
    %dma_start3A_108 = tpu.memref_slice %arg14[%dma_start3A_106, %dma_start3A_107] : memref<1024x64xf32, #tpu.memory_space<vmem>> -> memref<512x64xf32, #tpu.memory_space<vmem>>
    %dma_start3A_109 = arith.constant 0 : i32
    %dma_start3A_110 = arith.constant 0 : i32
    %dma_start3A_111 = tpu.memref_slice %arg7[%dma_start3A_109, %dma_start3A_110] : memref<32768x64xf32, #tpu.memory_space<hbm>> -> memref<32768x64xf32, #tpu.memory_space<hbm>>
    tpu.enqueue_indirect_dma source(%dma_start3A_108 : memref<512x64xf32, #tpu.memory_space<vmem>>) target(%dma_start3A_111 : memref<32768x64xf32, #tpu.memory_space<hbm>>) offsets(%arg13 : memref<512xi32, #tpu.memory_space<vmem>>) semaphore(%arg17 : memref<!tpu.dma_semaphore, #tpu.memory_space<semaphore_mem>>)
    %dma_wait3A_112 = arith.constant 0 : i32
    %dma_wait3A_113 = arith.constant 0 : i32
    %dma_wait3A_114 = tpu.memref_slice %arg14[%dma_wait3A_112, %dma_wait3A_113] : memref<1024x64xf32, #tpu.memory_space<vmem>> -> memref<512x64xf32, #tpu.memory_space<vmem>>
    %dma_wait3A_115 = arith.constant 0 : i32
    %dma_wait3A_116 = arith.constant 0 : i32
    %dma_wait3A_117 = tpu.memref_slice %arg7[%dma_wait3A_115, %dma_wait3A_116] : memref<32768x64xf32, #tpu.memory_space<hbm>> -> memref<32768x64xf32, #tpu.memory_space<hbm>>
    tpu.wait_indirect_dma semaphore(%arg17 : memref<!tpu.dma_semaphore, #tpu.memory_space<semaphore_mem>>) src(%dma_wait3A_114 : memref<512x64xf32, #tpu.memory_space<vmem>>) dst(%dma_wait3A_117 : memref<32768x64xf32, #tpu.memory_space<hbm>>)
    %dma_wait3A_118 = arith.constant 512 : i32
    %dma_wait3A_119 = arith.constant 0 : i32
    %dma_wait3A_120 = tpu.memref_slice %arg14[%dma_wait3A_118, %dma_wait3A_119] : memref<1024x64xf32, #tpu.memory_space<vmem>> -> memref<512x64xf32, #tpu.memory_space<vmem>>
    %dma_wait3A_121 = arith.constant 0 : i32
    %dma_wait3A_122 = arith.constant 0 : i32
    %dma_wait3A_123 = tpu.memref_slice %arg7[%dma_wait3A_121, %dma_wait3A_122] : memref<32768x64xf32, #tpu.memory_space<hbm>> -> memref<32768x64xf32, #tpu.memory_space<hbm>>
    tpu.wait_indirect_dma semaphore(%arg17 : memref<!tpu.dma_semaphore, #tpu.memory_space<semaphore_mem>>) src(%dma_wait3A_120 : memref<512x64xf32, #tpu.memory_space<vmem>>) dst(%dma_wait3A_123 : memref<32768x64xf32, #tpu.memory_space<hbm>>)
    return
  }
}

</mosaic_0001>

<sc_bundles>
// kernel: kernel.3.cloned.1.call-start
scs
__scs_entry_jumppad:
0x0: {  	(pc) =	sbr.rel $0x88, $3  }
0x1: {  	(tag) =	ssettag $0x0;
	lr =	simm.s32 $0x1  }
0x2: {  	[smem:$0x3F9C] =	sst lr;
	_ =	strace $0xD0000000  }
0x3: {  	_ = 	snop  }
0x4: {  	_ = 	snop  }
0x5: {  	_ = 	snop  }
0x6: {  	_ = 	snop  }
0x7: {  	_ = 	snop  }
__scs_overlays_trampoline_lowered:
0x8: {  	[smem:$0x3FAB] =	sst s0  }
0x9: {  	[smem:$0x3FAC] =	sst s1  }
0xa: {  	[smem:$0x3FAD] =	sst s2  }
0xb: {  	[smem:$0x3FAE] =	sst s3  }
0xc: {  	[smem:$0x3FAF] =	sst s4  }
0xd: {  	[smem:$0x3FB0] =	sst s5  }
0xe: {  	[smem:$0x3FB1] =	sst s6  }
0xf: {  	[smem:$0x3FB2] =	sst s7  }
0x10: {  	[smem:$0x3FB3] =	sst s8  }
0x11: {  	[smem:$0x3FB4] =	sst s9;
	s0 =	simm.s32 @!p0 $0x0  }
0x12: {  	s1 =	sld [smem:$0x3F9A];
	s0 =	simm.s32 @p0 $0x1  }
0x13: {  	[smem:$0x3FB5] =	sst s0;
	s0 =	simm.s32 @!p1 $0x0  }
0x14: {  	s2 =	sld [smem:$0x3F99];
	s0 =	simm.s32 @p1 $0x1  }
0x15: {  	[smem:$0x3FB6] =	sst s0;
	s0 =	simm.s32 @!p2 $0x0  }
0x16: {  	s3 =	sld [smem:$0x3FDB];
	s0 =	simm.s32 @p2 $0x1  }
0x17: {  	s4 =	simm.s32 $0x1BF5;
	[smem:$0x3FB8] =	sst s0  }
0x18: {  	s0 =	sld [smem:$0x3F9B];
	_ =	swait.ge [sflag:s4], $0x0  }
0x19: {  	s7 =	sld [smem:$0x3F9C]  }
0x1a: {  	s8 =	sadd.s32 $0xFFFFE003, lr  }
0x1b: {  	s9 =	sadd.s32 $0xFFFFFEF7, lr;
	s5 =	simm.s32 $0xFFFFFFFF;
	p2 =	slt.u32 s8, $0xFFFFF086  }
0x1c: {  	p1 =	slt.u32 s9, $0xF7A;
	s5 =	simm.s32 @!p2 $0x0  }
0x1d: {  	s5 =	simm.s32 @p1 $0x1;
	p0 =	seq.s32 s7, s2  }
0x1e: {  	s7 =	smul.u32 @!p0 $0xF7A, s2;
	p2 =	seq.s32 @!p0 s5, $0x0  }
0x1f: {  	s9 =	smul.u32 $0xF7A, s1;
	s8 =	simm.s32 @!p0 $0x1BF5;
	p2 =	por !p2, p0  }
0x20: {  	[sflag:s8] =	ssyncset.s32 @!p0 $0xFFFFF086;
	s6 =	sadd.s32 @!p0 s3, s7;
	s7 =	simm.s32 @!p0 $0x108  }
0x21: {  	s3 =	sadd.s32 s3, s9;
	s6 =	sadd.s32 @!p0 $0x88, s6;
	s7 =	simm.s32 @p2 $0x1082  }
0x22: {  	[simem:s7], [sflag:s8] =	dma.local @!p0 [hbm:s6], $0xF7A  }
0x23: {  	s9 =	sor.u32 $0xD0000000, s2;
	s6 =	simm.s32 $0x108;
	_ =	swait.ge @!p0 [sflag:s8], $0x0  }
0x24: {  	s3 =	sadd.s32 $0x88, s3;
	s6 =	simm.s32 @!p1 $0x1082;
	[sflag:s4] =	ssyncset.s32 $0xFFFFF086  }
0x25: {  	[simem:s6], [sflag:s4] =	dma.local [hbm:s3], $0xF7A  }
0x26: {  	[smem:$0x3F9C] =	sst s1;
	(tag) =	ssettag s2;
	_ =	strace s9  }
0x27: {  	s1 =	sld [smem:$0x3FAC]  }
0x28: {  	s2 =	sld [smem:$0x3FAD]  }
0x29: {  	s4 =	sld [smem:$0x3FAF]  }
0x2a: {  	p0 =	seq.s32 s5, $0x0;
	s5 =	sld [smem:$0x3FB0]  }
0x2b: {  	s6 =	sld [smem:$0x3FB1]  }
0x2c: {  	s7 =	sld [smem:$0x3FB2]  }
0x2d: {  	s3 =	simm.s32 $0x108;
	s8 =	sld [smem:$0x3FB3]  }
0x2e: {  	s3 =	simm.s32 @!p0 $0x1082;
	s9 =	sld [smem:$0x3FB4]  }
0x2f: {  	lr =	sadd.s32 s0, s3;
	s0 =	sld [smem:$0x3FAB]  }
0x30: {  	s3 =	sld [smem:$0x3FAE]  }
0x31: {  	[smem:$0x3FB7] =	sst s10  }
0x32: {  	s10 =	sld [smem:$0x3FB5];
	_ =	sdelay $0x3  }
0x33: {  	p0 =	seq.s32 s10, $0x1;
	s10 =	sld [smem:$0x3FB7];
	_ =	sdelay $0x3  }
0x34: {  	[smem:$0x3FB7] =	sst s10  }
0x35: {  	s10 =	sld [smem:$0x3FB6];
	_ =	sdelay $0x3  }
0x36: {  	p1 =	seq.s32 s10, $0x1;
	s10 =	sld [smem:$0x3FB7];
	_ =	sdelay $0x3  }
0x37: {  	[smem:$0x3FB7] =	sst s10  }
0x38: {  	s10 =	sld [smem:$0x3FB8]  }
0x39: {  	_ = 	snop;
	(pc) =	sbr.ind lr, $3  }
0x3a: {  	_ = 	snop  }
0x3b: {  	_ = 	snop  }
0x3c: {  	p2 =	seq.s32 s10, $0x1;
	s10 =	sld [smem:$0x3FB7]  }
0x3d: {  	_ =	shalt  }
0x3e: {  	_ =	shalt  }
0x3f: {  	_ =	shalt  }
0x40: {  	_ =	shalt  }
0x41: {  	_ =	shalt  }
0x42: {  	_ =	shalt  }
0x43: {  	_ =	shalt  }
0x44: {  	_ =	shalt  }
0x45: {  	_ =	shalt  }
0x46: {  	_ =	shalt  }
0x47: {  	_ =	shalt  }
0x48: {  	_ =	shalt  }
0x49: {  	_ =	shalt  }
0x4a: {  	_ =	shalt  }
0x4b: {  	_ =	shalt  }
0x4c: {  	_ =	shalt  }
0x4d: {  	_ =	shalt  }
0x4e: {  	_ =	shalt  }
0x4f: {  	_ =	shalt  }
0x50: {  	_ =	shalt  }
0x51: {  	_ =	shalt  }
0x52: {  	_ =	shalt  }
0x53: {  	_ =	shalt  }
0x54: {  	_ =	shalt  }
0x55: {  	_ =	shalt  }
0x56: {  	_ =	shalt  }
0x57: {  	_ =	shalt  }
0x58: {  	_ =	shalt  }
0x59: {  	_ =	shalt  }
0x5a: {  	_ =	shalt  }
0x5b: {  	_ =	shalt  }
0x5c: {  	_ =	shalt  }
0x5d: {  	_ =	shalt  }
0x5e: {  	_ =	shalt  }
0x5f: {  	_ =	shalt  }
0x60: {  	_ =	shalt  }
0x61: {  	_ =	shalt  }
0x62: {  	_ =	shalt  }
0x63: {  	_ =	shalt  }
0x64: {  	_ =	shalt  }
0x65: {  	_ =	shalt  }
0x66: {  	_ =	shalt  }
0x67: {  	_ =	shalt  }
0x68: {  	_ =	shalt  }
0x69: {  	_ =	shalt  }
0x6a: {  	_ =	shalt  }
0x6b: {  	_ =	shalt  }
0x6c: {  	_ =	shalt  }
0x6d: {  	_ =	shalt  }
0x6e: {  	_ =	shalt  }
0x6f: {  	_ =	shalt  }
0x70: {  	_ =	shalt  }
0x71: {  	_ =	shalt  }
0x72: {  	_ =	shalt  }
0x73: {  	_ =	shalt  }
0x74: {  	_ =	shalt  }
0x75: {  	_ =	shalt  }
0x76: {  	_ =	shalt  }
0x77: {  	_ =	shalt  }
0x78: {  	_ =	shalt  }
0x79: {  	_ =	shalt  }
0x7a: {  	_ =	shalt  }
0x7b: {  	_ =	shalt  }
0x7c: {  	_ =	shalt  }
0x7d: {  	_ =	shalt  }
0x7e: {  	_ =	shalt  }
0x7f: {  	_ =	shalt  }
0x80: {  	_ =	shalt  }
0x81: {  	_ =	shalt  }
0x82: {  	_ =	shalt  }
0x83: {  	_ =	shalt  }
0x84: {  	_ =	shalt  }
0x85: {  	_ =	shalt  }
0x86: {  	_ =	shalt  }
0x87: {  	_ =	shalt  }
.Lfunc_end0:
.L_simem_size_0:
called_computation_lowered:
.L_overlay_start_0:
0x88: {  	s2 =	sld [smem:$0x3FD9]  }
0x89: {  	s3 =	sld [smem:$0x3FFE];
	_ =	sdelay $0x1  }
0x8a: {  	s1 =	srdreg.scid  }
0x8b: {  	s0 =	sand.u32 $0x1, s1  }
0x8c: {  	s17 =	sshll.u32 s0, $0xA;
	s2 =	sadd.s32 s3, s2  }
0x8d: {  	s2 =	sadd.s32 s2, s17  }
0x8e: {  	[smem:$0x3FC3] =	sst s2  }
0x8f: {  	_ = 	snop  }
0x90: {  	s2 =	sld [smem:$0x3FC9]  }
0x91: {  	s18 =	sld [smem:$0x3FC8]  }
0x92: {  	s4 =	sld [smem:$0x3FC5]  }
0x93: {  	s5 =	sld [smem:$0x3FD0];
	(tm) =	ssettm $0x1  }
0x94: {  	s6 =	sld [smem:$0x3FFB];
	_ =	sdelay $0x3  }
0x95: {  	_ =	strace s6  }
0x96: {  	s6 =	sld [smem:$0x3FFC];
	_ =	sdelay $0x3  }
0x97: {  	_ =	strace s6  }
0x98: {  	s6 =	sld [smem:$0x3FFD];
	_ =	sdelay $0x3  }
0x99: {  	_ =	strace s6  }
0x9a: {  	_ =	strace $0x8FFFFFFF  }
0x9b: {  	s19 =	sld [smem:$0x3FDB];
	_ =	sdelay $0x1  }
0x9c: {  	s7 =	simm.s32 $_scs_section_size  }
0x9d: {  	s8 =	simm.s32 $_size__tile_overlayer_lowered;
	s9 =	simm.s32 $_tile_overlayer_lowered  }
0x9e: {  	s22 =	simm.s32 $0x1BFF;
	s21 =	sshll.u32 s9, $0x1;
	s6 =	sadd.s32 s7, s19  }
0x9f: {  	s10 =	simm.s32 $0x0;
	s20 =	sshll.u32 s8, $0x1;
	s8 =	sadd.s32 s21, s6  }
0xa0: {  	[timem:s10], [sflag:s22] =	dma.local [hbm:s8], s20  }
0xa1: {  	_ =	swait.ge [sflag:s22], s20  }
0xa2: {  	s7 =	ssub.s32 $0x0, s20;
	[sflag:s22] =	ssyncset.done $0x0  }
0xa3: {  	[sflag:s22] =	ssyncadd.s32 s7;
	_ =	sdelay $0x1  }
0xa4: {  	s23 =	simm.s32 $0x1B8B  }
0xa5: {  	_ =	swait.ge [sflag:s23], $0x1  }
0xa6: {  	[sflag:s23] =	ssyncset.done $0x0  }
0xa7: {  	s25 =	simm.s32 $0x1B8E;
	s24 =	sld [smem:$0x3FFE];
	[sflag:s23] =	ssyncadd.s32 $0xFFFFFFFF  }
0xa8: {  	s26 =	simm.s32 $execute0_lowered;
	[smem:$0x3FD2] =	sst s25  }
0xa9: {  	s8 =	sshll.u32 s26, $0x1;
	_ =	strace $0x80000046;
	[dreg:$0x1] =	wrdreg $0xFFFFFFFF  }
0xaa: {  	s28 =	simm.s32 $_size_execute0_lowered;
	s6 =	sadd.s32 s6, s8;
	[dreg:$0x0] =	wrdreg $0x0  }
0xab: {  	s8 =	sshll.u32 s28, $0x1;
	[dreg:$0x2] =	wrdreg s6  }
0xac: {  	[dreg:$0x3] =	wrdreg s8  }
0xad: {  	[dreg:$0x4] =	wrdreg $0xC0  }
0xae: {  	_ =	task [dreg:s10], $0x5FFFF  }
0xaf: {  	[dreg:$0x1] =	wrdreg $0xFFFFFFFF  }
0xb0: {  	[dreg:$0x0] =	wrdreg $0x60  }
0xb1: {  	[dreg:$0x2] =	wrdreg s2  }
0xb2: {  	[dreg:$0x3] =	wrdreg s18  }
0xb3: {  	[dreg:$0x4] =	wrdreg s24  }
0xb4: {  	[dreg:$0x5] =	wrdreg s4  }
0xb5: {  	[dreg:$0x6] =	wrdreg s5  }
0xb6: {  	[dreg:$0x7] =	wrdreg $0x9  }
0xb7: {  	_ =	task.clear_ibuf [dreg:s10], $0x8FFFF;
	_ =	strace $0x90000046  }
0xb8: {  	s29 =	simm.s32 $0x9;
	_ =	strace $0x80000048  }
0xb9: {  	_ =	swait.ge [sflag:s29], $0x1  }
0xba: {  	[sflag:s29] =	ssyncadd.s32 $0xFFFFFFFF  }
0xbb: {  	_ =	strace $0x90000048  }
0xbc: {  	_ =	sfence  }
0xbd: {  	s30 =	sld [smem:$0x0];
	_ =	sdelay $0x2  }
0xbe: {  	s31 =	sshll.u32 s1, $0xD;
	s1 =	sshrl.u32 s1, $0x2  }
0xbf: {  	s3 =	sand.u32 $0x4000, s31;
	s1 =	sadd.s32 s1, s30  }
0xc0: {  	s0 =	sor.u32 s3, s0;
	s1 =	sshll.u32 s1, $0x11  }
0xc1: {  	s0 =	sor.u32 s1, s0  }
0xc2: {  	s0 =	sadd.s32 $0x8F2B, s0  }
0xc3: {  	[sflag:s0] =	ssyncadd.remote.s32 $0x1  }
0xc4: {  	_ =	sfence.sel $0xFFFF  }
0xc5: {  	[dreg:$0x0] =	wrdreg $0xFFFFFFFF;
	(pc) =	sbr.abs _section_cstart, $3  }
0xc6: {  	[dreg:$0x1] =	wrdreg $0xFFFFFFFF  }
0xc7: {  	_ =	task.clear_ibuf [dreg:s10], $0x2FFFF;
	_ =	strace $0x9FFFFFFF  }
0xc8: {  	(tm) =	ssettm $0x7FFFFFFF  }
0xc9: {  	_ =	shalt  }
tec
execute0_lowered:
.L_overlay_start_1:
0x0: {  	(tag) =	ssettag $0x1  }
0x1: {  	s0 =	rddreg [dreg:$0x0]  }
0x2: {  	s1 =	rddreg [dreg:$0x1]  }
0x3: {  	s3 =	rddreg [dreg:$0x2]  }
0x4: {  	s2 =	rddreg [dreg:$0x4]  }
0x5: {  	s4 =	simm.s32 $0x0;
	s5 =	srdreg.scid;
	s12 =	stileid.u32  }
0x6: {  	s14 =	simm.s32 $0x4;
	s15 =	simm.s32 $0x200;
	s16 =	simm.s32 $0x1200  }
0x7: {  	s17 =	simm.s32 $0x400;
	s18 =	simm.s32 $0x80;
	s20 =	simm.s32 $0x9200  }
0x8: {  	s22 =	simm.s32 $0xB200;
	s23 =	simm.s32 $0xD00;
	s28 =	simm.s32 $0x1  }
0x9: {  	s29 =	simm.s32 $0xE00;
	s30 =	simm.s32 $0x2;
	s31 =	simm.s32 $0x1000  }
0xa: {  	[smem:$0x7FF] =	sst s4;
	s9 =	sand.u32 $0x1, s5;
	s5 =	sadd.s32 $0x187200, s3  }
0xb: {  	s6 =	sshll.u32 s12, $0xA;
	s25 =	sshll.u32 s12, $0xB;
	_ =	strace $0x80000047  }
0xc: {  	s7 =	sshll.u32 s9, $0x9;
	s8 =	ssub.s32 $0x2, s9;
	s26 =	sshll.u32 s9, $0xA  }
0xd: {  	s10 =	sor.u32 s7, s6;
	s6 =	sadd.s32 $0x600, s3;
	s24 =	sshrl.u32 s8, $0x1  }
0xe: {  	v1 =	vimm.s32 $0x7FF;
	s11 =	sshrl.u32 s10, $0x3;
	s3 =	ssub.s32 s8, s24;
	s10 =	sshll.u32 s10, $0x1  }
0xf: {  	v0 =	vlaneseq.u32;
	s24 =	simm.s32 $0xD200;
	s7 =	sadd.s32 s0, s11;
	s8 =	sadd.s32 s1, s11  }
0x10: {  	v0 =	vmul.u32 $0x2, v0;
	s9 =	smax.u32 s3, $0x1;
	s1 =	sor.u32 s26, s25;
	s11 =	sor.u32 $0x100, s10  }
0x11: {  	v2 =	vimm.s32 $0x0;
	s12 =	sor.u32 $0x200, s10;
	s13 =	sor.u32 $0x300, s10;
	s25 =	simm.s32 $0xD80  }
0x12: {  	v3 =	vor.u32 $0x20, v0;
	v4 =	vor.u32 $0x1, v0;
	v5 =	vor.u32 $0x21, v0;
	s26 =	simm.s32 $0xF200;
	s0 =	simm.s32 $0x3;
	s3 =	simm.s32 $0x0  }
.LBB2_1:
0x13: {  	[tilespmem:s4], [sflag:$0x4] =	stream.linear.gather [hbm4b:s7+s4], $0x200, $0x38;
	[tilespmem:$0x11200] =	vst v63  }
0x14: {  	_ =	swait.ge [sflag:s14], $0x200  }
0x15: {  	[sflag:s14] =	ssyncset.done $0x0  }
0x16: {  	[sflag:s14] =	ssyncadd.s32 $0xFFFFFE00  }
0x17: {  	[tilespmem:s16], [sflag:$0x1] =	stream.indirect.gather [hbm4b:s5+s15], $0x40, s4, s15, $0xb8;
	[tilespmem:$0x11200] =	vst v63  }
0x18: {  	s10 =	rddreg [dreg:$0x3]  }
0x19: {  	[tilespmem:s17], [sflag:$0x4] =	stream.linear.gather [hbm4b:s10+s4], $0x800, $0x38;
	[tilespmem:$0x11200] =	vst v63  }
0x1a: {  	_ =	swait.ge [sflag:s14], $0x800  }
0x1b: {  	[sflag:s14] =	ssyncset.done $0x0  }
0x1c: {  	[sflag:s14] =	ssyncadd.s32 $0xFFFFF800  }
0x1d: {  	[tilespmem:s15], [sflag:$0x4] =	stream.linear.gather [hbm4b:s8+s4], $0x200, $0x38;
	[tilespmem:$0x11200] =	vst v63  }
0x1e: {  	_ =	swait.ge [sflag:s14], $0x200  }
0x1f: {  	[sflag:s14] =	ssyncset.done $0x0  }
0x20: {  	s19 =	simm.s32 $0x0;
	s10 =	smov.u32 s1;
	[sflag:s14] =	ssyncadd.s32 $0xFFFFFE00  }
.LBB2_2:
0x21: {  	s21 =	sshra.s32 s19, $0x2;
	v8 =	vld.idx.msk [tilespmem:v1+s17+$0x0], $0xffff  }
0x22: {  	v7 =	vld [tilespmem:s21+$0x200]  }
0x23: {  	v6 =	vld [tilespmem:s21+$0x210];
	_ =	sdelay $0x3  }
0x24: {  	vm0 =	vle.f32 v8, v7  }
0x25: {  	vm10 =	vle.f32 v8, v6;
	v9 =	vsel vm0, $0x800, v2  }
0x26: {  	v8 =	vsel vm10, $0x800, v2;
	v10 =	vor.u32 $0x3FF, v9  }
0x27: {  	v11 =	vor.u32 $0x3FF, v8;
	v10 =	vmin.u32 v10, $0x7FF  }
0x28: {  	v11 =	vmin.u32 v11, $0x7FF;
	_ =	sdelay $0x3  }
0x29: {  	v10 =	vld.idx.msk [tilespmem:v10+s17+$0x0], $0xffff  }
0x2a: {  	v11 =	vld.idx.msk [tilespmem:v11+s17+$0x0], $0xffff;
	_ =	sdelay $0x2  }
0x2b: {  	v12 =	vor.u32 $0x400, v9  }
0x2c: {  	v27 =	vor.u32 $0x400, v8;
	vm1 =	vlt.u32 v12, $0x801;
	vm11 =	vle.f32 v10, v7  }
0x2d: {  	vm2 =	vlt.u32 v27, $0x801;
	vm12 =	vle.f32 v11, v6;
	vm0 =	vmand vm11, vm1  }
0x2e: {  	vm13 =	vmand vm12, vm2;
	v9 =	vsel vm0, v12, v9  }
0x2f: {  	v8 =	vsel vm13, v27, v8;
	v28 =	vor.u32 $0x1FF, v9  }
0x30: {  	v29 =	vor.u32 $0x1FF, v8;
	v10 =	vmin.u32 v28, $0x7FF  }
0x31: {  	v11 =	vmin.u32 v29, $0x7FF;
	_ =	sdelay $0x3  }
0x32: {  	v10 =	vld.idx.msk [tilespmem:v10+s17+$0x0], $0xffff  }
0x33: {  	v11 =	vld.idx.msk [tilespmem:v11+s17+$0x0], $0xffff;
	_ =	sdelay $0x2  }
0x34: {  	v12 =	vor.u32 $0x200, v9  }
0x35: {  	v30 =	vor.u32 $0x200, v8;
	vm15 =	vlt.u32 v12, $0x801;
	vm14 =	vle.f32 v10, v7  }
0x36: {  	vm5 =	vlt.u32 v30, $0x801;
	vm4 =	vle.f32 v11, v6;
	vm0 =	vmand vm14, vm15  }
0x37: {  	vm6 =	vmand vm4, vm5;
	v9 =	vsel vm0, v12, v9  }
0x38: {  	v8 =	vsel vm6, v30, v8;
	v31 =	vor.u32 $0xFF, v9  }
0x39: {  	v32 =	vor.u32 $0xFF, v8;
	v10 =	vmin.u32 v31, $0x7FF  }
0x3a: {  	v11 =	vmin.u32 v32, $0x7FF;
	_ =	sdelay $0x3  }
0x3b: {  	v10 =	vld.idx.msk [tilespmem:v10+s17+$0x0], $0xffff  }
0x3c: {  	v11 =	vld.idx.msk [tilespmem:v11+s17+$0x0], $0xffff;
	_ =	sdelay $0x2  }
0x3d: {  	v12 =	vor.u32 $0x100, v9  }
0x3e: {  	v33 =	vor.u32 $0x100, v8;
	vm8 =	vlt.u32 v12, $0x801;
	vm7 =	vle.f32 v10, v7  }
0x3f: {  	vm10 =	vlt.u32 v33, $0x801;
	vm9 =	vle.f32 v11, v6;
	vm0 =	vmand vm7, vm8  }
0x40: {  	vm11 =	vmand vm9, vm10;
	v9 =	vsel vm0, v12, v9  }
0x41: {  	v8 =	vsel vm11, v33, v8;
	v34 =	vmin.u32 v9, $0x780  }
0x42: {  	v35 =	vmin.u32 v8, $0x780;
	v10 =	vadd.s32 $0x7F, v34  }
0x43: {  	v11 =	vadd.s32 $0x7F, v35;
	_ =	sdelay $0x3  }
0x44: {  	v10 =	vld.idx.msk [tilespmem:v10+s17+$0x0], $0xffff  }
0x45: {  	v11 =	vld.idx.msk [tilespmem:v11+s17+$0x0], $0xffff;
	_ =	sdelay $0x3  }
0x46: {  	v36 =	vadd.s32 $0x80, v9;
	vm13 =	vlt.u32 v9, $0x781;
	vm12 =	vle.f32 v10, v7  }
0x47: {  	vm15 =	vlt.u32 v8, $0x781;
	vm14 =	vle.f32 v11, v6;
	vm0 =	vmand vm12, vm13  }
0x48: {  	v37 =	vadd.s32 $0x80, v8;
	vm4 =	vmand vm14, vm15;
	v9 =	vsel vm0, v36, v9  }
0x49: {  	v8 =	vsel vm4, v37, v8;
	v38 =	vmin.u32 v9, $0x7C0  }
0x4a: {  	v39 =	vmin.u32 v8, $0x7C0;
	v10 =	vadd.s32 $0x3F, v38  }
0x4b: {  	v11 =	vadd.s32 $0x3F, v39;
	_ =	sdelay $0x3  }
0x4c: {  	v10 =	vld.idx.msk [tilespmem:v10+s17+$0x0], $0xffff  }
0x4d: {  	v11 =	vld.idx.msk [tilespmem:v11+s17+$0x0], $0xffff;
	_ =	sdelay $0x3  }
0x4e: {  	v40 =	vadd.s32 $0x40, v9;
	vm6 =	vlt.u32 v9, $0x7C1;
	vm5 =	vle.f32 v10, v7  }
0x4f: {  	vm8 =	vlt.u32 v8, $0x7C1;
	vm7 =	vle.f32 v11, v6;
	vm0 =	vmand vm5, vm6  }
0x50: {  	v41 =	vadd.s32 $0x40, v8;
	vm9 =	vmand vm7, vm8;
	v9 =	vsel vm0, v40, v9  }
0x51: {  	v8 =	vsel vm9, v41, v8;
	v42 =	vmin.u32 v9, $0x7E0  }
0x52: {  	v43 =	vmin.u32 v8, $0x7E0;
	v10 =	vadd.s32 $0x1F, v42  }
0x53: {  	v11 =	vadd.s32 $0x1F, v43;
	_ =	sdelay $0x3  }
0x54: {  	v10 =	vld.idx.msk [tilespmem:v10+s17+$0x0], $0xffff  }
0x55: {  	v11 =	vld.idx.msk [tilespmem:v11+s17+$0x0], $0xffff;
	_ =	sdelay $0x3  }
0x56: {  	v44 =	vadd.s32 $0x20, v9;
	vm11 =	vlt.u32 v9, $0x7E1;
	vm10 =	vle.f32 v10, v7  }
0x57: {  	vm13 =	vlt.u32 v8, $0x7E1;
	vm12 =	vle.f32 v11, v6;
	vm0 =	vmand vm10, vm11  }
0x58: {  	v45 =	vadd.s32 $0x20, v8;
	vm14 =	vmand vm12, vm13;
	v9 =	vsel vm0, v44, v9  }
0x59: {  	v8 =	vsel vm14, v45, v8;
	v46 =	vmin.u32 v9, $0x7F0  }
0x5a: {  	v47 =	vmin.u32 v8, $0x7F0;
	v10 =	vadd.s32 $0xF, v46  }
0x5b: {  	v11 =	vadd.s32 $0xF, v47;
	_ =	sdelay $0x3  }
0x5c: {  	v10 =	vld.idx.msk [tilespmem:v10+s17+$0x0], $0xffff  }
0x5d: {  	v11 =	vld.idx.msk [tilespmem:v11+s17+$0x0], $0xffff;
	_ =	sdelay $0x3  }
0x5e: {  	v48 =	vadd.s32 $0x10, v9;
	vm4 =	vlt.u32 v9, $0x7F1;
	vm15 =	vle.f32 v10, v7  }
0x5f: {  	vm6 =	vlt.u32 v8, $0x7F1;
	vm5 =	vle.f32 v11, v6;
	vm0 =	vmand vm15, vm4  }
0x60: {  	v49 =	vadd.s32 $0x10, v8;
	vm7 =	vmand vm5, vm6;
	v9 =	vsel vm0, v48, v9  }
0x61: {  	v8 =	vsel vm7, v49, v8;
	v50 =	vmin.u32 v9, $0x7F8  }
0x62: {  	v51 =	vmin.u32 v8, $0x7F8;
	v10 =	vadd.s32 $0x7, v50  }
0x63: {  	v11 =	vadd.s32 $0x7, v51;
	_ =	sdelay $0x3  }
0x64: {  	v10 =	vld.idx.msk [tilespmem:v10+s17+$0x0], $0xffff  }
0x65: {  	v11 =	vld.idx.msk [tilespmem:v11+s17+$0x0], $0xffff;
	_ =	sdelay $0x3  }
0x66: {  	v52 =	vadd.s32 $0x8, v9;
	vm9 =	vlt.u32 v9, $0x7F9;
	vm8 =	vle.f32 v10, v7  }
0x67: {  	vm11 =	vlt.u32 v8, $0x7F9;
	vm10 =	vle.f32 v11, v6;
	vm0 =	vmand vm8, vm9  }
0x68: {  	v53 =	vadd.s32 $0x8, v8;
	vm12 =	vmand vm10, vm11;
	v9 =	vsel vm0, v52, v9  }
0x69: {  	v8 =	vsel vm12, v53, v8;
	v54 =	vmin.u32 v9, $0x7FC  }
0x6a: {  	v55 =	vmin.u32 v8, $0x7FC;
	v10 =	vadd.s32 $0x3, v54  }
0x6b: {  	v11 =	vadd.s32 $0x3, v55;
	_ =	sdelay $0x3  }
0x6c: {  	v10 =	vld.idx.msk [tilespmem:v10+s17+$0x0], $0xffff  }
0x6d: {  	v11 =	vld.idx.msk [tilespmem:v11+s17+$0x0], $0xffff;
	_ =	sdelay $0x3  }
0x6e: {  	v56 =	vadd.s32 $0x4, v9;
	vm14 =	vlt.u32 v9, $0x7FD;
	vm13 =	vle.f32 v10, v7  }
0x6f: {  	vm4 =	vlt.u32 v8, $0x7FD;
	vm15 =	vle.f32 v11, v6;
	vm0 =	vmand vm13, vm14  }
0x70: {  	v57 =	vadd.s32 $0x4, v8;
	vm5 =	vmand vm15, vm4;
	v9 =	vsel vm0, v56, v9  }
0x71: {  	v8 =	vsel vm5, v57, v8;
	v58 =	vmin.u32 v9, $0x7FE  }
0x72: {  	v59 =	vmin.u32 v8, $0x7FE;
	v10 =	vadd.s32 $0x1, v58  }
0x73: {  	v11 =	vadd.s32 $0x1, v59;
	_ =	sdelay $0x3  }
0x74: {  	v10 =	vld.idx.msk [tilespmem:v10+s17+$0x0], $0xffff  }
0x75: {  	v11 =	vld.idx.msk [tilespmem:v11+s17+$0x0], $0xffff;
	_ =	sdelay $0x3  }
0x76: {  	v60 =	vadd.s32 $0x2, v9;
	vm7 =	vlt.u32 v9, $0x7FF;
	vm6 =	vle.f32 v10, v7  }
0x77: {  	vm9 =	vlt.u32 v8, $0x7FF;
	vm8 =	vle.f32 v11, v6;
	vm0 =	vmand vm6, vm7  }
0x78: {  	v61 =	vadd.s32 $0x2, v8;
	vm10 =	vmand vm8, vm9;
	v9 =	vsel vm0, v60, v9  }
0x79: {  	v8 =	vsel vm10, v61, v8;
	v62 =	vmin.u32 v9, $0x7FF  }
0x7a: {  	v63 =	vmin.u32 v8, $0x7FF;
	_ =	sdelay $0x3  }
0x7b: {  	v10 =	vld.idx.msk [tilespmem:v62+s17+$0x0], $0xffff  }
0x7c: {  	v11 =	vld.idx.msk [tilespmem:v63+s17+$0x0], $0xffff;
	_ =	sdelay $0x3  }
0x7d: {  	vm12 =	vlt.u32 v9, $0x800;
	vm11 =	vle.f32 v10, v7  }
0x7e: {  	vm14 =	vlt.u32 v8, $0x800;
	vm13 =	vle.f32 v11, v6;
	vm0 =	vmand vm11, vm12  }
0x7f: {  	vm15 =	vmand vm13, vm14;
	v6 =	vsel vm0, $0x1, v2  }
0x80: {  	v7 =	vsel vm15, $0x1, v2;
	v6 =	vadd.s32 v6, v9  }
0x81: {  	p0 =	sne.s32 s19, $0x180;
	v7 =	vadd.s32 v7, v8;
	[tilespmem:s21+$0xC00] =	vst v6  }
.Ltmp0:
0x82: {  	[tilespmem:s21+$0xC10] =	vst v7;
	v6 =	vor.u32 s10, v0;
	(pc) =	sbr.rel @p0 .LBB2_2-.Ltmp0, $4  }
0x83: {  	[tilespmem:s21+$0xE00] =	vst v6;
	v6 =	vor.u32 s10, v3  }
0x84: {  	[tilespmem:s21+$0xE10] =	vst v6;
	v6 =	vor.u32 s10, v4  }
0x85: {  	[tilespmem:s21+$0x1000] =	vst v6;
	v6 =	vor.u32 s10, v5  }
0x86: {  	s19 =	sadd.s32 $0x80, s19;
	s10 =	sadd.s32 $0x40, s10;
	[tilespmem:s21+$0x1010] =	vst v6  }
0x87: {  	s10 =	simm.s32 $0xC00  }
0x88: {  	[tilespmem:s20], [sflag:$0x2] =	stream.indirect.gather [hbm4b:s6+s18], $0x40, s10, s18, $0xb8;
	[tilespmem:$0x11200] =	vst v63  }
0x89: {  	s19 =	smov.u32 s11;
	s10 =	simm.s32 $0x0  }
.LBB2_4:
0x8a: {  	s21 =	sshra.s32 s10, $0x2;
	v8 =	vld.idx.msk [tilespmem:v1+s17+$0x0], $0xffff  }
0x8b: {  	v7 =	vld [tilespmem:s21+$0x280]  }
0x8c: {  	v6 =	vld [tilespmem:s21+$0x290];
	_ =	sdelay $0x3  }
0x8d: {  	vm0 =	vle.f32 v8, v7  }
0x8e: {  	vm10 =	vle.f32 v8, v6;
	v9 =	vsel vm0, $0x800, v2  }
0x8f: {  	v8 =	vsel vm10, $0x800, v2;
	v10 =	vor.u32 $0x3FF, v9  }
0x90: {  	v11 =	vor.u32 $0x3FF, v8;
	v10 =	vmin.u32 v10, $0x7FF  }
0x91: {  	v11 =	vmin.u32 v11, $0x7FF;
	_ =	sdelay $0x3  }
0x92: {  	v10 =	vld.idx.msk [tilespmem:v10+s17+$0x0], $0xffff  }
0x93: {  	v11 =	vld.idx.msk [tilespmem:v11+s17+$0x0], $0xffff;
	_ =	sdelay $0x2  }
0x94: {  	v12 =	vor.u32 $0x400, v9  }
0x95: {  	v27 =	vor.u32 $0x400, v8;
	vm1 =	vlt.u32 v12, $0x801;
	vm11 =	vle.f32 v10, v7  }
0x96: {  	vm2 =	vlt.u32 v27, $0x801;
	vm12 =	vle.f32 v11, v6;
	vm0 =	vmand vm11, vm1  }
0x97: {  	vm13 =	vmand vm12, vm2;
	v9 =	vsel vm0, v12, v9  }
0x98: {  	v8 =	vsel vm13, v27, v8;
	v28 =	vor.u32 $0x1FF, v9  }
0x99: {  	v29 =	vor.u32 $0x1FF, v8;
	v10 =	vmin.u32 v28, $0x7FF  }
0x9a: {  	v11 =	vmin.u32 v29, $0x7FF;
	_ =	sdelay $0x3  }
0x9b: {  	v10 =	vld.idx.msk [tilespmem:v10+s17+$0x0], $0xffff  }
0x9c: {  	v11 =	vld.idx.msk [tilespmem:v11+s17+$0x0], $0xffff;
	_ =	sdelay $0x2  }
0x9d: {  	v12 =	vor.u32 $0x200, v9  }
0x9e: {  	v30 =	vor.u32 $0x200, v8;
	vm15 =	vlt.u32 v12, $0x801;
	vm14 =	vle.f32 v10, v7  }
0x9f: {  	vm5 =	vlt.u32 v30, $0x801;
	vm4 =	vle.f32 v11, v6;
	vm0 =	vmand vm14, vm15  }
0xa0: {  	vm6 =	vmand vm4, vm5;
	v9 =	vsel vm0, v12, v9  }
0xa1: {  	v8 =	vsel vm6, v30, v8;
	v31 =	vor.u32 $0xFF, v9  }
0xa2: {  	v32 =	vor.u32 $0xFF, v8;
	v10 =	vmin.u32 v31, $0x7FF  }
0xa3: {  	v11 =	vmin.u32 v32, $0x7FF;
	_ =	sdelay $0x3  }
0xa4: {  	v10 =	vld.idx.msk [tilespmem:v10+s17+$0x0], $0xffff  }
0xa5: {  	v11 =	vld.idx.msk [tilespmem:v11+s17+$0x0], $0xffff;
	_ =	sdelay $0x2  }
0xa6: {  	v12 =	vor.u32 $0x100, v9  }
0xa7: {  	v33 =	vor.u32 $0x100, v8;
	vm8 =	vlt.u32 v12, $0x801;
	vm7 =	vle.f32 v10, v7  }
0xa8: {  	vm10 =	vlt.u32 v33, $0x801;
	vm9 =	vle.f32 v11, v6;
	vm0 =	vmand vm7, vm8  }
0xa9: {  	vm11 =	vmand vm9, vm10;
	v9 =	vsel vm0, v12, v9  }
0xaa: {  	v8 =	vsel vm11, v33, v8;
	v34 =	vmin.u32 v9, $0x780  }
0xab: {  	v35 =	vmin.u32 v8, $0x780;
	v10 =	vadd.s32 $0x7F, v34  }
0xac: {  	v11 =	vadd.s32 $0x7F, v35;
	_ =	sdelay $0x3  }
0xad: {  	v10 =	vld.idx.msk [tilespmem:v10+s17+$0x0], $0xffff  }
0xae: {  	v11 =	vld.idx.msk [tilespmem:v11+s17+$0x0], $0xffff;
	_ =	sdelay $0x3  }
0xaf: {  	v36 =	vadd.s32 $0x80, v9;
	vm13 =	vlt.u32 v9, $0x781;
	vm12 =	vle.f32 v10, v7  }
0xb0: {  	vm15 =	vlt.u32 v8, $0x781;
	vm14 =	vle.f32 v11, v6;
	vm0 =	vmand vm12, vm13  }
0xb1: {  	v37 =	vadd.s32 $0x80, v8;
	vm4 =	vmand vm14, vm15;
	v9 =	vsel vm0, v36, v9  }
0xb2: {  	v8 =	vsel vm4, v37, v8;
	v38 =	vmin.u32 v9, $0x7C0  }
0xb3: {  	v39 =	vmin.u32 v8, $0x7C0;
	v10 =	vadd.s32 $0x3F, v38  }
0xb4: {  	v11 =	vadd.s32 $0x3F, v39;
	_ =	sdelay $0x3  }
0xb5: {  	v10 =	vld.idx.msk [tilespmem:v10+s17+$0x0], $0xffff  }
0xb6: {  	v11 =	vld.idx.msk [tilespmem:v11+s17+$0x0], $0xffff;
	_ =	sdelay $0x3  }
0xb7: {  	v40 =	vadd.s32 $0x40, v9;
	vm6 =	vlt.u32 v9, $0x7C1;
	vm5 =	vle.f32 v10, v7  }
0xb8: {  	vm8 =	vlt.u32 v8, $0x7C1;
	vm7 =	vle.f32 v11, v6;
	vm0 =	vmand vm5, vm6  }
0xb9: {  	v41 =	vadd.s32 $0x40, v8;
	vm9 =	vmand vm7, vm8;
	v9 =	vsel vm0, v40, v9  }
0xba: {  	v8 =	vsel vm9, v41, v8;
	v42 =	vmin.u32 v9, $0x7E0  }
0xbb: {  	v43 =	vmin.u32 v8, $0x7E0;
	v10 =	vadd.s32 $0x1F, v42  }
0xbc: {  	v11 =	vadd.s32 $0x1F, v43;
	_ =	sdelay $0x3  }
0xbd: {  	v10 =	vld.idx.msk [tilespmem:v10+s17+$0x0], $0xffff  }
0xbe: {  	v11 =	vld.idx.msk [tilespmem:v11+s17+$0x0], $0xffff;
	_ =	sdelay $0x3  }
0xbf: {  	v44 =	vadd.s32 $0x20, v9;
	vm11 =	vlt.u32 v9, $0x7E1;
	vm10 =	vle.f32 v10, v7  }
0xc0: {  	vm13 =	vlt.u32 v8, $0x7E1;
	vm12 =	vle.f32 v11, v6;
	vm0 =	vmand vm10, vm11  }
0xc1: {  	v45 =	vadd.s32 $0x20, v8;
	vm14 =	vmand vm12, vm13;
	v9 =	vsel vm0, v44, v9  }
0xc2: {  	v8 =	vsel vm14, v45, v8;
	v46 =	vmin.u32 v9, $0x7F0  }
0xc3: {  	v47 =	vmin.u32 v8, $0x7F0;
	v10 =	vadd.s32 $0xF, v46  }
0xc4: {  	v11 =	vadd.s32 $0xF, v47;
	_ =	sdelay $0x3  }
0xc5: {  	v10 =	vld.idx.msk [tilespmem:v10+s17+$0x0], $0xffff  }
0xc6: {  	v11 =	vld.idx.msk [tilespmem:v11+s17+$0x0], $0xffff;
	_ =	sdelay $0x3  }
0xc7: {  	v48 =	vadd.s32 $0x10, v9;
	vm4 =	vlt.u32 v9, $0x7F1;
	vm15 =	vle.f32 v10, v7  }
0xc8: {  	vm6 =	vlt.u32 v8, $0x7F1;
	vm5 =	vle.f32 v11, v6;
	vm0 =	vmand vm15, vm4  }
0xc9: {  	v49 =	vadd.s32 $0x10, v8;
	vm7 =	vmand vm5, vm6;
	v9 =	vsel vm0, v48, v9  }
0xca: {  	v8 =	vsel vm7, v49, v8;
	v50 =	vmin.u32 v9, $0x7F8  }
0xcb: {  	v51 =	vmin.u32 v8, $0x7F8;
	v10 =	vadd.s32 $0x7, v50  }
0xcc: {  	v11 =	vadd.s32 $0x7, v51;
	_ =	sdelay $0x3  }
0xcd: {  	v10 =	vld.idx.msk [tilespmem:v10+s17+$0x0], $0xffff  }
0xce: {  	v11 =	vld.idx.msk [tilespmem:v11+s17+$0x0], $0xffff;
	_ =	sdelay $0x3  }
0xcf: {  	v52 =	vadd.s32 $0x8, v9;
	vm9 =	vlt.u32 v9, $0x7F9;
	vm8 =	vle.f32 v10, v7  }
0xd0: {  	vm11 =	vlt.u32 v8, $0x7F9;
	vm10 =	vle.f32 v11, v6;
	vm0 =	vmand vm8, vm9  }
0xd1: {  	v53 =	vadd.s32 $0x8, v8;
	vm12 =	vmand vm10, vm11;
	v9 =	vsel vm0, v52, v9  }
0xd2: {  	v8 =	vsel vm12, v53, v8;
	v54 =	vmin.u32 v9, $0x7FC  }
0xd3: {  	v55 =	vmin.u32 v8, $0x7FC;
	v10 =	vadd.s32 $0x3, v54  }
0xd4: {  	v11 =	vadd.s32 $0x3, v55;
	_ =	sdelay $0x3  }
0xd5: {  	v10 =	vld.idx.msk [tilespmem:v10+s17+$0x0], $0xffff  }
0xd6: {  	v11 =	vld.idx.msk [tilespmem:v11+s17+$0x0], $0xffff;
	_ =	sdelay $0x3  }
0xd7: {  	v56 =	vadd.s32 $0x4, v9;
	vm14 =	vlt.u32 v9, $0x7FD;
	vm13 =	vle.f32 v10, v7  }
0xd8: {  	vm4 =	vlt.u32 v8, $0x7FD;
	vm15 =	vle.f32 v11, v6;
	vm0 =	vmand vm13, vm14  }
0xd9: {  	v57 =	vadd.s32 $0x4, v8;
	vm5 =	vmand vm15, vm4;
	v9 =	vsel vm0, v56, v9  }
0xda: {  	v8 =	vsel vm5, v57, v8;
	v58 =	vmin.u32 v9, $0x7FE  }
0xdb: {  	v59 =	vmin.u32 v8, $0x7FE;
	v10 =	vadd.s32 $0x1, v58  }
0xdc: {  	v11 =	vadd.s32 $0x1, v59;
	_ =	sdelay $0x3  }
0xdd: {  	v10 =	vld.idx.msk [tilespmem:v10+s17+$0x0], $0xffff  }
0xde: {  	v11 =	vld.idx.msk [tilespmem:v11+s17+$0x0], $0xffff;
	_ =	sdelay $0x3  }
0xdf: {  	v60 =	vadd.s32 $0x2, v9;
	vm7 =	vlt.u32 v9, $0x7FF;
	vm6 =	vle.f32 v10, v7  }
0xe0: {  	vm9 =	vlt.u32 v8, $0x7FF;
	vm8 =	vle.f32 v11, v6;
	vm0 =	vmand vm6, vm7  }
0xe1: {  	v61 =	vadd.s32 $0x2, v8;
	vm10 =	vmand vm8, vm9;
	v9 =	vsel vm0, v60, v9  }
0xe2: {  	v8 =	vsel vm10, v61, v8;
	v62 =	vmin.u32 v9, $0x7FF  }
0xe3: {  	v63 =	vmin.u32 v8, $0x7FF;
	_ =	sdelay $0x3  }
0xe4: {  	v10 =	vld.idx.msk [tilespmem:v62+s17+$0x0], $0xffff  }
0xe5: {  	v11 =	vld.idx.msk [tilespmem:v63+s17+$0x0], $0xffff;
	_ =	sdelay $0x3  }
0xe6: {  	vm12 =	vlt.u32 v9, $0x800;
	vm11 =	vle.f32 v10, v7  }
0xe7: {  	vm14 =	vlt.u32 v8, $0x800;
	vm13 =	vle.f32 v11, v6;
	vm0 =	vmand vm11, vm12  }
0xe8: {  	vm15 =	vmand vm13, vm14;
	v6 =	vsel vm0, $0x1, v2  }
0xe9: {  	v7 =	vsel vm15, $0x1, v2;
	v6 =	vadd.s32 v6, v9  }
0xea: {  	p0 =	sne.s32 s10, $0x180;
	v7 =	vadd.s32 v7, v8;
	[tilespmem:s21+$0xC80] =	vst v6  }
.Ltmp1:
0xeb: {  	[tilespmem:s21+$0xC90] =	vst v7;
	v6 =	vor.u32 s19, v0;
	(pc) =	sbr.rel @p0 .LBB2_4-.Ltmp1, $4  }
0xec: {  	[tilespmem:s21+$0xE80] =	vst v6;
	v6 =	vor.u32 s19, v3  }
0xed: {  	[tilespmem:s21+$0xE90] =	vst v6;
	v6 =	vor.u32 s19, v4  }
0xee: {  	[tilespmem:s21+$0x1080] =	vst v6;
	v6 =	vor.u32 s19, v5  }
0xef: {  	s10 =	sadd.s32 $0x80, s10;
	s19 =	sadd.s32 $0x40, s19;
	[tilespmem:s21+$0x1090] =	vst v6  }
0xf0: {  	s10 =	simm.s32 $0xC80  }
0xf1: {  	[tilespmem:s22], [sflag:$0x2] =	stream.indirect.gather [hbm4b:s6+s18], $0x40, s10, s18, $0xb8;
	[tilespmem:$0x11200] =	vst v63  }
0xf2: {  	s19 =	smov.u32 s12;
	s10 =	simm.s32 $0x0  }
.LBB2_6:
0xf3: {  	s21 =	sshra.s32 s10, $0x2;
	v8 =	vld.idx.msk [tilespmem:v1+s17+$0x0], $0xffff  }
0xf4: {  	v7 =	vld [tilespmem:s21+$0x300]  }
0xf5: {  	v6 =	vld [tilespmem:s21+$0x310];
	_ =	sdelay $0x3  }
0xf6: {  	vm0 =	vle.f32 v8, v7  }
0xf7: {  	vm10 =	vle.f32 v8, v6;
	v9 =	vsel vm0, $0x800, v2  }
0xf8: {  	v8 =	vsel vm10, $0x800, v2;
	v10 =	vor.u32 $0x3FF, v9  }
0xf9: {  	v11 =	vor.u32 $0x3FF, v8;
	v10 =	vmin.u32 v10, $0x7FF  }
0xfa: {  	v11 =	vmin.u32 v11, $0x7FF;
	_ =	sdelay $0x3  }
0xfb: {  	v10 =	vld.idx.msk [tilespmem:v10+s17+$0x0], $0xffff  }
0xfc: {  	v11 =	vld.idx.msk [tilespmem:v11+s17+$0x0], $0xffff;
	_ =	sdelay $0x2  }
0xfd: {  	v12 =	vor.u32 $0x400, v9  }
0xfe: {  	v27 =	vor.u32 $0x400, v8;
	vm1 =	vlt.u32 v12, $0x801;
	vm11 =	vle.f32 v10, v7  }
0xff: {  	vm2 =	vlt.u32 v27, $0x801;
	vm12 =	vle.f32 v11, v6;
	vm0 =	vmand vm11, vm1  }
0x100: {  	vm13 =	vmand vm12, vm2;
	v9 =	vsel vm0, v12, v9  }
0x101: {  	v8 =	vsel vm13, v27, v8;
	v28 =	vor.u32 $0x1FF, v9  }
0x102: {  	v29 =	vor.u32 $0x1FF, v8;
	v10 =	vmin.u32 v28, $0x7FF  }
0x103: {  	v11 =	vmin.u32 v29, $0x7FF;
	_ =	sdelay $0x3  }
0x104: {  	v10 =	vld.idx.msk [tilespmem:v10+s17+$0x0], $0xffff  }
0x105: {  	v11 =	vld.idx.msk [tilespmem:v11+s17+$0x0], $0xffff;
	_ =	sdelay $0x2  }
0x106: {  	v12 =	vor.u32 $0x200, v9  }
0x107: {  	v30 =	vor.u32 $0x200, v8;
	vm15 =	vlt.u32 v12, $0x801;
	vm14 =	vle.f32 v10, v7  }
0x108: {  	vm5 =	vlt.u32 v30, $0x801;
	vm4 =	vle.f32 v11, v6;
	vm0 =	vmand vm14, vm15  }
0x109: {  	vm6 =	vmand vm4, vm5;
	v9 =	vsel vm0, v12, v9  }
0x10a: {  	v8 =	vsel vm6, v30, v8;
	v31 =	vor.u32 $0xFF, v9  }
0x10b: {  	v32 =	vor.u32 $0xFF, v8;
	v10 =	vmin.u32 v31, $0x7FF  }
0x10c: {  	v11 =	vmin.u32 v32, $0x7FF;
	_ =	sdelay $0x3  }
0x10d: {  	v10 =	vld.idx.msk [tilespmem:v10+s17+$0x0], $0xffff  }
0x10e: {  	v11 =	vld.idx.msk [tilespmem:v11+s17+$0x0], $0xffff;
	_ =	sdelay $0x2  }
0x10f: {  	v12 =	vor.u32 $0x100, v9  }
0x110: {  	v33 =	vor.u32 $0x100, v8;
	vm8 =	vlt.u32 v12, $0x801;
	vm7 =	vle.f32 v10, v7  }
0x111: {  	vm10 =	vlt.u32 v33, $0x801;
	vm9 =	vle.f32 v11, v6;
	vm0 =	vmand vm7, vm8  }
0x112: {  	vm11 =	vmand vm9, vm10;
	v9 =	vsel vm0, v12, v9  }
0x113: {  	v8 =	vsel vm11, v33, v8;
	v34 =	vmin.u32 v9, $0x780  }
0x114: {  	v35 =	vmin.u32 v8, $0x780;
	v10 =	vadd.s32 $0x7F, v34  }
0x115: {  	v11 =	vadd.s32 $0x7F, v35;
	_ =	sdelay $0x3  }
0x116: {  	v10 =	vld.idx.msk [tilespmem:v10+s17+$0x0], $0xffff  }
0x117: {  	v11 =	vld.idx.msk [tilespmem:v11+s17+$0x0], $0xffff;
	_ =	sdelay $0x3  }
0x118: {  	v36 =	vadd.s32 $0x80, v9;
	vm13 =	vlt.u32 v9, $0x781;
	vm12 =	vle.f32 v10, v7  }
0x119: {  	vm15 =	vlt.u32 v8, $0x781;
	vm14 =	vle.f32 v11, v6;
	vm0 =	vmand vm12, vm13  }
0x11a: {  	v37 =	vadd.s32 $0x80, v8;
	vm4 =	vmand vm14, vm15;
	v9 =	vsel vm0, v36, v9  }
0x11b: {  	v8 =	vsel vm4, v37, v8;
	v38 =	vmin.u32 v9, $0x7C0  }
0x11c: {  	v39 =	vmin.u32 v8, $0x7C0;
	v10 =	vadd.s32 $0x3F, v38  }
0x11d: {  	v11 =	vadd.s32 $0x3F, v39;
	_ =	sdelay $0x3  }
0x11e: {  	v10 =	vld.idx.msk [tilespmem:v10+s17+$0x0], $0xffff  }
0x11f: {  	v11 =	vld.idx.msk [tilespmem:v11+s17+$0x0], $0xffff;
	_ =	sdelay $0x3  }
0x120: {  	v40 =	vadd.s32 $0x40, v9;
	vm6 =	vlt.u32 v9, $0x7C1;
	vm5 =	vle.f32 v10, v7  }
0x121: {  	vm8 =	vlt.u32 v8, $0x7C1;
	vm7 =	vle.f32 v11, v6;
	vm0 =	vmand vm5, vm6  }
0x122: {  	v41 =	vadd.s32 $0x40, v8;
	vm9 =	vmand vm7, vm8;
	v9 =	vsel vm0, v40, v9  }
0x123: {  	v8 =	vsel vm9, v41, v8;
	v42 =	vmin.u32 v9, $0x7E0  }
0x124: {  	v43 =	vmin.u32 v8, $0x7E0;
	v10 =	vadd.s32 $0x1F, v42  }
0x125: {  	v11 =	vadd.s32 $0x1F, v43;
	_ =	sdelay $0x3  }
0x126: {  	v10 =	vld.idx.msk [tilespmem:v10+s17+$0x0], $0xffff  }
0x127: {  	v11 =	vld.idx.msk [tilespmem:v11+s17+$0x0], $0xffff;
	_ =	sdelay $0x3  }
0x128: {  	v44 =	vadd.s32 $0x20, v9;
	vm11 =	vlt.u32 v9, $0x7E1;
	vm10 =	vle.f32 v10, v7  }
0x129: {  	vm13 =	vlt.u32 v8, $0x7E1;
	vm12 =	vle.f32 v11, v6;
	vm0 =	vmand vm10, vm11  }
0x12a: {  	v45 =	vadd.s32 $0x20, v8;
	vm14 =	vmand vm12, vm13;
	v9 =	vsel vm0, v44, v9  }
0x12b: {  	v8 =	vsel vm14, v45, v8;
	v46 =	vmin.u32 v9, $0x7F0  }
0x12c: {  	v47 =	vmin.u32 v8, $0x7F0;
	v10 =	vadd.s32 $0xF, v46  }
0x12d: {  	v11 =	vadd.s32 $0xF, v47;
	_ =	sdelay $0x3  }
0x12e: {  	v10 =	vld.idx.msk [tilespmem:v10+s17+$0x0], $0xffff  }
0x12f: {  	v11 =	vld.idx.msk [tilespmem:v11+s17+$0x0], $0xffff;
	_ =	sdelay $0x3  }
0x130: {  	v48 =	vadd.s32 $0x10, v9;
	vm4 =	vlt.u32 v9, $0x7F1;
	vm15 =	vle.f32 v10, v7  }
0x131: {  	vm6 =	vlt.u32 v8, $0x7F1;
	vm5 =	vle.f32 v11, v6;
	vm0 =	vmand vm15, vm4  }
0x132: {  	v49 =	vadd.s32 $0x10, v8;
	vm7 =	vmand vm5, vm6;
	v9 =	vsel vm0, v48, v9  }
0x133: {  	v8 =	vsel vm7, v49, v8;
	v50 =	vmin.u32 v9, $0x7F8  }
0x134: {  	v51 =	vmin.u32 v8, $0x7F8;
	v10 =	vadd.s32 $0x7, v50  }
0x135: {  	v11 =	vadd.s32 $0x7, v51;
	_ =	sdelay $0x3  }
0x136: {  	v10 =	vld.idx.msk [tilespmem:v10+s17+$0x0], $0xffff  }
0x137: {  	v11 =	vld.idx.msk [tilespmem:v11+s17+$0x0], $0xffff;
	_ =	sdelay $0x3  }
0x138: {  	v52 =	vadd.s32 $0x8, v9;
	vm9 =	vlt.u32 v9, $0x7F9;
	vm8 =	vle.f32 v10, v7  }
0x139: {  	vm11 =	vlt.u32 v8, $0x7F9;
	vm10 =	vle.f32 v11, v6;
	vm0 =	vmand vm8, vm9  }
0x13a: {  	v53 =	vadd.s32 $0x8, v8;
	vm12 =	vmand vm10, vm11;
	v9 =	vsel vm0, v52, v9  }
0x13b: {  	v8 =	vsel vm12, v53, v8;
	v54 =	vmin.u32 v9, $0x7FC  }
0x13c: {  	v55 =	vmin.u32 v8, $0x7FC;
	v10 =	vadd.s32 $0x3, v54  }
0x13d: {  	v11 =	vadd.s32 $0x3, v55;
	_ =	sdelay $0x3  }
0x13e: {  	v10 =	vld.idx.msk [tilespmem:v10+s17+$0x0], $0xffff  }
0x13f: {  	v11 =	vld.idx.msk [tilespmem:v11+s17+$0x0], $0xffff;
	_ =	sdelay $0x3  }
0x140: {  	v56 =	vadd.s32 $0x4, v9;
	vm14 =	vlt.u32 v9, $0x7FD;
	vm13 =	vle.f32 v10, v7  }
0x141: {  	vm4 =	vlt.u32 v8, $0x7FD;
	vm15 =	vle.f32 v11, v6;
	vm0 =	vmand vm13, vm14  }
0x142: {  	v57 =	vadd.s32 $0x4, v8;
	vm5 =	vmand vm15, vm4;
	v9 =	vsel vm0, v56, v9  }
0x143: {  	v8 =	vsel vm5, v57, v8;
	v58 =	vmin.u32 v9, $0x7FE  }
0x144: {  	v59 =	vmin.u32 v8, $0x7FE;
	v10 =	vadd.s32 $0x1, v58  }
0x145: {  	v11 =	vadd.s32 $0x1, v59;
	_ =	sdelay $0x3  }
0x146: {  	v10 =	vld.idx.msk [tilespmem:v10+s17+$0x0], $0xffff  }
0x147: {  	v11 =	vld.idx.msk [tilespmem:v11+s17+$0x0], $0xffff;
	_ =	sdelay $0x3  }
0x148: {  	v60 =	vadd.s32 $0x2, v9;
	vm7 =	vlt.u32 v9, $0x7FF;
	vm6 =	vle.f32 v10, v7  }
0x149: {  	vm9 =	vlt.u32 v8, $0x7FF;
	vm8 =	vle.f32 v11, v6;
	vm0 =	vmand vm6, vm7  }
0x14a: {  	v61 =	vadd.s32 $0x2, v8;
	vm10 =	vmand vm8, vm9;
	v9 =	vsel vm0, v60, v9  }
0x14b: {  	v8 =	vsel vm10, v61, v8;
	v62 =	vmin.u32 v9, $0x7FF  }
0x14c: {  	v63 =	vmin.u32 v8, $0x7FF;
	_ =	sdelay $0x3  }
0x14d: {  	v10 =	vld.idx.msk [tilespmem:v62+s17+$0x0], $0xffff  }
0x14e: {  	v11 =	vld.idx.msk [tilespmem:v63+s17+$0x0], $0xffff;
	_ =	sdelay $0x3  }
0x14f: {  	vm12 =	vlt.u32 v9, $0x800;
	vm11 =	vle.f32 v10, v7  }
0x150: {  	vm14 =	vlt.u32 v8, $0x800;
	vm13 =	vle.f32 v11, v6;
	vm0 =	vmand vm11, vm12  }
0x151: {  	vm15 =	vmand vm13, vm14;
	v6 =	vsel vm0, $0x1, v2  }
0x152: {  	v7 =	vsel vm15, $0x1, v2;
	v6 =	vadd.s32 v6, v9  }
0x153: {  	p0 =	sne.s32 s10, $0x180;
	v7 =	vadd.s32 v7, v8;
	[tilespmem:s21+$0xD00] =	vst v6  }
.Ltmp2:
0x154: {  	[tilespmem:s21+$0xD10] =	vst v7;
	v6 =	vor.u32 s19, v0;
	(pc) =	sbr.rel @p0 .LBB2_6-.Ltmp2, $4  }
0x155: {  	[tilespmem:s21+$0xF00] =	vst v6;
	v6 =	vor.u32 s19, v3  }
0x156: {  	[tilespmem:s21+$0xF10] =	vst v6;
	v6 =	vor.u32 s19, v4  }
0x157: {  	[tilespmem:s21+$0x1100] =	vst v6;
	v6 =	vor.u32 s19, v5  }
0x158: {  	s10 =	sadd.s32 $0x80, s10;
	s19 =	sadd.s32 $0x40, s19;
	[tilespmem:s21+$0x1110] =	vst v6  }
0x159: {  	[tilespmem:s24], [sflag:$0x2] =	stream.indirect.gather [hbm4b:s6+s18], $0x40, s23, s18, $0xb8;
	[tilespmem:$0x11200] =	vst v63  }
0x15a: {  	s10 =	simm.s32 $0x0;
	s19 =	smov.u32 s13  }
.LBB2_8:
0x15b: {  	s21 =	sshra.s32 s10, $0x2;
	v8 =	vld.idx.msk [tilespmem:v1+s17+$0x0], $0xffff  }
0x15c: {  	v7 =	vld [tilespmem:s21+$0x380]  }
0x15d: {  	v6 =	vld [tilespmem:s21+$0x390];
	_ =	sdelay $0x3  }
0x15e: {  	vm0 =	vle.f32 v8, v7  }
0x15f: {  	vm10 =	vle.f32 v8, v6;
	v9 =	vsel vm0, $0x800, v2  }
0x160: {  	v8 =	vsel vm10, $0x800, v2;
	v10 =	vor.u32 $0x3FF, v9  }
0x161: {  	v11 =	vor.u32 $0x3FF, v8;
	v10 =	vmin.u32 v10, $0x7FF  }
0x162: {  	v11 =	vmin.u32 v11, $0x7FF;
	_ =	sdelay $0x3  }
0x163: {  	v10 =	vld.idx.msk [tilespmem:v10+s17+$0x0], $0xffff  }
0x164: {  	v11 =	vld.idx.msk [tilespmem:v11+s17+$0x0], $0xffff;
	_ =	sdelay $0x2  }
0x165: {  	v12 =	vor.u32 $0x400, v9  }
0x166: {  	v27 =	vor.u32 $0x400, v8;
	vm1 =	vlt.u32 v12, $0x801;
	vm11 =	vle.f32 v10, v7  }
0x167: {  	vm2 =	vlt.u32 v27, $0x801;
	vm12 =	vle.f32 v11, v6;
	vm0 =	vmand vm11, vm1  }
0x168: {  	vm13 =	vmand vm12, vm2;
	v9 =	vsel vm0, v12, v9  }
0x169: {  	v8 =	vsel vm13, v27, v8;
	v28 =	vor.u32 $0x1FF, v9  }
0x16a: {  	v29 =	vor.u32 $0x1FF, v8;
	v10 =	vmin.u32 v28, $0x7FF  }
0x16b: {  	v11 =	vmin.u32 v29, $0x7FF;
	_ =	sdelay $0x3  }
0x16c: {  	v10 =	vld.idx.msk [tilespmem:v10+s17+$0x0], $0xffff  }
0x16d: {  	v11 =	vld.idx.msk [tilespmem:v11+s17+$0x0], $0xffff;
	_ =	sdelay $0x2  }
0x16e: {  	v12 =	vor.u32 $0x200, v9  }
0x16f: {  	v30 =	vor.u32 $0x200, v8;
	vm15 =	vlt.u32 v12, $0x801;
	vm14 =	vle.f32 v10, v7  }
0x170: {  	vm5 =	vlt.u32 v30, $0x801;
	vm4 =	vle.f32 v11, v6;
	vm0 =	vmand vm14, vm15  }
0x171: {  	vm6 =	vmand vm4, vm5;
	v9 =	vsel vm0, v12, v9  }
0x172: {  	v8 =	vsel vm6, v30, v8;
	v31 =	vor.u32 $0xFF, v9  }
0x173: {  	v32 =	vor.u32 $0xFF, v8;
	v10 =	vmin.u32 v31, $0x7FF  }
0x174: {  	v11 =	vmin.u32 v32, $0x7FF;
	_ =	sdelay $0x3  }
0x175: {  	v10 =	vld.idx.msk [tilespmem:v10+s17+$0x0], $0xffff  }
0x176: {  	v11 =	vld.idx.msk [tilespmem:v11+s17+$0x0], $0xffff;
	_ =	sdelay $0x2  }
0x177: {  	v12 =	vor.u32 $0x100, v9  }
0x178: {  	v33 =	vor.u32 $0x100, v8;
	vm8 =	vlt.u32 v12, $0x801;
	vm7 =	vle.f32 v10, v7  }
0x179: {  	vm10 =	vlt.u32 v33, $0x801;
	vm9 =	vle.f32 v11, v6;
	vm0 =	vmand vm7, vm8  }
0x17a: {  	vm11 =	vmand vm9, vm10;
	v9 =	vsel vm0, v12, v9  }
0x17b: {  	v8 =	vsel vm11, v33, v8;
	v34 =	vmin.u32 v9, $0x780  }
0x17c: {  	v35 =	vmin.u32 v8, $0x780;
	v10 =	vadd.s32 $0x7F, v34  }
0x17d: {  	v11 =	vadd.s32 $0x7F, v35;
	_ =	sdelay $0x3  }
0x17e: {  	v10 =	vld.idx.msk [tilespmem:v10+s17+$0x0], $0xffff  }
0x17f: {  	v11 =	vld.idx.msk [tilespmem:v11+s17+$0x0], $0xffff;
	_ =	sdelay $0x3  }
0x180: {  	v36 =	vadd.s32 $0x80, v9;
	vm13 =	vlt.u32 v9, $0x781;
	vm12 =	vle.f32 v10, v7  }
0x181: {  	vm15 =	vlt.u32 v8, $0x781;
	vm14 =	vle.f32 v11, v6;
	vm0 =	vmand vm12, vm13  }
0x182: {  	v37 =	vadd.s32 $0x80, v8;
	vm4 =	vmand vm14, vm15;
	v9 =	vsel vm0, v36, v9  }
0x183: {  	v8 =	vsel vm4, v37, v8;
	v38 =	vmin.u32 v9, $0x7C0  }
0x184: {  	v39 =	vmin.u32 v8, $0x7C0;
	v10 =	vadd.s32 $0x3F, v38  }
0x185: {  	v11 =	vadd.s32 $0x3F, v39;
	_ =	sdelay $0x3  }
0x186: {  	v10 =	vld.idx.msk [tilespmem:v10+s17+$0x0], $0xffff  }
0x187: {  	v11 =	vld.idx.msk [tilespmem:v11+s17+$0x0], $0xffff;
	_ =	sdelay $0x3  }
0x188: {  	v40 =	vadd.s32 $0x40, v9;
	vm6 =	vlt.u32 v9, $0x7C1;
	vm5 =	vle.f32 v10, v7  }
0x189: {  	vm8 =	vlt.u32 v8, $0x7C1;
	vm7 =	vle.f32 v11, v6;
	vm0 =	vmand vm5, vm6  }
0x18a: {  	v41 =	vadd.s32 $0x40, v8;
	vm9 =	vmand vm7, vm8;
	v9 =	vsel vm0, v40, v9  }
0x18b: {  	v8 =	vsel vm9, v41, v8;
	v42 =	vmin.u32 v9, $0x7E0  }
0x18c: {  	v43 =	vmin.u32 v8, $0x7E0;
	v10 =	vadd.s32 $0x1F, v42  }
0x18d: {  	v11 =	vadd.s32 $0x1F, v43;
	_ =	sdelay $0x3  }
0x18e: {  	v10 =	vld.idx.msk [tilespmem:v10+s17+$0x0], $0xffff  }
0x18f: {  	v11 =	vld.idx.msk [tilespmem:v11+s17+$0x0], $0xffff;
	_ =	sdelay $0x3  }
0x190: {  	v44 =	vadd.s32 $0x20, v9;
	vm11 =	vlt.u32 v9, $0x7E1;
	vm10 =	vle.f32 v10, v7  }
0x191: {  	vm13 =	vlt.u32 v8, $0x7E1;
	vm12 =	vle.f32 v11, v6;
	vm0 =	vmand vm10, vm11  }
0x192: {  	v45 =	vadd.s32 $0x20, v8;
	vm14 =	vmand vm12, vm13;
	v9 =	vsel vm0, v44, v9  }
0x193: {  	v8 =	vsel vm14, v45, v8;
	v46 =	vmin.u32 v9, $0x7F0  }
0x194: {  	v47 =	vmin.u32 v8, $0x7F0;
	v10 =	vadd.s32 $0xF, v46  }
0x195: {  	v11 =	vadd.s32 $0xF, v47;
	_ =	sdelay $0x3  }
0x196: {  	v10 =	vld.idx.msk [tilespmem:v10+s17+$0x0], $0xffff  }
0x197: {  	v11 =	vld.idx.msk [tilespmem:v11+s17+$0x0], $0xffff;
	_ =	sdelay $0x3  }
0x198: {  	v48 =	vadd.s32 $0x10, v9;
	vm4 =	vlt.u32 v9, $0x7F1;
	vm15 =	vle.f32 v10, v7  }
0x199: {  	vm6 =	vlt.u32 v8, $0x7F1;
	vm5 =	vle.f32 v11, v6;
	vm0 =	vmand vm15, vm4  }
0x19a: {  	v49 =	vadd.s32 $0x10, v8;
	vm7 =	vmand vm5, vm6;
	v9 =	vsel vm0, v48, v9  }
0x19b: {  	v8 =	vsel vm7, v49, v8;
	v50 =	vmin.u32 v9, $0x7F8  }
0x19c: {  	v51 =	vmin.u32 v8, $0x7F8;
	v10 =	vadd.s32 $0x7, v50  }
0x19d: {  	v11 =	vadd.s32 $0x7, v51;
	_ =	sdelay $0x3  }
0x19e: {  	v10 =	vld.idx.msk [tilespmem:v10+s17+$0x0], $0xffff  }
0x19f: {  	v11 =	vld.idx.msk [tilespmem:v11+s17+$0x0], $0xffff;
	_ =	sdelay $0x3  }
0x1a0: {  	v52 =	vadd.s32 $0x8, v9;
	vm9 =	vlt.u32 v9, $0x7F9;
	vm8 =	vle.f32 v10, v7  }
0x1a1: {  	vm11 =	vlt.u32 v8, $0x7F9;
	vm10 =	vle.f32 v11, v6;
	vm0 =	vmand vm8, vm9  }
0x1a2: {  	v53 =	vadd.s32 $0x8, v8;
	vm12 =	vmand vm10, vm11;
	v9 =	vsel vm0, v52, v9  }
0x1a3: {  	v8 =	vsel vm12, v53, v8;
	v54 =	vmin.u32 v9, $0x7FC  }
0x1a4: {  	v55 =	vmin.u32 v8, $0x7FC;
	v10 =	vadd.s32 $0x3, v54  }
0x1a5: {  	v11 =	vadd.s32 $0x3, v55;
	_ =	sdelay $0x3  }
0x1a6: {  	v10 =	vld.idx.msk [tilespmem:v10+s17+$0x0], $0xffff  }
0x1a7: {  	v11 =	vld.idx.msk [tilespmem:v11+s17+$0x0], $0xffff;
	_ =	sdelay $0x3  }
0x1a8: {  	v56 =	vadd.s32 $0x4, v9;
	vm14 =	vlt.u32 v9, $0x7FD;
	vm13 =	vle.f32 v10, v7  }
0x1a9: {  	vm4 =	vlt.u32 v8, $0x7FD;
	vm15 =	vle.f32 v11, v6;
	vm0 =	vmand vm13, vm14  }
0x1aa: {  	v57 =	vadd.s32 $0x4, v8;
	vm5 =	vmand vm15, vm4;
	v9 =	vsel vm0, v56, v9  }
0x1ab: {  	v8 =	vsel vm5, v57, v8;
	v58 =	vmin.u32 v9, $0x7FE  }
0x1ac: {  	v59 =	vmin.u32 v8, $0x7FE;
	v10 =	vadd.s32 $0x1, v58  }
0x1ad: {  	v11 =	vadd.s32 $0x1, v59;
	_ =	sdelay $0x3  }
0x1ae: {  	v10 =	vld.idx.msk [tilespmem:v10+s17+$0x0], $0xffff  }
0x1af: {  	v11 =	vld.idx.msk [tilespmem:v11+s17+$0x0], $0xffff;
	_ =	sdelay $0x3  }
0x1b0: {  	v60 =	vadd.s32 $0x2, v9;
	vm7 =	vlt.u32 v9, $0x7FF;
	vm6 =	vle.f32 v10, v7  }
0x1b1: {  	vm9 =	vlt.u32 v8, $0x7FF;
	vm8 =	vle.f32 v11, v6;
	vm0 =	vmand vm6, vm7  }
0x1b2: {  	v61 =	vadd.s32 $0x2, v8;
	vm10 =	vmand vm8, vm9;
	v9 =	vsel vm0, v60, v9  }
0x1b3: {  	v8 =	vsel vm10, v61, v8;
	v62 =	vmin.u32 v9, $0x7FF  }
0x1b4: {  	v63 =	vmin.u32 v8, $0x7FF;
	_ =	sdelay $0x3  }
0x1b5: {  	v10 =	vld.idx.msk [tilespmem:v62+s17+$0x0], $0xffff  }
0x1b6: {  	v11 =	vld.idx.msk [tilespmem:v63+s17+$0x0], $0xffff;
	_ =	sdelay $0x3  }
0x1b7: {  	vm12 =	vlt.u32 v9, $0x800;
	vm11 =	vle.f32 v10, v7  }
0x1b8: {  	vm14 =	vlt.u32 v8, $0x800;
	vm13 =	vle.f32 v11, v6;
	vm0 =	vmand vm11, vm12  }
0x1b9: {  	vm15 =	vmand vm13, vm14;
	v6 =	vsel vm0, $0x1, v2  }
0x1ba: {  	v7 =	vsel vm15, $0x1, v2;
	v6 =	vadd.s32 v6, v9  }
0x1bb: {  	p0 =	sne.s32 s10, $0x180;
	v7 =	vadd.s32 v7, v8;
	[tilespmem:s21+$0xD80] =	vst v6  }
.Ltmp3:
0x1bc: {  	[tilespmem:s21+$0xD90] =	vst v7;
	v6 =	vor.u32 s19, v0;
	(pc) =	sbr.rel @p0 .LBB2_8-.Ltmp3, $4  }
0x1bd: {  	[tilespmem:s21+$0xF80] =	vst v6;
	v6 =	vor.u32 s19, v3  }
0x1be: {  	[tilespmem:s21+$0xF90] =	vst v6;
	v6 =	vor.u32 s19, v4  }
0x1bf: {  	[tilespmem:s21+$0x1180] =	vst v6;
	v6 =	vor.u32 s19, v5  }
0x1c0: {  	s10 =	sadd.s32 $0x80, s10;
	s19 =	sadd.s32 $0x40, s19;
	[tilespmem:s21+$0x1190] =	vst v6  }
0x1c1: {  	[tilespmem:s26], [sflag:$0x2] =	stream.indirect.gather [hbm4b:s6+s18], $0x40, s25, s18, $0xb8;
	[tilespmem:$0x11200] =	vst v63  }
0x1c2: {  	_ =	swait.ge [sflag:s28], $0x8000  }
0x1c3: {  	[sflag:s28] =	ssyncset.done $0x0  }
0x1c4: {  	[sflag:s28] =	ssyncadd.s32 $0xFFFF8000  }
0x1c5: {  	[hbm4b:s2+s15] =	stream.indirect.scatter [tilespmem:s16], [sflag:$0x3], $0x40, s29, s15, $0xb8;
	[tilespmem:$0x11200] =	vst v63  }
0x1c6: {  	_ =	swait.ge [sflag:s30], $0x2000  }
0x1c7: {  	[sflag:s30] =	ssyncset.done $0x0  }
0x1c8: {  	[sflag:s30] =	ssyncadd.s32 $0xFFFFE000  }
0x1c9: {  	_ =	swait.ge [sflag:s30], $0x2000  }
0x1ca: {  	[sflag:s30] =	ssyncset.done $0x0  }
0x1cb: {  	[sflag:s30] =	ssyncadd.s32 $0xFFFFE000  }
0x1cc: {  	_ =	swait.ge [sflag:s30], $0x2000  }
0x1cd: {  	[sflag:s30] =	ssyncset.done $0x0  }
0x1ce: {  	[sflag:s30] =	ssyncadd.s32 $0xFFFFE000  }
0x1cf: {  	_ =	swait.ge [sflag:s30], $0x2000  }
0x1d0: {  	[sflag:s30] =	ssyncset.done $0x0  }
0x1d1: {  	s3 =	sadd.s32 $0x1, s3;
	[sflag:s30] =	ssyncadd.s32 $0xFFFFE000  }
0x1d2: {  	[hbm4b:s2+s15] =	stream.indirect.scatter [tilespmem:s20], [sflag:$0x3], $0x40, s31, s15, $0xb8;
	[tilespmem:$0x11200] =	vst v63  }
0x1d3: {  	p0 =	sne.s32 s3, s9;
	_ =	swait.ge [sflag:s0], $0x8000  }
.Ltmp4:
0x1d4: {  	[sflag:s0] =	ssyncset.done $0x0;
	(pc) =	sbr.rel @p0 .LBB2_1-.Ltmp4, $4  }
0x1d5: {  	[sflag:s0] =	ssyncadd.s32 $0xFFFF8000  }
0x1d6: {  	_ =	swait.ge [sflag:s0], $0x8000  }
0x1d7: {  	[sflag:s0] =	ssyncset.done $0x0  }
0x1d8: {  	[sflag:s0] =	ssyncadd.s32 $0xFFFF8000  }
0x1d9: {  	_ =	sfence.sel $0x180000  }
0x1da: {  	[bflag:$0x0] =	sbarrier.arrive $0xFFFF  }
0x1db: {  	_ =	strace $0x90000047  }
0x1dc: {  	s0 =	stileid.u32;
	[bflag:$0x2] =	sbarrier.arrive $0xFFFF  }
0x1dd: {  	p0 =	sne.s32 s0, $0x0;
	s0 =	rddreg [dreg:$0x5]  }
0x1de: {  	s0 =	sadd.s32 @!p0 $0x100000, s0  }
0x1df: {  	[sflag:s0] =	ssyncadd.tile.s32 @!p0 $0x1;
	_ =	shalt  }
.Lfunc_end2:
_tile_overlayer_lowered:
.L_overlay_start_2:
0x1e0: {  	(tag) =	ssettag $0x2  }
0x1e1: {  	s0 =	rddreg [dreg:$0x0];
	s2 =	stileid.u32  }
0x1e2: {  	s1 =	rddreg [dreg:$0x1];
	p0 =	sne.s32 s2, $0x0  }
0x1e3: {  	s3 =	rddreg [dreg:$0x2];
	[bflag:$0x3] =	sbarrier.arrive $0xFFFF;
	s2 =	simm.s32 @!p0 $0x1C04  }
0x1e4: {  	[timem:s3], [sflag:s2] =	dma.local @!p0 [hbm:s0], s1  }
0x1e5: {  	s0 =	simm.s32 @!p0 $0x4  }
0x1e6: {  	_ =	swait.ge @!p0 [sflag:s0], s1  }
0x1e7: {  	s1 =	ssub.s32 @!p0 $0x0, s1;
	[sflag:s0] =	ssyncset.done @!p0 $0x0  }
0x1e8: {  	[sflag:s0] =	ssyncadd.s32 @!p0 s1  }
0x1e9: {  	[bflag:$0x3] =	sbarrier.arrive $0xFFFF  }
0x1ea: {  	_ =	shalt  }

</sc_bundles>
